<compile_context>
chip_gen: v7x
topology: tpu7x:2x2x1
jax: 0.10.2.dev20260603
libtpu: 0.0.44.dev20260713+nightly
codegen_flags: <defaults>
</compile_context>

<pallas_src>
import jax
import jax.numpy as jnp
from jax import lax
from jax.experimental import pallas as pl
from jax.experimental.pallas import tpu as pltpu
from jax.experimental.pallas import tpu_sc as plsc

BATCH = 1024
VOCAB = 100000
S = 128
L = 16
NC, NS = 2, 16
NW = NC * NS
RPW = BATCH // NW

CH = 128
NCHUNK = RPW * S // CH


def _acc_neg_logsigmoid(x, acc):
    u = jnp.exp(-jnp.abs(x))
    w = u / (u + 2.0)
    w2 = w * w
    poly = 1.0 + w2 * (0.33333334 + w2 * (0.2 + w2 * (0.14285715 + w2 * 0.11111111)))
    logsig = jnp.minimum(x, 0.0) - 2.0 * w * poly
    return acc - logsig


def _phys(col, bpart):
    return (
        lax.shift_left(lax.shift_right_logical(col, 3), 13)
        + lax.shift_left(col & 7, 7)
        + bpart
    )


def _sc_body(inp_hbm, tgt_hbm, smp_hbm, out_hbm,
             tgt_i, smp_si, tgt_s, smp_s, part_v, sem, tsem):
    c = lax.axis_index("c")
    s = lax.axis_index("s")
    wid = s * NC + c
    base = wid * RPW

    iota = lax.broadcasted_iota(jnp.int32, (L,), 0)
    row0 = base + iota
    row1 = base + L + iota
    bpart0 = lax.shift_left(lax.shift_right_logical(row0, 7), 10) + (row0 & 127)
    bpart1 = lax.shift_left(lax.shift_right_logical(row1, 7), 10) + (row1 & 127)

    pltpu.sync_copy(smp_hbm.at[wid], smp_si)

    pltpu.sync_copy(tgt_hbm.at[pl.ds(base, RPW)], tgt_i)
    tgt_i[pl.ds(0, L)] = _phys(tgt_i[pl.ds(0, L)], bpart0)
    tgt_i[pl.ds(L, L)] = _phys(tgt_i[pl.ds(L, L)], bpart1)
    cp_t = pltpu.async_copy(inp_hbm.at[tgt_i], tgt_s, tsem)

    def addoff(j, carry):
        smp_si[pl.ds(j * RPW, L)] = _phys(smp_si[pl.ds(j * RPW, L)], bpart0)
        smp_si[pl.ds(j * RPW + L, L)] = _phys(smp_si[pl.ds(j * RPW + L, L)], bpart1)
        return carry

    BLK = 4
    CPB = NCHUNK // BLK
    JPB = S // BLK
    cps = []
    for blk in range(BLK):
        lax.fori_loop(blk * JPB, (blk + 1) * JPB, addoff, 0)
        for k in range(CPB):
            g = blk * CPB + k
            cps.append(pltpu.async_copy(
                inp_hbm.at[smp_si.at[pl.ds(g * CH, CH)]],
                smp_s.at[pl.ds(g * CH, CH)], sem.at[blk]))
    cp_t.wait()

    t0 = tgt_s[pl.ds(0, L)]
    t1 = tgt_s[pl.ds(L, L)]

    def loss(j, acc):
        a0 = _acc_neg_logsigmoid(t0 - smp_s[pl.ds(j * RPW, L)], acc[0])
        a1 = _acc_neg_logsigmoid(t1 - smp_s[pl.ds(j * RPW + L, L)], acc[1])
        return (a0, a1)
    zero = jnp.zeros((L,), jnp.float32)
    acc = (zero, zero)
    for blk in range(BLK):
        for k in range(CPB):
            cps[blk * CPB + k].wait()
        acc = lax.fori_loop(blk * JPB, (blk + 1) * JPB, loss, acc)
    acc0, acc1 = acc

    part_v[...] = (acc0 + acc1) * (1.0 / (BATCH * S))
    pltpu.sync_copy(part_v, out_hbm.at[wid])


@jax.jit
def _bpr_loss_sc(inp_flat, tgt, smp_flat):
    mesh = plsc.VectorSubcoreMesh(core_axis_name="c", subcore_axis_name="s")
    f = pl.kernel(
        _sc_body,
        out_type=jax.ShapeDtypeStruct((NW, L), jnp.float32),
        mesh=mesh,
        scratch_types=[
            pltpu.VMEM((RPW,), jnp.int32),
            pltpu.VMEM((RPW * S,), jnp.int32),
            pltpu.VMEM((RPW,), jnp.float32),
            pltpu.VMEM((RPW * S,), jnp.float32),
            pltpu.VMEM((L,), jnp.float32),
            pltpu.SemaphoreType.DMA((4,)),
            pltpu.SemaphoreType.DMA,
        ],
    )
    return f(inp_flat, tgt, smp_flat)


def kernel(input, target, samples):
    flat = (
        jnp.swapaxes(input, 0, 1)
        .reshape(VOCAB // 8, 8, BATCH // 128, 128)
        .transpose(0, 2, 1, 3)
        .reshape(-1)
    )
    tgt = target.astype(jnp.int32)
    smp_t = (
        samples.astype(jnp.int32)
        .reshape(NW, RPW, S)
        .transpose(0, 2, 1)
        .reshape(NW, RPW * S)
    )
    partials = _bpr_loss_sc(flat, tgt, smp_t)
    return jnp.sum(partials)

# --- scband reference (transcript-rebuilt; emitter-appended) ---
"""Pipeline reference for scband-bprloss-32220844655292 (READ-ONLY COPY).

The authoritative reference and input builder live on the scoring server;
editing this copy changes nothing except your own understanding.
"""

import jax, jax.numpy as jnp
import numpy as np

BATCH = 1024
VOCAB = 100000
NUM_SAMPLES = 128


def setup_inputs(seed: int = 0) -> dict:
    key = jax.random.key(seed)
    k1, k2, k3 = jax.random.split(key, 3)
    input = jax.random.normal(k1, (BATCH, VOCAB), dtype=jnp.float32)
    target = jax.random.randint(k2, (BATCH,), 0, VOCAB, dtype=jnp.int64 if jax.config.jax_enable_x64 else jnp.int32)
    # sampler output: uniform negative samples, one row of NUM_SAMPLES per batch element
    samples = jax.random.randint(k3, (BATCH, NUM_SAMPLES), 0, VOCAB, dtype=target.dtype)
    return {"input": input, "target": target, "samples": samples}


def reference(input, target, samples):
    # target_scores = torch.gather(input, 1, target.unsqueeze(1))
    target_scores = jnp.take_along_axis(input, target[:, None], axis=1)  # [B, 1]
    # sample_scores = torch.gather(input, 1, samples)
    sample_scores = jnp.take_along_axis(input, samples, axis=1)  # [B, num_samples]
    # score_diff = F.logsigmoid(target_scores - sample_scores); broadcast [B,1]-[B,S]
    score_diff = jax.nn.log_sigmoid(target_scores - sample_scores)
    return -jnp.mean(score_diff)

if __name__ == "__main__":
    import jax
    _d = setup_inputs()
    print(jax.jit(kernel)(*tuple(_d.values())))

</pallas_src>

<mosaic_0001>
#map = affine_map<(d0, d1) -> (0)>
#map1 = affine_map<(d0, d1) -> (0, 0)>
module attributes {stable_mosaic.version = 14 : i64} {
  func.func @_sc_body(%arg0: i32, %arg1: i32, %arg2: memref<102400000xf32, #tpu.memory_space<hbm>>, %arg3: memref<1024xi32, #tpu.memory_space<hbm>>, %arg4: memref<32x4096xi32, #tpu.memory_space<hbm>>, %arg5: memref<32x16xf32, #tpu.memory_space<hbm>>, %arg6: memref<32xi32, #tpu.memory_space<vmem>>, %arg7: memref<4096xi32, #tpu.memory_space<vmem>>, %arg8: memref<32xf32, #tpu.memory_space<vmem>>, %arg9: memref<4096xf32, #tpu.memory_space<vmem>>, %arg10: memref<16xf32, #tpu.memory_space<vmem>>, %arg11: memref<4x!tpu.dma_semaphore, #tpu.memory_space<semaphore_mem>>, %arg12: memref<!tpu.dma_semaphore, #tpu.memory_space<semaphore_mem>>) attributes {dimension_semantics = [#tpu.dimension_semantics<core_parallel>, #tpu.dimension_semantics<subcore_parallel>], iteration_bounds = array<i64: 2, 16>, scalar_prefetch = 0 : i64, scratch_operands = 7 : i64, tpu.core_type = #tpu.core_type<sc_vector_subcore>, window_params = [{transform_indices = #map}, {transform_indices = #map}, {transform_indices = #map1}, {transform_indices = #map1}]} {
    %mul3A = arith.constant 2 : i32
    %mul3A_0 = arith.muli %arg1, %mul3A : i32
    %add3A = arith.addi %mul3A_0, %arg0 : i32
    %mul3A_1 = arith.constant 32 : i32
    %mul3A_2 = arith.muli %add3A, %mul3A_1 : i32
    %iota3A = tpu.iota {dimensions = array<i32: 0>} : vector<16xi32>
    %add3A_3 = vector.broadcast %mul3A_2 : i32 to vector<16xi32>
    %add3A_4 = arith.addi %add3A_3, %iota3A : vector<16xi32>
    %add3A_5 = arith.constant 16 : i32
    %add3A_6 = arith.addi %mul3A_2, %add3A_5 : i32
    %add3A_7 = vector.broadcast %add3A_6 : i32 to vector<16xi32>
    %add3A_8 = arith.addi %add3A_7, %iota3A : vector<16xi32>
    %shift_right_logical3A = arith.constant 7 : i32
    %shift_right_logical3A_9 = vector.broadcast %shift_right_logical3A : i32 to vector<16xi32>
    %shift_right_logical3A_10 = arith.shrui %add3A_4, %shift_right_logical3A_9 : vector<16xi32>
    %shift_left3A = arith.constant 10 : i32
    %shift_left3A_11 = vector.broadcast %shift_left3A : i32 to vector<16xi32>
    %shift_left3A_12 = arith.shli %shift_right_logical3A_10, %shift_left3A_11 : vector<16xi32>
    %and3A = arith.constant 127 : i32
    %and3A_13 = vector.broadcast %and3A : i32 to vector<16xi32>
    %and3A_14 = arith.andi %add3A_4, %and3A_13 : vector<16xi32>
    %add3A_15 = arith.addi %shift_left3A_12, %and3A_14 : vector<16xi32>
    %shift_right_logical3A_16 = arith.constant 7 : i32
    %shift_right_logical3A_17 = vector.broadcast %shift_right_logical3A_16 : i32 to vector<16xi32>
    %shift_right_logical3A_18 = arith.shrui %add3A_8, %shift_right_logical3A_17 : vector<16xi32>
    %shift_left3A_19 = arith.constant 10 : i32
    %shift_left3A_20 = vector.broadcast %shift_left3A_19 : i32 to vector<16xi32>
    %shift_left3A_21 = arith.shli %shift_right_logical3A_18, %shift_left3A_20 : vector<16xi32>
    %and3A_22 = arith.constant 127 : i32
    %and3A_23 = vector.broadcast %and3A_22 : i32 to vector<16xi32>
    %and3A_24 = arith.andi %add3A_8, %and3A_23 : vector<16xi32>
    %add3A_25 = arith.addi %shift_left3A_21, %and3A_24 : vector<16xi32>
    "tpu.region"() ({
      %run_scoped3A = tpu.sem_alloc : memref<!tpu.dma_semaphore, #tpu.memory_space<semaphore_mem>>
      %dma_start3A_706 = arith.constant 0 : i32
      %dma_start3A_707 = tpu.memref_slice %arg4[%add3A, %dma_start3A_706] : memref<32x4096xi32, #tpu.memory_space<hbm>> -> memref<1x4096xi32, #tpu.memory_space<hbm>>
      %dma_start3A_708 = tpu.memref_squeeze %dma_start3A_707 : memref<1x4096xi32, #tpu.memory_space<hbm>> -> memref<4096xi32, #tpu.memory_space<hbm>>
      %dma_start3A_709 = arith.constant 0 : i32
      %dma_start3A_710 = tpu.memref_slice %arg4[%add3A, %dma_start3A_709] : memref<32x4096xi32, #tpu.memory_space<hbm>> -> memref<1x4096xi32, #tpu.memory_space<hbm>>
      %dma_start3A_711 = tpu.memref_squeeze %dma_start3A_710 : memref<1x4096xi32, #tpu.memory_space<hbm>> -> memref<4096xi32, #tpu.memory_space<hbm>>
      tpu.enqueue_dma source(%dma_start3A_711 : memref<4096xi32, #tpu.memory_space<hbm>>) target(%arg7 : memref<4096xi32, #tpu.memory_space<vmem>>) target_semaphore(%run_scoped3A : memref<!tpu.dma_semaphore, #tpu.memory_space<semaphore_mem>>)
      %dma_wait3A_712 = arith.constant 0 : i32
      %dma_wait3A_713 = tpu.memref_slice %arg4[%add3A, %dma_wait3A_712] : memref<32x4096xi32, #tpu.memory_space<hbm>> -> memref<1x4096xi32, #tpu.memory_space<hbm>>
      %dma_wait3A_714 = tpu.memref_squeeze %dma_wait3A_713 : memref<1x4096xi32, #tpu.memory_space<hbm>> -> memref<4096xi32, #tpu.memory_space<hbm>>
      %dma_wait3A_715 = arith.constant 0 : i32
      %dma_wait3A_716 = tpu.memref_slice %arg4[%add3A, %dma_wait3A_715] : memref<32x4096xi32, #tpu.memory_space<hbm>> -> memref<1x4096xi32, #tpu.memory_space<hbm>>
      %dma_wait3A_717 = tpu.memref_squeeze %dma_wait3A_716 : memref<1x4096xi32, #tpu.memory_space<hbm>> -> memref<4096xi32, #tpu.memory_space<hbm>>
      tpu.wait_dma2 semaphore(%run_scoped3A : memref<!tpu.dma_semaphore, #tpu.memory_space<semaphore_mem>>) src(%dma_wait3A_717 : memref<4096xi32, #tpu.memory_space<hbm>>) dst(%arg7 : memref<4096xi32, #tpu.memory_space<vmem>>)
      tpu.yield
    }) : () -> ()
    "tpu.region"() ({
      %run_scoped3A = tpu.sem_alloc : memref<!tpu.dma_semaphore, #tpu.memory_space<semaphore_mem>>
      %dma_start3A_706 = tpu.memref_slice %arg3[%mul3A_2] : memref<1024xi32, #tpu.memory_space<hbm>> -> memref<32xi32, #tpu.memory_space<hbm>>
      %dma_start3A_707 = tpu.memref_slice %arg3[%mul3A_2] : memref<1024xi32, #tpu.memory_space<hbm>> -> memref<32xi32, #tpu.memory_space<hbm>>
      tpu.enqueue_dma source(%dma_start3A_707 : memref<32xi32, #tpu.memory_space<hbm>>) target(%arg6 : memref<32xi32, #tpu.memory_space<vmem>>) target_semaphore(%run_scoped3A : memref<!tpu.dma_semaphore, #tpu.memory_space<semaphore_mem>>)
      %dma_wait3A_708 = tpu.memref_slice %arg3[%mul3A_2] : memref<1024xi32, #tpu.memory_space<hbm>> -> memref<32xi32, #tpu.memory_space<hbm>>
      %dma_wait3A_709 = tpu.memref_slice %arg3[%mul3A_2] : memref<1024xi32, #tpu.memory_space<hbm>> -> memref<32xi32, #tpu.memory_space<hbm>>
      tpu.wait_dma2 semaphore(%run_scoped3A : memref<!tpu.dma_semaphore, #tpu.memory_space<semaphore_mem>>) src(%dma_wait3A_709 : memref<32xi32, #tpu.memory_space<hbm>>) dst(%arg6 : memref<32xi32, #tpu.memory_space<vmem>>)
      tpu.yield
    }) : () -> ()
    %get3A = arith.constant 0 : index
    %get3A_26 = tpu.vector_load %arg6[%get3A] {strides = array<i32>} : memref<32xi32, #tpu.memory_space<vmem>>, vector<16xi32>,
    %get3A_27 = vector.shape_cast %get3A_26 : vector<16xi32> to vector<16xi32>
    %shift_right_logical3A_28 = arith.constant 3 : i32
    %shift_right_logical3A_29 = vector.broadcast %shift_right_logical3A_28 : i32 to vector<16xi32>
    %shift_right_logical3A_30 = arith.shrui %get3A_27, %shift_right_logical3A_29 : vector<16xi32>
    %shift_left3A_31 = arith.constant 13 : i32
    %shift_left3A_32 = vector.broadcast %shift_left3A_31 : i32 to vector<16xi32>
    %shift_left3A_33 = arith.shli %shift_right_logical3A_30, %shift_left3A_32 : vector<16xi32>
    %and3A_34 = arith.constant 7 : i32
    %and3A_35 = vector.broadcast %and3A_34 : i32 to vector<16xi32>
    %and3A_36 = arith.andi %get3A_27, %and3A_35 : vector<16xi32>
    %shift_left3A_37 = arith.constant 7 : i32
    %shift_left3A_38 = vector.broadcast %shift_left3A_37 : i32 to vector<16xi32>
    %shift_left3A_39 = arith.shli %and3A_36, %shift_left3A_38 : vector<16xi32>
    %add3A_40 = arith.addi %shift_left3A_33, %shift_left3A_39 : vector<16xi32>
    %add3A_41 = arith.addi %add3A_40, %add3A_15 : vector<16xi32>
    %swap3A = arith.constant 0 : index
    %swap3A_42 = tpu.vector_load %arg6[%swap3A] {strides = array<i32>} : memref<32xi32, #tpu.memory_space<vmem>>, vector<16xi32>,
    %swap3A_43 = vector.shape_cast %swap3A_42 : vector<16xi32> to vector<16xi32>
    %swap3A_44 = vector.shape_cast %add3A_41 : vector<16xi32> to vector<16xi32>
    tpu.vector_store %arg6[%swap3A], %swap3A_44 {strides = array<i32>} : memref<32xi32, #tpu.memory_space<vmem>>, vector<16xi32>,
    %get3A_45 = arith.constant 16 : index
    %get3A_46 = tpu.vector_load %arg6[%get3A_45] {strides = array<i32>} : memref<32xi32, #tpu.memory_space<vmem>>, vector<16xi32>,
    %get3A_47 = vector.shape_cast %get3A_46 : vector<16xi32> to vector<16xi32>
    %shift_right_logical3A_48 = arith.constant 3 : i32
    %shift_right_logical3A_49 = vector.broadcast %shift_right_logical3A_48 : i32 to vector<16xi32>
    %shift_right_logical3A_50 = arith.shrui %get3A_47, %shift_right_logical3A_49 : vector<16xi32>
    %shift_left3A_51 = arith.constant 13 : i32
    %shift_left3A_52 = vector.broadcast %shift_left3A_51 : i32 to vector<16xi32>
    %shift_left3A_53 = arith.shli %shift_right_logical3A_50, %shift_left3A_52 : vector<16xi32>
    %and3A_54 = arith.constant 7 : i32
    %and3A_55 = vector.broadcast %and3A_54 : i32 to vector<16xi32>
    %and3A_56 = arith.andi %get3A_47, %and3A_55 : vector<16xi32>
    %shift_left3A_57 = arith.constant 7 : i32
    %shift_left3A_58 = vector.broadcast %shift_left3A_57 : i32 to vector<16xi32>
    %shift_left3A_59 = arith.shli %and3A_56, %shift_left3A_58 : vector<16xi32>
    %add3A_60 = arith.addi %shift_left3A_53, %shift_left3A_59 : vector<16xi32>
    %add3A_61 = arith.addi %add3A_60, %add3A_25 : vector<16xi32>
    %swap3A_62 = arith.constant 16 : index
    %swap3A_63 = tpu.vector_load %arg6[%swap3A_62] {strides = array<i32>} : memref<32xi32, #tpu.memory_space<vmem>>, vector<16xi32>,
    %swap3A_64 = vector.shape_cast %swap3A_63 : vector<16xi32> to vector<16xi32>
    %swap3A_65 = vector.shape_cast %add3A_61 : vector<16xi32> to vector<16xi32>
    tpu.vector_store %arg6[%swap3A_62], %swap3A_65 {strides = array<i32>} : memref<32xi32, #tpu.memory_space<vmem>>, vector<16xi32>,
    %dma_start3A = arith.constant 0 : i32
    %dma_start3A_66 = tpu.memref_slice %arg2[%dma_start3A] : memref<102400000xf32, #tpu.memory_space<hbm>> -> memref<102400000xf32, #tpu.memory_space<hbm>>
    tpu.enqueue_indirect_dma source(%dma_start3A_66 : memref<102400000xf32, #tpu.memory_space<hbm>>) target(%arg8 : memref<32xf32, #tpu.memory_space<vmem>>) offsets(%arg6 : memref<32xi32, #tpu.memory_space<vmem>>) semaphore(%arg12 : memref<!tpu.dma_semaphore, #tpu.memory_space<semaphore_mem>>)
    %scan3A = arith.constant 0 : i32
    %scan3A_67 = arith.constant 0 : i32
    %scan3A_68 = arith.constant 32 : i32
    %scan3A_69 = arith.addi %scan3A_67, %scan3A_68 : i32
    %scan3A_70 = arith.constant 1 : i32
    scf.for %scan3A_706 = %scan3A_67 to %scan3A_69 step %scan3A_70  : i32 {
      %mul3A_707 = arith.constant 32 : i32
      %mul3A_708 = arith.muli %scan3A_706, %mul3A_707 : i32
      %get3A_709 = arith.index_cast %mul3A_708 : i32 to index
      %get3A_710 = tpu.vector_load %arg7[%get3A_709] {strides = array<i32>} : memref<4096xi32, #tpu.memory_space<vmem>>, vector<16xi32>,
      %get3A_711 = vector.shape_cast %get3A_710 : vector<16xi32> to vector<16xi32>
      %shift_right_logical3A_712 = arith.constant 3 : i32
      %shift_right_logical3A_713 = vector.broadcast %shift_right_logical3A_712 : i32 to vector<16xi32>
      %shift_right_logical3A_714 = arith.shrui %get3A_711, %shift_right_logical3A_713 : vector<16xi32>
      %shift_left3A_715 = arith.constant 13 : i32
      %shift_left3A_716 = vector.broadcast %shift_left3A_715 : i32 to vector<16xi32>
      %shift_left3A_717 = arith.shli %shift_right_logical3A_714, %shift_left3A_716 : vector<16xi32>
      %and3A_718 = arith.constant 7 : i32
      %and3A_719 = vector.broadcast %and3A_718 : i32 to vector<16xi32>
      %and3A_720 = arith.andi %get3A_711, %and3A_719 : vector<16xi32>
      %shift_left3A_721 = arith.constant 7 : i32
      %shift_left3A_722 = vector.broadcast %shift_left3A_721 : i32 to vector<16xi32>
      %shift_left3A_723 = arith.shli %and3A_720, %shift_left3A_722 : vector<16xi32>
      %add3A_724 = arith.addi %shift_left3A_717, %shift_left3A_723 : vector<16xi32>
      %add3A_725 = arith.addi %add3A_724, %add3A_15 : vector<16xi32>
      %mul3A_726 = arith.constant 32 : i32
      %mul3A_727 = arith.muli %scan3A_706, %mul3A_726 : i32
      %swap3A_728 = arith.index_cast %mul3A_727 : i32 to index
      %swap3A_729 = tpu.vector_load %arg7[%swap3A_728] {strides = array<i32>} : memref<4096xi32, #tpu.memory_space<vmem>>, vector<16xi32>,
      %swap3A_730 = vector.shape_cast %swap3A_729 : vector<16xi32> to vector<16xi32>
      %swap3A_731 = vector.shape_cast %add3A_725 : vector<16xi32> to vector<16xi32>
      tpu.vector_store %arg7[%swap3A_728], %swap3A_731 {strides = array<i32>} : memref<4096xi32, #tpu.memory_space<vmem>>, vector<16xi32>,
      %mul3A_732 = arith.constant 32 : i32
      %mul3A_733 = arith.muli %scan3A_706, %mul3A_732 : i32
      %add3A_734 = arith.constant 16 : i32
      %add3A_735 = arith.addi %mul3A_733, %add3A_734 : i32
      %get3A_736 = arith.index_cast %add3A_735 : i32 to index
      %get3A_737 = tpu.vector_load %arg7[%get3A_736] {strides = array<i32>} : memref<4096xi32, #tpu.memory_space<vmem>>, vector<16xi32>,
      %get3A_738 = vector.shape_cast %get3A_737 : vector<16xi32> to vector<16xi32>
      %shift_right_logical3A_739 = arith.constant 3 : i32
      %shift_right_logical3A_740 = vector.broadcast %shift_right_logical3A_739 : i32 to vector<16xi32>
      %shift_right_logical3A_741 = arith.shrui %get3A_738, %shift_right_logical3A_740 : vector<16xi32>
      %shift_left3A_742 = arith.constant 13 : i32
      %shift_left3A_743 = vector.broadcast %shift_left3A_742 : i32 to vector<16xi32>
      %shift_left3A_744 = arith.shli %shift_right_logical3A_741, %shift_left3A_743 : vector<16xi32>
      %and3A_745 = arith.constant 7 : i32
      %and3A_746 = vector.broadcast %and3A_745 : i32 to vector<16xi32>
      %and3A_747 = arith.andi %get3A_738, %and3A_746 : vector<16xi32>
      %shift_left3A_748 = arith.constant 7 : i32
      %shift_left3A_749 = vector.broadcast %shift_left3A_748 : i32 to vector<16xi32>
      %shift_left3A_750 = arith.shli %and3A_747, %shift_left3A_749 : vector<16xi32>
      %add3A_751 = arith.addi %shift_left3A_744, %shift_left3A_750 : vector<16xi32>
      %add3A_752 = arith.addi %add3A_751, %add3A_25 : vector<16xi32>
      %mul3A_753 = arith.constant 32 : i32
      %mul3A_754 = arith.muli %scan3A_706, %mul3A_753 : i32
      %add3A_755 = arith.constant 16 : i32
      %add3A_756 = arith.addi %mul3A_754, %add3A_755 : i32
      %swap3A_757 = arith.index_cast %add3A_756 : i32 to index
      %swap3A_758 = tpu.vector_load %arg7[%swap3A_757] {strides = array<i32>} : memref<4096xi32, #tpu.memory_space<vmem>>, vector<16xi32>,
      %swap3A_759 = vector.shape_cast %swap3A_758 : vector<16xi32> to vector<16xi32>
      %swap3A_760 = vector.shape_cast %add3A_752 : vector<16xi32> to vector<16xi32>
      tpu.vector_store %arg7[%swap3A_757], %swap3A_760 {strides = array<i32>} : memref<4096xi32, #tpu.memory_space<vmem>>, vector<16xi32>,
    }
    %scan3A_71 = arith.constant 32 : i32
    %dma_start3A_72 = arith.constant 0 : i32
    %dma_start3A_73 = arith.constant 0 : i32
    %dma_start3A_74 = tpu.memref_slice %arg9[%dma_start3A_73] : memref<4096xf32, #tpu.memory_space<vmem>> -> memref<128xf32, #tpu.memory_space<vmem>>
    %dma_start3A_75 = arith.constant 0 : i32
    %dma_start3A_76 = tpu.memref_slice %arg7[%dma_start3A_75] : memref<4096xi32, #tpu.memory_space<vmem>> -> memref<128xi32, #tpu.memory_space<vmem>>
    %dma_start3A_77 = arith.constant 0 : i32
    %dma_start3A_78 = tpu.memref_slice %arg2[%dma_start3A_77] : memref<102400000xf32, #tpu.memory_space<hbm>> -> memref<102400000xf32, #tpu.memory_space<hbm>>
    %dma_start3A_79 = tpu.memref_slice %arg11[%dma_start3A_72] : memref<4x!tpu.dma_semaphore, #tpu.memory_space<semaphore_mem>> -> memref<1x!tpu.dma_semaphore, #tpu.memory_space<semaphore_mem>>
    %dma_start3A_80 = tpu.memref_squeeze %dma_start3A_79 : memref<1x!tpu.dma_semaphore, #tpu.memory_space<semaphore_mem>> -> memref<!tpu.dma_semaphore, #tpu.memory_space<semaphore_mem>>
    tpu.enqueue_indirect_dma source(%dma_start3A_78 : memref<102400000xf32, #tpu.memory_space<hbm>>) target(%dma_start3A_74 : memref<128xf32, #tpu.memory_space<vmem>>) offsets(%dma_start3A_76 : memref<128xi32, #tpu.memory_space<vmem>>) semaphore(%dma_start3A_80 : memref<!tpu.dma_semaphore, #tpu.memory_space<semaphore_mem>>)
    %dma_start3A_81 = arith.constant 0 : i32
    %dma_start3A_82 = arith.constant 128 : i32
    %dma_start3A_83 = tpu.memref_slice %arg9[%dma_start3A_82] : memref<4096xf32, #tpu.memory_space<vmem>> -> memref<128xf32, #tpu.memory_space<vmem>>
    %dma_start3A_84 = arith.constant 128 : i32
    %dma_start3A_85 = tpu.memref_slice %arg7[%dma_start3A_84] : memref<4096xi32, #tpu.memory_space<vmem>> -> memref<128xi32, #tpu.memory_space<vmem>>
    %dma_start3A_86 = arith.constant 0 : i32
    %dma_start3A_87 = tpu.memref_slice %arg2[%dma_start3A_86] : memref<102400000xf32, #tpu.memory_space<hbm>> -> memref<102400000xf32, #tpu.memory_space<hbm>>
    %dma_start3A_88 = tpu.memref_slice %arg11[%dma_start3A_81] : memref<4x!tpu.dma_semaphore, #tpu.memory_space<semaphore_mem>> -> memref<1x!tpu.dma_semaphore, #tpu.memory_space<semaphore_mem>>
    %dma_start3A_89 = tpu.memref_squeeze %dma_start3A_88 : memref<1x!tpu.dma_semaphore, #tpu.memory_space<semaphore_mem>> -> memref<!tpu.dma_semaphore, #tpu.memory_space<semaphore_mem>>
    tpu.enqueue_indirect_dma source(%dma_start3A_87 : memref<102400000xf32, #tpu.memory_space<hbm>>) target(%dma_start3A_83 : memref<128xf32, #tpu.memory_space<vmem>>) offsets(%dma_start3A_85 : memref<128xi32, #tpu.memory_space<vmem>>) semaphore(%dma_start3A_89 : memref<!tpu.dma_semaphore, #tpu.memory_space<semaphore_mem>>)
    %dma_start3A_90 = arith.constant 0 : i32
    %dma_start3A_91 = arith.constant 256 : i32
    %dma_start3A_92 = tpu.memref_slice %arg9[%dma_start3A_91] : memref<4096xf32, #tpu.memory_space<vmem>> -> memref<128xf32, #tpu.memory_space<vmem>>
    %dma_start3A_93 = arith.constant 256 : i32
    %dma_start3A_94 = tpu.memref_slice %arg7[%dma_start3A_93] : memref<4096xi32, #tpu.memory_space<vmem>> -> memref<128xi32, #tpu.memory_space<vmem>>
    %dma_start3A_95 = arith.constant 0 : i32
    %dma_start3A_96 = tpu.memref_slice %arg2[%dma_start3A_95] : memref<102400000xf32, #tpu.memory_space<hbm>> -> memref<102400000xf32, #tpu.memory_space<hbm>>
    %dma_start3A_97 = tpu.memref_slice %arg11[%dma_start3A_90] : memref<4x!tpu.dma_semaphore, #tpu.memory_space<semaphore_mem>> -> memref<1x!tpu.dma_semaphore, #tpu.memory_space<semaphore_mem>>
    %dma_start3A_98 = tpu.memref_squeeze %dma_start3A_97 : memref<1x!tpu.dma_semaphore, #tpu.memory_space<semaphore_mem>> -> memref<!tpu.dma_semaphore, #tpu.memory_space<semaphore_mem>>
    tpu.enqueue_indirect_dma source(%dma_start3A_96 : memref<102400000xf32, #tpu.memory_space<hbm>>) target(%dma_start3A_92 : memref<128xf32, #tpu.memory_space<vmem>>) offsets(%dma_start3A_94 : memref<128xi32, #tpu.memory_space<vmem>>) semaphore(%dma_start3A_98 : memref<!tpu.dma_semaphore, #tpu.memory_space<semaphore_mem>>)
    %dma_start3A_99 = arith.constant 0 : i32
    %dma_start3A_100 = arith.constant 384 : i32
    %dma_start3A_101 = tpu.memref_slice %arg9[%dma_start3A_100] : memref<4096xf32, #tpu.memory_space<vmem>> -> memref<128xf32, #tpu.memory_space<vmem>>
    %dma_start3A_102 = arith.constant 384 : i32
    %dma_start3A_103 = tpu.memref_slice %arg7[%dma_start3A_102] : memref<4096xi32, #tpu.memory_space<vmem>> -> memref<128xi32, #tpu.memory_space<vmem>>
    %dma_start3A_104 = arith.constant 0 : i32
    %dma_start3A_105 = tpu.memref_slice %arg2[%dma_start3A_104] : memref<102400000xf32, #tpu.memory_space<hbm>> -> memref<102400000xf32, #tpu.memory_space<hbm>>
    %dma_start3A_106 = tpu.memref_slice %arg11[%dma_start3A_99] : memref<4x!tpu.dma_semaphore, #tpu.memory_space<semaphore_mem>> -> memref<1x!tpu.dma_semaphore, #tpu.memory_space<semaphore_mem>>
    %dma_start3A_107 = tpu.memref_squeeze %dma_start3A_106 : memref<1x!tpu.dma_semaphore, #tpu.memory_space<semaphore_mem>> -> memref<!tpu.dma_semaphore, #tpu.memory_space<semaphore_mem>>
    tpu.enqueue_indirect_dma source(%dma_start3A_105 : memref<102400000xf32, #tpu.memory_space<hbm>>) target(%dma_start3A_101 : memref<128xf32, #tpu.memory_space<vmem>>) offsets(%dma_start3A_103 : memref<128xi32, #tpu.memory_space<vmem>>) semaphore(%dma_start3A_107 : memref<!tpu.dma_semaphore, #tpu.memory_space<semaphore_mem>>)
    %dma_start3A_108 = arith.constant 0 : i32
    %dma_start3A_109 = arith.constant 512 : i32
    %dma_start3A_110 = tpu.memref_slice %arg9[%dma_start3A_109] : memref<4096xf32, #tpu.memory_space<vmem>> -> memref<128xf32, #tpu.memory_space<vmem>>
    %dma_start3A_111 = arith.constant 512 : i32
    %dma_start3A_112 = tpu.memref_slice %arg7[%dma_start3A_111] : memref<4096xi32, #tpu.memory_space<vmem>> -> memref<128xi32, #tpu.memory_space<vmem>>
    %dma_start3A_113 = arith.constant 0 : i32
    %dma_start3A_114 = tpu.memref_slice %arg2[%dma_start3A_113] : memref<102400000xf32, #tpu.memory_space<hbm>> -> memref<102400000xf32, #tpu.memory_space<hbm>>
    %dma_start3A_115 = tpu.memref_slice %arg11[%dma_start3A_108] : memref<4x!tpu.dma_semaphore, #tpu.memory_space<semaphore_mem>> -> memref<1x!tpu.dma_semaphore, #tpu.memory_space<semaphore_mem>>
    %dma_start3A_116 = tpu.memref_squeeze %dma_start3A_115 : memref<1x!tpu.dma_semaphore, #tpu.memory_space<semaphore_mem>> -> memref<!tpu.dma_semaphore, #tpu.memory_space<semaphore_mem>>
    tpu.enqueue_indirect_dma source(%dma_start3A_114 : memref<102400000xf32, #tpu.memory_space<hbm>>) target(%dma_start3A_110 : memref<128xf32, #tpu.memory_space<vmem>>) offsets(%dma_start3A_112 : memref<128xi32, #tpu.memory_space<vmem>>) semaphore(%dma_start3A_116 : memref<!tpu.dma_semaphore, #tpu.memory_space<semaphore_mem>>)
    %dma_start3A_117 = arith.constant 0 : i32
    %dma_start3A_118 = arith.constant 640 : i32
    %dma_start3A_119 = tpu.memref_slice %arg9[%dma_start3A_118] : memref<4096xf32, #tpu.memory_space<vmem>> -> memref<128xf32, #tpu.memory_space<vmem>>
    %dma_start3A_120 = arith.constant 640 : i32
    %dma_start3A_121 = tpu.memref_slice %arg7[%dma_start3A_120] : memref<4096xi32, #tpu.memory_space<vmem>> -> memref<128xi32, #tpu.memory_space<vmem>>
    %dma_start3A_122 = arith.constant 0 : i32
    %dma_start3A_123 = tpu.memref_slice %arg2[%dma_start3A_122] : memref<102400000xf32, #tpu.memory_space<hbm>> -> memref<102400000xf32, #tpu.memory_space<hbm>>
    %dma_start3A_124 = tpu.memref_slice %arg11[%dma_start3A_117] : memref<4x!tpu.dma_semaphore, #tpu.memory_space<semaphore_mem>> -> memref<1x!tpu.dma_semaphore, #tpu.memory_space<semaphore_mem>>
    %dma_start3A_125 = tpu.memref_squeeze %dma_start3A_124 : memref<1x!tpu.dma_semaphore, #tpu.memory_space<semaphore_mem>> -> memref<!tpu.dma_semaphore, #tpu.memory_space<semaphore_mem>>
    tpu.enqueue_indirect_dma source(%dma_start3A_123 : memref<102400000xf32, #tpu.memory_space<hbm>>) target(%dma_start3A_119 : memref<128xf32, #tpu.memory_space<vmem>>) offsets(%dma_start3A_121 : memref<128xi32, #tpu.memory_space<vmem>>) semaphore(%dma_start3A_125 : memref<!tpu.dma_semaphore, #tpu.memory_space<semaphore_mem>>)
    %dma_start3A_126 = arith.constant 0 : i32
    %dma_start3A_127 = arith.constant 768 : i32
    %dma_start3A_128 = tpu.memref_slice %arg9[%dma_start3A_127] : memref<4096xf32, #tpu.memory_space<vmem>> -> memref<128xf32, #tpu.memory_space<vmem>>
    %dma_start3A_129 = arith.constant 768 : i32
    %dma_start3A_130 = tpu.memref_slice %arg7[%dma_start3A_129] : memref<4096xi32, #tpu.memory_space<vmem>> -> memref<128xi32, #tpu.memory_space<vmem>>
    %dma_start3A_131 = arith.constant 0 : i32
    %dma_start3A_132 = tpu.memref_slice %arg2[%dma_start3A_131] : memref<102400000xf32, #tpu.memory_space<hbm>> -> memref<102400000xf32, #tpu.memory_space<hbm>>
    %dma_start3A_133 = tpu.memref_slice %arg11[%dma_start3A_126] : memref<4x!tpu.dma_semaphore, #tpu.memory_space<semaphore_mem>> -> memref<1x!tpu.dma_semaphore, #tpu.memory_space<semaphore_mem>>
    %dma_start3A_134 = tpu.memref_squeeze %dma_start3A_133 : memref<1x!tpu.dma_semaphore, #tpu.memory_space<semaphore_mem>> -> memref<!tpu.dma_semaphore, #tpu.memory_space<semaphore_mem>>
    tpu.enqueue_indirect_dma source(%dma_start3A_132 : memref<102400000xf32, #tpu.memory_space<hbm>>) target(%dma_start3A_128 : memref<128xf32, #tpu.memory_space<vmem>>) offsets(%dma_start3A_130 : memref<128xi32, #tpu.memory_space<vmem>>) semaphore(%dma_start3A_134 : memref<!tpu.dma_semaphore, #tpu.memory_space<semaphore_mem>>)
    %dma_start3A_135 = arith.constant 0 : i32
    %dma_start3A_136 = arith.constant 896 : i32
    %dma_start3A_137 = tpu.memref_slice %arg9[%dma_start3A_136] : memref<4096xf32, #tpu.memory_space<vmem>> -> memref<128xf32, #tpu.memory_space<vmem>>
    %dma_start3A_138 = arith.constant 896 : i32
    %dma_start3A_139 = tpu.memref_slice %arg7[%dma_start3A_138] : memref<4096xi32, #tpu.memory_space<vmem>> -> memref<128xi32, #tpu.memory_space<vmem>>
    %dma_start3A_140 = arith.constant 0 : i32
    %dma_start3A_141 = tpu.memref_slice %arg2[%dma_start3A_140] : memref<102400000xf32, #tpu.memory_space<hbm>> -> memref<102400000xf32, #tpu.memory_space<hbm>>
    %dma_start3A_142 = tpu.memref_slice %arg11[%dma_start3A_135] : memref<4x!tpu.dma_semaphore, #tpu.memory_space<semaphore_mem>> -> memref<1x!tpu.dma_semaphore, #tpu.memory_space<semaphore_mem>>
    %dma_start3A_143 = tpu.memref_squeeze %dma_start3A_142 : memref<1x!tpu.dma_semaphore, #tpu.memory_space<semaphore_mem>> -> memref<!tpu.dma_semaphore, #tpu.memory_space<semaphore_mem>>
    tpu.enqueue_indirect_dma source(%dma_start3A_141 : memref<102400000xf32, #tpu.memory_space<hbm>>) target(%dma_start3A_137 : memref<128xf32, #tpu.memory_space<vmem>>) offsets(%dma_start3A_139 : memref<128xi32, #tpu.memory_space<vmem>>) semaphore(%dma_start3A_143 : memref<!tpu.dma_semaphore, #tpu.memory_space<semaphore_mem>>)
    %scan3A_144 = arith.constant 0 : i32
    %scan3A_145 = arith.constant 32 : i32
    %scan3A_146 = arith.constant 32 : i32
    %scan3A_147 = arith.addi %scan3A_145, %scan3A_146 : i32
    %scan3A_148 = arith.constant 1 : i32
    scf.for %scan3A_706 = %scan3A_145 to %scan3A_147 step %scan3A_148  : i32 {
      %mul3A_707 = arith.constant 32 : i32
      %mul3A_708 = arith.muli %scan3A_706, %mul3A_707 : i32
      %get3A_709 = arith.index_cast %mul3A_708 : i32 to index
      %get3A_710 = tpu.vector_load %arg7[%get3A_709] {strides = array<i32>} : memref<4096xi32, #tpu.memory_space<vmem>>, vector<16xi32>,
      %get3A_711 = vector.shape_cast %get3A_710 : vector<16xi32> to vector<16xi32>
      %shift_right_logical3A_712 = arith.constant 3 : i32
      %shift_right_logical3A_713 = vector.broadcast %shift_right_logical3A_712 : i32 to vector<16xi32>
      %shift_right_logical3A_714 = arith.shrui %get3A_711, %shift_right_logical3A_713 : vector<16xi32>
      %shift_left3A_715 = arith.constant 13 : i32
      %shift_left3A_716 = vector.broadcast %shift_left3A_715 : i32 to vector<16xi32>
      %shift_left3A_717 = arith.shli %shift_right_logical3A_714, %shift_left3A_716 : vector<16xi32>
      %and3A_718 = arith.constant 7 : i32
      %and3A_719 = vector.broadcast %and3A_718 : i32 to vector<16xi32>
      %and3A_720 = arith.andi %get3A_711, %and3A_719 : vector<16xi32>
      %shift_left3A_721 = arith.constant 7 : i32
      %shift_left3A_722 = vector.broadcast %shift_left3A_721 : i32 to vector<16xi32>
      %shift_left3A_723 = arith.shli %and3A_720, %shift_left3A_722 : vector<16xi32>
      %add3A_724 = arith.addi %shift_left3A_717, %shift_left3A_723 : vector<16xi32>
      %add3A_725 = arith.addi %add3A_724, %add3A_15 : vector<16xi32>
      %mul3A_726 = arith.constant 32 : i32
      %mul3A_727 = arith.muli %scan3A_706, %mul3A_726 : i32
      %swap3A_728 = arith.index_cast %mul3A_727 : i32 to index
      %swap3A_729 = tpu.vector_load %arg7[%swap3A_728] {strides = array<i32>} : memref<4096xi32, #tpu.memory_space<vmem>>, vector<16xi32>,
      %swap3A_730 = vector.shape_cast %swap3A_729 : vector<16xi32> to vector<16xi32>
      %swap3A_731 = vector.shape_cast %add3A_725 : vector<16xi32> to vector<16xi32>
      tpu.vector_store %arg7[%swap3A_728], %swap3A_731 {strides = array<i32>} : memref<4096xi32, #tpu.memory_space<vmem>>, vector<16xi32>,
      %mul3A_732 = arith.constant 32 : i32
      %mul3A_733 = arith.muli %scan3A_706, %mul3A_732 : i32
      %add3A_734 = arith.constant 16 : i32
      %add3A_735 = arith.addi %mul3A_733, %add3A_734 : i32
      %get3A_736 = arith.index_cast %add3A_735 : i32 to index
      %get3A_737 = tpu.vector_load %arg7[%get3A_736] {strides = array<i32>} : memref<4096xi32, #tpu.memory_space<vmem>>, vector<16xi32>,
      %get3A_738 = vector.shape_cast %get3A_737 : vector<16xi32> to vector<16xi32>
      %shift_right_logical3A_739 = arith.constant 3 : i32
      %shift_right_logical3A_740 = vector.broadcast %shift_right_logical3A_739 : i32 to vector<16xi32>
      %shift_right_logical3A_741 = arith.shrui %get3A_738, %shift_right_logical3A_740 : vector<16xi32>
      %shift_left3A_742 = arith.constant 13 : i32
      %shift_left3A_743 = vector.broadcast %shift_left3A_742 : i32 to vector<16xi32>
      %shift_left3A_744 = arith.shli %shift_right_logical3A_741, %shift_left3A_743 : vector<16xi32>
      %and3A_745 = arith.constant 7 : i32
      %and3A_746 = vector.broadcast %and3A_745 : i32 to vector<16xi32>
      %and3A_747 = arith.andi %get3A_738, %and3A_746 : vector<16xi32>
      %shift_left3A_748 = arith.constant 7 : i32
      %shift_left3A_749 = vector.broadcast %shift_left3A_748 : i32 to vector<16xi32>
      %shift_left3A_750 = arith.shli %and3A_747, %shift_left3A_749 : vector<16xi32>
      %add3A_751 = arith.addi %shift_left3A_744, %shift_left3A_750 : vector<16xi32>
      %add3A_752 = arith.addi %add3A_751, %add3A_25 : vector<16xi32>
      %mul3A_753 = arith.constant 32 : i32
      %mul3A_754 = arith.muli %scan3A_706, %mul3A_753 : i32
      %add3A_755 = arith.constant 16 : i32
      %add3A_756 = arith.addi %mul3A_754, %add3A_755 : i32
      %swap3A_757 = arith.index_cast %add3A_756 : i32 to index
      %swap3A_758 = tpu.vector_load %arg7[%swap3A_757] {strides = array<i32>} : memref<4096xi32, #tpu.memory_space<vmem>>, vector<16xi32>,
      %swap3A_759 = vector.shape_cast %swap3A_758 : vector<16xi32> to vector<16xi32>
      %swap3A_760 = vector.shape_cast %add3A_752 : vector<16xi32> to vector<16xi32>
      tpu.vector_store %arg7[%swap3A_757], %swap3A_760 {strides = array<i32>} : memref<4096xi32, #tpu.memory_space<vmem>>, vector<16xi32>,
    }
    %scan3A_149 = arith.constant 32 : i32
    %dma_start3A_150 = arith.constant 1 : i32
    %dma_start3A_151 = arith.constant 1024 : i32
    %dma_start3A_152 = tpu.memref_slice %arg9[%dma_start3A_151] : memref<4096xf32, #tpu.memory_space<vmem>> -> memref<128xf32, #tpu.memory_space<vmem>>
    %dma_start3A_153 = arith.constant 1024 : i32
    %dma_start3A_154 = tpu.memref_slice %arg7[%dma_start3A_153] : memref<4096xi32, #tpu.memory_space<vmem>> -> memref<128xi32, #tpu.memory_space<vmem>>
    %dma_start3A_155 = arith.constant 0 : i32
    %dma_start3A_156 = tpu.memref_slice %arg2[%dma_start3A_155] : memref<102400000xf32, #tpu.memory_space<hbm>> -> memref<102400000xf32, #tpu.memory_space<hbm>>
    %dma_start3A_157 = tpu.memref_slice %arg11[%dma_start3A_150] : memref<4x!tpu.dma_semaphore, #tpu.memory_space<semaphore_mem>> -> memref<1x!tpu.dma_semaphore, #tpu.memory_space<semaphore_mem>>
    %dma_start3A_158 = tpu.memref_squeeze %dma_start3A_157 : memref<1x!tpu.dma_semaphore, #tpu.memory_space<semaphore_mem>> -> memref<!tpu.dma_semaphore, #tpu.memory_space<semaphore_mem>>
    tpu.enqueue_indirect_dma source(%dma_start3A_156 : memref<102400000xf32, #tpu.memory_space<hbm>>) target(%dma_start3A_152 : memref<128xf32, #tpu.memory_space<vmem>>) offsets(%dma_start3A_154 : memref<128xi32, #tpu.memory_space<vmem>>) semaphore(%dma_start3A_158 : memref<!tpu.dma_semaphore, #tpu.memory_space<semaphore_mem>>)
    %dma_start3A_159 = arith.constant 1 : i32
    %dma_start3A_160 = arith.constant 1152 : i32
    %dma_start3A_161 = tpu.memref_slice %arg9[%dma_start3A_160] : memref<4096xf32, #tpu.memory_space<vmem>> -> memref<128xf32, #tpu.memory_space<vmem>>
    %dma_start3A_162 = arith.constant 1152 : i32
    %dma_start3A_163 = tpu.memref_slice %arg7[%dma_start3A_162] : memref<4096xi32, #tpu.memory_space<vmem>> -> memref<128xi32, #tpu.memory_space<vmem>>
    %dma_start3A_164 = arith.constant 0 : i32
    %dma_start3A_165 = tpu.memref_slice %arg2[%dma_start3A_164] : memref<102400000xf32, #tpu.memory_space<hbm>> -> memref<102400000xf32, #tpu.memory_space<hbm>>
    %dma_start3A_166 = tpu.memref_slice %arg11[%dma_start3A_159] : memref<4x!tpu.dma_semaphore, #tpu.memory_space<semaphore_mem>> -> memref<1x!tpu.dma_semaphore, #tpu.memory_space<semaphore_mem>>
    %dma_start3A_167 = tpu.memref_squeeze %dma_start3A_166 : memref<1x!tpu.dma_semaphore, #tpu.memory_space<semaphore_mem>> -> memref<!tpu.dma_semaphore, #tpu.memory_space<semaphore_mem>>
    tpu.enqueue_indirect_dma source(%dma_start3A_165 : memref<102400000xf32, #tpu.memory_space<hbm>>) target(%dma_start3A_161 : memref<128xf32, #tpu.memory_space<vmem>>) offsets(%dma_start3A_163 : memref<128xi32, #tpu.memory_space<vmem>>) semaphore(%dma_start3A_167 : memref<!tpu.dma_semaphore, #tpu.memory_space<semaphore_mem>>)
    %dma_start3A_168 = arith.constant 1 : i32
    %dma_start3A_169 = arith.constant 1280 : i32
    %dma_start3A_170 = tpu.memref_slice %arg9[%dma_start3A_169] : memref<4096xf32, #tpu.memory_space<vmem>> -> memref<128xf32, #tpu.memory_space<vmem>>
    %dma_start3A_171 = arith.constant 1280 : i32
    %dma_start3A_172 = tpu.memref_slice %arg7[%dma_start3A_171] : memref<4096xi32, #tpu.memory_space<vmem>> -> memref<128xi32, #tpu.memory_space<vmem>>
    %dma_start3A_173 = arith.constant 0 : i32
    %dma_start3A_174 = tpu.memref_slice %arg2[%dma_start3A_173] : memref<102400000xf32, #tpu.memory_space<hbm>> -> memref<102400000xf32, #tpu.memory_space<hbm>>
    %dma_start3A_175 = tpu.memref_slice %arg11[%dma_start3A_168] : memref<4x!tpu.dma_semaphore, #tpu.memory_space<semaphore_mem>> -> memref<1x!tpu.dma_semaphore, #tpu.memory_space<semaphore_mem>>
    %dma_start3A_176 = tpu.memref_squeeze %dma_start3A_175 : memref<1x!tpu.dma_semaphore, #tpu.memory_space<semaphore_mem>> -> memref<!tpu.dma_semaphore, #tpu.memory_space<semaphore_mem>>
    tpu.enqueue_indirect_dma source(%dma_start3A_174 : memref<102400000xf32, #tpu.memory_space<hbm>>) target(%dma_start3A_170 : memref<128xf32, #tpu.memory_space<vmem>>) offsets(%dma_start3A_172 : memref<128xi32, #tpu.memory_space<vmem>>) semaphore(%dma_start3A_176 : memref<!tpu.dma_semaphore, #tpu.memory_space<semaphore_mem>>)
    %dma_start3A_177 = arith.constant 1 : i32
    %dma_start3A_178 = arith.constant 1408 : i32
    %dma_start3A_179 = tpu.memref_slice %arg9[%dma_start3A_178] : memref<4096xf32, #tpu.memory_space<vmem>> -> memref<128xf32, #tpu.memory_space<vmem>>
    %dma_start3A_180 = arith.constant 1408 : i32
    %dma_start3A_181 = tpu.memref_slice %arg7[%dma_start3A_180] : memref<4096xi32, #tpu.memory_space<vmem>> -> memref<128xi32, #tpu.memory_space<vmem>>
    %dma_start3A_182 = arith.constant 0 : i32
    %dma_start3A_183 = tpu.memref_slice %arg2[%dma_start3A_182] : memref<102400000xf32, #tpu.memory_space<hbm>> -> memref<102400000xf32, #tpu.memory_space<hbm>>
    %dma_start3A_184 = tpu.memref_slice %arg11[%dma_start3A_177] : memref<4x!tpu.dma_semaphore, #tpu.memory_space<semaphore_mem>> -> memref<1x!tpu.dma_semaphore, #tpu.memory_space<semaphore_mem>>
    %dma_start3A_185 = tpu.memref_squeeze %dma_start3A_184 : memref<1x!tpu.dma_semaphore, #tpu.memory_space<semaphore_mem>> -> memref<!tpu.dma_semaphore, #tpu.memory_space<semaphore_mem>>
    tpu.enqueue_indirect_dma source(%dma_start3A_183 : memref<102400000xf32, #tpu.memory_space<hbm>>) target(%dma_start3A_179 : memref<128xf32, #tpu.memory_space<vmem>>) offsets(%dma_start3A_181 : memref<128xi32, #tpu.memory_space<vmem>>) semaphore(%dma_start3A_185 : memref<!tpu.dma_semaphore, #tpu.memory_space<semaphore_mem>>)
    %dma_start3A_186 = arith.constant 1 : i32
    %dma_start3A_187 = arith.constant 1536 : i32
    %dma_start3A_188 = tpu.memref_slice %arg9[%dma_start3A_187] : memref<4096xf32, #tpu.memory_space<vmem>> -> memref<128xf32, #tpu.memory_space<vmem>>
    %dma_start3A_189 = arith.constant 1536 : i32
    %dma_start3A_190 = tpu.memref_slice %arg7[%dma_start3A_189] : memref<4096xi32, #tpu.memory_space<vmem>> -> memref<128xi32, #tpu.memory_space<vmem>>
    %dma_start3A_191 = arith.constant 0 : i32
    %dma_start3A_192 = tpu.memref_slice %arg2[%dma_start3A_191] : memref<102400000xf32, #tpu.memory_space<hbm>> -> memref<102400000xf32, #tpu.memory_space<hbm>>
    %dma_start3A_193 = tpu.memref_slice %arg11[%dma_start3A_186] : memref<4x!tpu.dma_semaphore, #tpu.memory_space<semaphore_mem>> -> memref<1x!tpu.dma_semaphore, #tpu.memory_space<semaphore_mem>>
    %dma_start3A_194 = tpu.memref_squeeze %dma_start3A_193 : memref<1x!tpu.dma_semaphore, #tpu.memory_space<semaphore_mem>> -> memref<!tpu.dma_semaphore, #tpu.memory_space<semaphore_mem>>
    tpu.enqueue_indirect_dma source(%dma_start3A_192 : memref<102400000xf32, #tpu.memory_space<hbm>>) target(%dma_start3A_188 : memref<128xf32, #tpu.memory_space<vmem>>) offsets(%dma_start3A_190 : memref<128xi32, #tpu.memory_space<vmem>>) semaphore(%dma_start3A_194 : memref<!tpu.dma_semaphore, #tpu.memory_space<semaphore_mem>>)
    %dma_start3A_195 = arith.constant 1 : i32
    %dma_start3A_196 = arith.constant 1664 : i32
    %dma_start3A_197 = tpu.memref_slice %arg9[%dma_start3A_196] : memref<4096xf32, #tpu.memory_space<vmem>> -> memref<128xf32, #tpu.memory_space<vmem>>
    %dma_start3A_198 = arith.constant 1664 : i32
    %dma_start3A_199 = tpu.memref_slice %arg7[%dma_start3A_198] : memref<4096xi32, #tpu.memory_space<vmem>> -> memref<128xi32, #tpu.memory_space<vmem>>
    %dma_start3A_200 = arith.constant 0 : i32
    %dma_start3A_201 = tpu.memref_slice %arg2[%dma_start3A_200] : memref<102400000xf32, #tpu.memory_space<hbm>> -> memref<102400000xf32, #tpu.memory_space<hbm>>
    %dma_start3A_202 = tpu.memref_slice %arg11[%dma_start3A_195] : memref<4x!tpu.dma_semaphore, #tpu.memory_space<semaphore_mem>> -> memref<1x!tpu.dma_semaphore, #tpu.memory_space<semaphore_mem>>
    %dma_start3A_203 = tpu.memref_squeeze %dma_start3A_202 : memref<1x!tpu.dma_semaphore, #tpu.memory_space<semaphore_mem>> -> memref<!tpu.dma_semaphore, #tpu.memory_space<semaphore_mem>>
    tpu.enqueue_indirect_dma source(%dma_start3A_201 : memref<102400000xf32, #tpu.memory_space<hbm>>) target(%dma_start3A_197 : memref<128xf32, #tpu.memory_space<vmem>>) offsets(%dma_start3A_199 : memref<128xi32, #tpu.memory_space<vmem>>) semaphore(%dma_start3A_203 : memref<!tpu.dma_semaphore, #tpu.memory_space<semaphore_mem>>)
    %dma_start3A_204 = arith.constant 1 : i32
    %dma_start3A_205 = arith.constant 1792 : i32
    %dma_start3A_206 = tpu.memref_slice %arg9[%dma_start3A_205] : memref<4096xf32, #tpu.memory_space<vmem>> -> memref<128xf32, #tpu.memory_space<vmem>>
    %dma_start3A_207 = arith.constant 1792 : i32
    %dma_start3A_208 = tpu.memref_slice %arg7[%dma_start3A_207] : memref<4096xi32, #tpu.memory_space<vmem>> -> memref<128xi32, #tpu.memory_space<vmem>>
    %dma_start3A_209 = arith.constant 0 : i32
    %dma_start3A_210 = tpu.memref_slice %arg2[%dma_start3A_209] : memref<102400000xf32, #tpu.memory_space<hbm>> -> memref<102400000xf32, #tpu.memory_space<hbm>>
    %dma_start3A_211 = tpu.memref_slice %arg11[%dma_start3A_204] : memref<4x!tpu.dma_semaphore, #tpu.memory_space<semaphore_mem>> -> memref<1x!tpu.dma_semaphore, #tpu.memory_space<semaphore_mem>>
    %dma_start3A_212 = tpu.memref_squeeze %dma_start3A_211 : memref<1x!tpu.dma_semaphore, #tpu.memory_space<semaphore_mem>> -> memref<!tpu.dma_semaphore, #tpu.memory_space<semaphore_mem>>
    tpu.enqueue_indirect_dma source(%dma_start3A_210 : memref<102400000xf32, #tpu.memory_space<hbm>>) target(%dma_start3A_206 : memref<128xf32, #tpu.memory_space<vmem>>) offsets(%dma_start3A_208 : memref<128xi32, #tpu.memory_space<vmem>>) semaphore(%dma_start3A_212 : memref<!tpu.dma_semaphore, #tpu.memory_space<semaphore_mem>>)
    %dma_start3A_213 = arith.constant 1 : i32
    %dma_start3A_214 = arith.constant 1920 : i32
    %dma_start3A_215 = tpu.memref_slice %arg9[%dma_start3A_214] : memref<4096xf32, #tpu.memory_space<vmem>> -> memref<128xf32, #tpu.memory_space<vmem>>
    %dma_start3A_216 = arith.constant 1920 : i32
    %dma_start3A_217 = tpu.memref_slice %arg7[%dma_start3A_216] : memref<4096xi32, #tpu.memory_space<vmem>> -> memref<128xi32, #tpu.memory_space<vmem>>
    %dma_start3A_218 = arith.constant 0 : i32
    %dma_start3A_219 = tpu.memref_slice %arg2[%dma_start3A_218] : memref<102400000xf32, #tpu.memory_space<hbm>> -> memref<102400000xf32, #tpu.memory_space<hbm>>
    %dma_start3A_220 = tpu.memref_slice %arg11[%dma_start3A_213] : memref<4x!tpu.dma_semaphore, #tpu.memory_space<semaphore_mem>> -> memref<1x!tpu.dma_semaphore, #tpu.memory_space<semaphore_mem>>
    %dma_start3A_221 = tpu.memref_squeeze %dma_start3A_220 : memref<1x!tpu.dma_semaphore, #tpu.memory_space<semaphore_mem>> -> memref<!tpu.dma_semaphore, #tpu.memory_space<semaphore_mem>>
    tpu.enqueue_indirect_dma source(%dma_start3A_219 : memref<102400000xf32, #tpu.memory_space<hbm>>) target(%dma_start3A_215 : memref<128xf32, #tpu.memory_space<vmem>>) offsets(%dma_start3A_217 : memref<128xi32, #tpu.memory_space<vmem>>) semaphore(%dma_start3A_221 : memref<!tpu.dma_semaphore, #tpu.memory_space<semaphore_mem>>)
    %scan3A_222 = arith.constant 0 : i32
    %scan3A_223 = arith.constant 64 : i32
    %scan3A_224 = arith.constant 32 : i32
    %scan3A_225 = arith.addi %scan3A_223, %scan3A_224 : i32
    %scan3A_226 = arith.constant 1 : i32
    scf.for %scan3A_706 = %scan3A_223 to %scan3A_225 step %scan3A_226  : i32 {
      %mul3A_707 = arith.constant 32 : i32
      %mul3A_708 = arith.muli %scan3A_706, %mul3A_707 : i32
      %get3A_709 = arith.index_cast %mul3A_708 : i32 to index
      %get3A_710 = tpu.vector_load %arg7[%get3A_709] {strides = array<i32>} : memref<4096xi32, #tpu.memory_space<vmem>>, vector<16xi32>,
      %get3A_711 = vector.shape_cast %get3A_710 : vector<16xi32> to vector<16xi32>
      %shift_right_logical3A_712 = arith.constant 3 : i32
      %shift_right_logical3A_713 = vector.broadcast %shift_right_logical3A_712 : i32 to vector<16xi32>
      %shift_right_logical3A_714 = arith.shrui %get3A_711, %shift_right_logical3A_713 : vector<16xi32>
      %shift_left3A_715 = arith.constant 13 : i32
      %shift_left3A_716 = vector.broadcast %shift_left3A_715 : i32 to vector<16xi32>
      %shift_left3A_717 = arith.shli %shift_right_logical3A_714, %shift_left3A_716 : vector<16xi32>
      %and3A_718 = arith.constant 7 : i32
      %and3A_719 = vector.broadcast %and3A_718 : i32 to vector<16xi32>
      %and3A_720 = arith.andi %get3A_711, %and3A_719 : vector<16xi32>
      %shift_left3A_721 = arith.constant 7 : i32
      %shift_left3A_722 = vector.broadcast %shift_left3A_721 : i32 to vector<16xi32>
      %shift_left3A_723 = arith.shli %and3A_720, %shift_left3A_722 : vector<16xi32>
      %add3A_724 = arith.addi %shift_left3A_717, %shift_left3A_723 : vector<16xi32>
      %add3A_725 = arith.addi %add3A_724, %add3A_15 : vector<16xi32>
      %mul3A_726 = arith.constant 32 : i32
      %mul3A_727 = arith.muli %scan3A_706, %mul3A_726 : i32
      %swap3A_728 = arith.index_cast %mul3A_727 : i32 to index
      %swap3A_729 = tpu.vector_load %arg7[%swap3A_728] {strides = array<i32>} : memref<4096xi32, #tpu.memory_space<vmem>>, vector<16xi32>,
      %swap3A_730 = vector.shape_cast %swap3A_729 : vector<16xi32> to vector<16xi32>
      %swap3A_731 = vector.shape_cast %add3A_725 : vector<16xi32> to vector<16xi32>
      tpu.vector_store %arg7[%swap3A_728], %swap3A_731 {strides = array<i32>} : memref<4096xi32, #tpu.memory_space<vmem>>, vector<16xi32>,
      %mul3A_732 = arith.constant 32 : i32
      %mul3A_733 = arith.muli %scan3A_706, %mul3A_732 : i32
      %add3A_734 = arith.constant 16 : i32
      %add3A_735 = arith.addi %mul3A_733, %add3A_734 : i32
      %get3A_736 = arith.index_cast %add3A_735 : i32 to index
      %get3A_737 = tpu.vector_load %arg7[%get3A_736] {strides = array<i32>} : memref<4096xi32, #tpu.memory_space<vmem>>, vector<16xi32>,
      %get3A_738 = vector.shape_cast %get3A_737 : vector<16xi32> to vector<16xi32>
      %shift_right_logical3A_739 = arith.constant 3 : i32
      %shift_right_logical3A_740 = vector.broadcast %shift_right_logical3A_739 : i32 to vector<16xi32>
      %shift_right_logical3A_741 = arith.shrui %get3A_738, %shift_right_logical3A_740 : vector<16xi32>
      %shift_left3A_742 = arith.constant 13 : i32
      %shift_left3A_743 = vector.broadcast %shift_left3A_742 : i32 to vector<16xi32>
      %shift_left3A_744 = arith.shli %shift_right_logical3A_741, %shift_left3A_743 : vector<16xi32>
      %and3A_745 = arith.constant 7 : i32
      %and3A_746 = vector.broadcast %and3A_745 : i32 to vector<16xi32>
      %and3A_747 = arith.andi %get3A_738, %and3A_746 : vector<16xi32>
      %shift_left3A_748 = arith.constant 7 : i32
      %shift_left3A_749 = vector.broadcast %shift_left3A_748 : i32 to vector<16xi32>
      %shift_left3A_750 = arith.shli %and3A_747, %shift_left3A_749 : vector<16xi32>
      %add3A_751 = arith.addi %shift_left3A_744, %shift_left3A_750 : vector<16xi32>
      %add3A_752 = arith.addi %add3A_751, %add3A_25 : vector<16xi32>
      %mul3A_753 = arith.constant 32 : i32
      %mul3A_754 = arith.muli %scan3A_706, %mul3A_753 : i32
      %add3A_755 = arith.constant 16 : i32
      %add3A_756 = arith.addi %mul3A_754, %add3A_755 : i32
      %swap3A_757 = arith.index_cast %add3A_756 : i32 to index
      %swap3A_758 = tpu.vector_load %arg7[%swap3A_757] {strides = array<i32>} : memref<4096xi32, #tpu.memory_space<vmem>>, vector<16xi32>,
      %swap3A_759 = vector.shape_cast %swap3A_758 : vector<16xi32> to vector<16xi32>
      %swap3A_760 = vector.shape_cast %add3A_752 : vector<16xi32> to vector<16xi32>
      tpu.vector_store %arg7[%swap3A_757], %swap3A_760 {strides = array<i32>} : memref<4096xi32, #tpu.memory_space<vmem>>, vector<16xi32>,
    }
    %scan3A_227 = arith.constant 32 : i32
    %dma_start3A_228 = arith.constant 2 : i32
    %dma_start3A_229 = arith.constant 2048 : i32
    %dma_start3A_230 = tpu.memref_slice %arg9[%dma_start3A_229] : memref<4096xf32, #tpu.memory_space<vmem>> -> memref<128xf32, #tpu.memory_space<vmem>>
    %dma_start3A_231 = arith.constant 2048 : i32
    %dma_start3A_232 = tpu.memref_slice %arg7[%dma_start3A_231] : memref<4096xi32, #tpu.memory_space<vmem>> -> memref<128xi32, #tpu.memory_space<vmem>>
    %dma_start3A_233 = arith.constant 0 : i32
    %dma_start3A_234 = tpu.memref_slice %arg2[%dma_start3A_233] : memref<102400000xf32, #tpu.memory_space<hbm>> -> memref<102400000xf32, #tpu.memory_space<hbm>>
    %dma_start3A_235 = tpu.memref_slice %arg11[%dma_start3A_228] : memref<4x!tpu.dma_semaphore, #tpu.memory_space<semaphore_mem>> -> memref<1x!tpu.dma_semaphore, #tpu.memory_space<semaphore_mem>>
    %dma_start3A_236 = tpu.memref_squeeze %dma_start3A_235 : memref<1x!tpu.dma_semaphore, #tpu.memory_space<semaphore_mem>> -> memref<!tpu.dma_semaphore, #tpu.memory_space<semaphore_mem>>
    tpu.enqueue_indirect_dma source(%dma_start3A_234 : memref<102400000xf32, #tpu.memory_space<hbm>>) target(%dma_start3A_230 : memref<128xf32, #tpu.memory_space<vmem>>) offsets(%dma_start3A_232 : memref<128xi32, #tpu.memory_space<vmem>>) semaphore(%dma_start3A_236 : memref<!tpu.dma_semaphore, #tpu.memory_space<semaphore_mem>>)
    %dma_start3A_237 = arith.constant 2 : i32
    %dma_start3A_238 = arith.constant 2176 : i32
    %dma_start3A_239 = tpu.memref_slice %arg9[%dma_start3A_238] : memref<4096xf32, #tpu.memory_space<vmem>> -> memref<128xf32, #tpu.memory_space<vmem>>
    %dma_start3A_240 = arith.constant 2176 : i32
    %dma_start3A_241 = tpu.memref_slice %arg7[%dma_start3A_240] : memref<4096xi32, #tpu.memory_space<vmem>> -> memref<128xi32, #tpu.memory_space<vmem>>
    %dma_start3A_242 = arith.constant 0 : i32
    %dma_start3A_243 = tpu.memref_slice %arg2[%dma_start3A_242] : memref<102400000xf32, #tpu.memory_space<hbm>> -> memref<102400000xf32, #tpu.memory_space<hbm>>
    %dma_start3A_244 = tpu.memref_slice %arg11[%dma_start3A_237] : memref<4x!tpu.dma_semaphore, #tpu.memory_space<semaphore_mem>> -> memref<1x!tpu.dma_semaphore, #tpu.memory_space<semaphore_mem>>
    %dma_start3A_245 = tpu.memref_squeeze %dma_start3A_244 : memref<1x!tpu.dma_semaphore, #tpu.memory_space<semaphore_mem>> -> memref<!tpu.dma_semaphore, #tpu.memory_space<semaphore_mem>>
    tpu.enqueue_indirect_dma source(%dma_start3A_243 : memref<102400000xf32, #tpu.memory_space<hbm>>) target(%dma_start3A_239 : memref<128xf32, #tpu.memory_space<vmem>>) offsets(%dma_start3A_241 : memref<128xi32, #tpu.memory_space<vmem>>) semaphore(%dma_start3A_245 : memref<!tpu.dma_semaphore, #tpu.memory_space<semaphore_mem>>)
    %dma_start3A_246 = arith.constant 2 : i32
    %dma_start3A_247 = arith.constant 2304 : i32
    %dma_start3A_248 = tpu.memref_slice %arg9[%dma_start3A_247] : memref<4096xf32, #tpu.memory_space<vmem>> -> memref<128xf32, #tpu.memory_space<vmem>>
    %dma_start3A_249 = arith.constant 2304 : i32
    %dma_start3A_250 = tpu.memref_slice %arg7[%dma_start3A_249] : memref<4096xi32, #tpu.memory_space<vmem>> -> memref<128xi32, #tpu.memory_space<vmem>>
    %dma_start3A_251 = arith.constant 0 : i32
    %dma_start3A_252 = tpu.memref_slice %arg2[%dma_start3A_251] : memref<102400000xf32, #tpu.memory_space<hbm>> -> memref<102400000xf32, #tpu.memory_space<hbm>>
    %dma_start3A_253 = tpu.memref_slice %arg11[%dma_start3A_246] : memref<4x!tpu.dma_semaphore, #tpu.memory_space<semaphore_mem>> -> memref<1x!tpu.dma_semaphore, #tpu.memory_space<semaphore_mem>>
    %dma_start3A_254 = tpu.memref_squeeze %dma_start3A_253 : memref<1x!tpu.dma_semaphore, #tpu.memory_space<semaphore_mem>> -> memref<!tpu.dma_semaphore, #tpu.memory_space<semaphore_mem>>
    tpu.enqueue_indirect_dma source(%dma_start3A_252 : memref<102400000xf32, #tpu.memory_space<hbm>>) target(%dma_start3A_248 : memref<128xf32, #tpu.memory_space<vmem>>) offsets(%dma_start3A_250 : memref<128xi32, #tpu.memory_space<vmem>>) semaphore(%dma_start3A_254 : memref<!tpu.dma_semaphore, #tpu.memory_space<semaphore_mem>>)
    %dma_start3A_255 = arith.constant 2 : i32
    %dma_start3A_256 = arith.constant 2432 : i32
    %dma_start3A_257 = tpu.memref_slice %arg9[%dma_start3A_256] : memref<4096xf32, #tpu.memory_space<vmem>> -> memref<128xf32, #tpu.memory_space<vmem>>
    %dma_start3A_258 = arith.constant 2432 : i32
    %dma_start3A_259 = tpu.memref_slice %arg7[%dma_start3A_258] : memref<4096xi32, #tpu.memory_space<vmem>> -> memref<128xi32, #tpu.memory_space<vmem>>
    %dma_start3A_260 = arith.constant 0 : i32
    %dma_start3A_261 = tpu.memref_slice %arg2[%dma_start3A_260] : memref<102400000xf32, #tpu.memory_space<hbm>> -> memref<102400000xf32, #tpu.memory_space<hbm>>
    %dma_start3A_262 = tpu.memref_slice %arg11[%dma_start3A_255] : memref<4x!tpu.dma_semaphore, #tpu.memory_space<semaphore_mem>> -> memref<1x!tpu.dma_semaphore, #tpu.memory_space<semaphore_mem>>
    %dma_start3A_263 = tpu.memref_squeeze %dma_start3A_262 : memref<1x!tpu.dma_semaphore, #tpu.memory_space<semaphore_mem>> -> memref<!tpu.dma_semaphore, #tpu.memory_space<semaphore_mem>>
    tpu.enqueue_indirect_dma source(%dma_start3A_261 : memref<102400000xf32, #tpu.memory_space<hbm>>) target(%dma_start3A_257 : memref<128xf32, #tpu.memory_space<vmem>>) offsets(%dma_start3A_259 : memref<128xi32, #tpu.memory_space<vmem>>) semaphore(%dma_start3A_263 : memref<!tpu.dma_semaphore, #tpu.memory_space<semaphore_mem>>)
    %dma_start3A_264 = arith.constant 2 : i32
    %dma_start3A_265 = arith.constant 2560 : i32
    %dma_start3A_266 = tpu.memref_slice %arg9[%dma_start3A_265] : memref<4096xf32, #tpu.memory_space<vmem>> -> memref<128xf32, #tpu.memory_space<vmem>>
    %dma_start3A_267 = arith.constant 2560 : i32
    %dma_start3A_268 = tpu.memref_slice %arg7[%dma_start3A_267] : memref<4096xi32, #tpu.memory_space<vmem>> -> memref<128xi32, #tpu.memory_space<vmem>>
    %dma_start3A_269 = arith.constant 0 : i32
    %dma_start3A_270 = tpu.memref_slice %arg2[%dma_start3A_269] : memref<102400000xf32, #tpu.memory_space<hbm>> -> memref<102400000xf32, #tpu.memory_space<hbm>>
    %dma_start3A_271 = tpu.memref_slice %arg11[%dma_start3A_264] : memref<4x!tpu.dma_semaphore, #tpu.memory_space<semaphore_mem>> -> memref<1x!tpu.dma_semaphore, #tpu.memory_space<semaphore_mem>>
    %dma_start3A_272 = tpu.memref_squeeze %dma_start3A_271 : memref<1x!tpu.dma_semaphore, #tpu.memory_space<semaphore_mem>> -> memref<!tpu.dma_semaphore, #tpu.memory_space<semaphore_mem>>
    tpu.enqueue_indirect_dma source(%dma_start3A_270 : memref<102400000xf32, #tpu.memory_space<hbm>>) target(%dma_start3A_266 : memref<128xf32, #tpu.memory_space<vmem>>) offsets(%dma_start3A_268 : memref<128xi32, #tpu.memory_space<vmem>>) semaphore(%dma_start3A_272 : memref<!tpu.dma_semaphore, #tpu.memory_space<semaphore_mem>>)
    %dma_start3A_273 = arith.constant 2 : i32
    %dma_start3A_274 = arith.constant 2688 : i32
    %dma_start3A_275 = tpu.memref_slice %arg9[%dma_start3A_274] : memref<4096xf32, #tpu.memory_space<vmem>> -> memref<128xf32, #tpu.memory_space<vmem>>
    %dma_start3A_276 = arith.constant 2688 : i32
    %dma_start3A_277 = tpu.memref_slice %arg7[%dma_start3A_276] : memref<4096xi32, #tpu.memory_space<vmem>> -> memref<128xi32, #tpu.memory_space<vmem>>
    %dma_start3A_278 = arith.constant 0 : i32
    %dma_start3A_279 = tpu.memref_slice %arg2[%dma_start3A_278] : memref<102400000xf32, #tpu.memory_space<hbm>> -> memref<102400000xf32, #tpu.memory_space<hbm>>
    %dma_start3A_280 = tpu.memref_slice %arg11[%dma_start3A_273] : memref<4x!tpu.dma_semaphore, #tpu.memory_space<semaphore_mem>> -> memref<1x!tpu.dma_semaphore, #tpu.memory_space<semaphore_mem>>
    %dma_start3A_281 = tpu.memref_squeeze %dma_start3A_280 : memref<1x!tpu.dma_semaphore, #tpu.memory_space<semaphore_mem>> -> memref<!tpu.dma_semaphore, #tpu.memory_space<semaphore_mem>>
    tpu.enqueue_indirect_dma source(%dma_start3A_279 : memref<102400000xf32, #tpu.memory_space<hbm>>) target(%dma_start3A_275 : memref<128xf32, #tpu.memory_space<vmem>>) offsets(%dma_start3A_277 : memref<128xi32, #tpu.memory_space<vmem>>) semaphore(%dma_start3A_281 : memref<!tpu.dma_semaphore, #tpu.memory_space<semaphore_mem>>)
    %dma_start3A_282 = arith.constant 2 : i32
    %dma_start3A_283 = arith.constant 2816 : i32
    %dma_start3A_284 = tpu.memref_slice %arg9[%dma_start3A_283] : memref<4096xf32, #tpu.memory_space<vmem>> -> memref<128xf32, #tpu.memory_space<vmem>>
    %dma_start3A_285 = arith.constant 2816 : i32
    %dma_start3A_286 = tpu.memref_slice %arg7[%dma_start3A_285] : memref<4096xi32, #tpu.memory_space<vmem>> -> memref<128xi32, #tpu.memory_space<vmem>>
    %dma_start3A_287 = arith.constant 0 : i32
    %dma_start3A_288 = tpu.memref_slice %arg2[%dma_start3A_287] : memref<102400000xf32, #tpu.memory_space<hbm>> -> memref<102400000xf32, #tpu.memory_space<hbm>>
    %dma_start3A_289 = tpu.memref_slice %arg11[%dma_start3A_282] : memref<4x!tpu.dma_semaphore, #tpu.memory_space<semaphore_mem>> -> memref<1x!tpu.dma_semaphore, #tpu.memory_space<semaphore_mem>>
    %dma_start3A_290 = tpu.memref_squeeze %dma_start3A_289 : memref<1x!tpu.dma_semaphore, #tpu.memory_space<semaphore_mem>> -> memref<!tpu.dma_semaphore, #tpu.memory_space<semaphore_mem>>
    tpu.enqueue_indirect_dma source(%dma_start3A_288 : memref<102400000xf32, #tpu.memory_space<hbm>>) target(%dma_start3A_284 : memref<128xf32, #tpu.memory_space<vmem>>) offsets(%dma_start3A_286 : memref<128xi32, #tpu.memory_space<vmem>>) semaphore(%dma_start3A_290 : memref<!tpu.dma_semaphore, #tpu.memory_space<semaphore_mem>>)
    %dma_start3A_291 = arith.constant 2 : i32
    %dma_start3A_292 = arith.constant 2944 : i32
    %dma_start3A_293 = tpu.memref_slice %arg9[%dma_start3A_292] : memref<4096xf32, #tpu.memory_space<vmem>> -> memref<128xf32, #tpu.memory_space<vmem>>
    %dma_start3A_294 = arith.constant 2944 : i32
    %dma_start3A_295 = tpu.memref_slice %arg7[%dma_start3A_294] : memref<4096xi32, #tpu.memory_space<vmem>> -> memref<128xi32, #tpu.memory_space<vmem>>
    %dma_start3A_296 = arith.constant 0 : i32
    %dma_start3A_297 = tpu.memref_slice %arg2[%dma_start3A_296] : memref<102400000xf32, #tpu.memory_space<hbm>> -> memref<102400000xf32, #tpu.memory_space<hbm>>
    %dma_start3A_298 = tpu.memref_slice %arg11[%dma_start3A_291] : memref<4x!tpu.dma_semaphore, #tpu.memory_space<semaphore_mem>> -> memref<1x!tpu.dma_semaphore, #tpu.memory_space<semaphore_mem>>
    %dma_start3A_299 = tpu.memref_squeeze %dma_start3A_298 : memref<1x!tpu.dma_semaphore, #tpu.memory_space<semaphore_mem>> -> memref<!tpu.dma_semaphore, #tpu.memory_space<semaphore_mem>>
    tpu.enqueue_indirect_dma source(%dma_start3A_297 : memref<102400000xf32, #tpu.memory_space<hbm>>) target(%dma_start3A_293 : memref<128xf32, #tpu.memory_space<vmem>>) offsets(%dma_start3A_295 : memref<128xi32, #tpu.memory_space<vmem>>) semaphore(%dma_start3A_299 : memref<!tpu.dma_semaphore, #tpu.memory_space<semaphore_mem>>)
    %scan3A_300 = arith.constant 0 : i32
    %scan3A_301 = arith.constant 96 : i32
    %scan3A_302 = arith.constant 32 : i32
    %scan3A_303 = arith.addi %scan3A_301, %scan3A_302 : i32
    %scan3A_304 = arith.constant 1 : i32
    scf.for %scan3A_706 = %scan3A_301 to %scan3A_303 step %scan3A_304  : i32 {
      %mul3A_707 = arith.constant 32 : i32
      %mul3A_708 = arith.muli %scan3A_706, %mul3A_707 : i32
      %get3A_709 = arith.index_cast %mul3A_708 : i32 to index
      %get3A_710 = tpu.vector_load %arg7[%get3A_709] {strides = array<i32>} : memref<4096xi32, #tpu.memory_space<vmem>>, vector<16xi32>,
      %get3A_711 = vector.shape_cast %get3A_710 : vector<16xi32> to vector<16xi32>
      %shift_right_logical3A_712 = arith.constant 3 : i32
      %shift_right_logical3A_713 = vector.broadcast %shift_right_logical3A_712 : i32 to vector<16xi32>
      %shift_right_logical3A_714 = arith.shrui %get3A_711, %shift_right_logical3A_713 : vector<16xi32>
      %shift_left3A_715 = arith.constant 13 : i32
      %shift_left3A_716 = vector.broadcast %shift_left3A_715 : i32 to vector<16xi32>
      %shift_left3A_717 = arith.shli %shift_right_logical3A_714, %shift_left3A_716 : vector<16xi32>
      %and3A_718 = arith.constant 7 : i32
      %and3A_719 = vector.broadcast %and3A_718 : i32 to vector<16xi32>
      %and3A_720 = arith.andi %get3A_711, %and3A_719 : vector<16xi32>
      %shift_left3A_721 = arith.constant 7 : i32
      %shift_left3A_722 = vector.broadcast %shift_left3A_721 : i32 to vector<16xi32>
      %shift_left3A_723 = arith.shli %and3A_720, %shift_left3A_722 : vector<16xi32>
      %add3A_724 = arith.addi %shift_left3A_717, %shift_left3A_723 : vector<16xi32>
      %add3A_725 = arith.addi %add3A_724, %add3A_15 : vector<16xi32>
      %mul3A_726 = arith.constant 32 : i32
      %mul3A_727 = arith.muli %scan3A_706, %mul3A_726 : i32
      %swap3A_728 = arith.index_cast %mul3A_727 : i32 to index
      %swap3A_729 = tpu.vector_load %arg7[%swap3A_728] {strides = array<i32>} : memref<4096xi32, #tpu.memory_space<vmem>>, vector<16xi32>,
      %swap3A_730 = vector.shape_cast %swap3A_729 : vector<16xi32> to vector<16xi32>
      %swap3A_731 = vector.shape_cast %add3A_725 : vector<16xi32> to vector<16xi32>
      tpu.vector_store %arg7[%swap3A_728], %swap3A_731 {strides = array<i32>} : memref<4096xi32, #tpu.memory_space<vmem>>, vector<16xi32>,
      %mul3A_732 = arith.constant 32 : i32
      %mul3A_733 = arith.muli %scan3A_706, %mul3A_732 : i32
      %add3A_734 = arith.constant 16 : i32
      %add3A_735 = arith.addi %mul3A_733, %add3A_734 : i32
      %get3A_736 = arith.index_cast %add3A_735 : i32 to index
      %get3A_737 = tpu.vector_load %arg7[%get3A_736] {strides = array<i32>} : memref<4096xi32, #tpu.memory_space<vmem>>, vector<16xi32>,
      %get3A_738 = vector.shape_cast %get3A_737 : vector<16xi32> to vector<16xi32>
      %shift_right_logical3A_739 = arith.constant 3 : i32
      %shift_right_logical3A_740 = vector.broadcast %shift_right_logical3A_739 : i32 to vector<16xi32>
      %shift_right_logical3A_741 = arith.shrui %get3A_738, %shift_right_logical3A_740 : vector<16xi32>
      %shift_left3A_742 = arith.constant 13 : i32
      %shift_left3A_743 = vector.broadcast %shift_left3A_742 : i32 to vector<16xi32>
      %shift_left3A_744 = arith.shli %shift_right_logical3A_741, %shift_left3A_743 : vector<16xi32>
      %and3A_745 = arith.constant 7 : i32
      %and3A_746 = vector.broadcast %and3A_745 : i32 to vector<16xi32>
      %and3A_747 = arith.andi %get3A_738, %and3A_746 : vector<16xi32>
      %shift_left3A_748 = arith.constant 7 : i32
      %shift_left3A_749 = vector.broadcast %shift_left3A_748 : i32 to vector<16xi32>
      %shift_left3A_750 = arith.shli %and3A_747, %shift_left3A_749 : vector<16xi32>
      %add3A_751 = arith.addi %shift_left3A_744, %shift_left3A_750 : vector<16xi32>
      %add3A_752 = arith.addi %add3A_751, %add3A_25 : vector<16xi32>
      %mul3A_753 = arith.constant 32 : i32
      %mul3A_754 = arith.muli %scan3A_706, %mul3A_753 : i32
      %add3A_755 = arith.constant 16 : i32
      %add3A_756 = arith.addi %mul3A_754, %add3A_755 : i32
      %swap3A_757 = arith.index_cast %add3A_756 : i32 to index
      %swap3A_758 = tpu.vector_load %arg7[%swap3A_757] {strides = array<i32>} : memref<4096xi32, #tpu.memory_space<vmem>>, vector<16xi32>,
      %swap3A_759 = vector.shape_cast %swap3A_758 : vector<16xi32> to vector<16xi32>
      %swap3A_760 = vector.shape_cast %add3A_752 : vector<16xi32> to vector<16xi32>
      tpu.vector_store %arg7[%swap3A_757], %swap3A_760 {strides = array<i32>} : memref<4096xi32, #tpu.memory_space<vmem>>, vector<16xi32>,
    }
    %scan3A_305 = arith.constant 32 : i32
    %dma_start3A_306 = arith.constant 3 : i32
    %dma_start3A_307 = arith.constant 3072 : i32
    %dma_start3A_308 = tpu.memref_slice %arg9[%dma_start3A_307] : memref<4096xf32, #tpu.memory_space<vmem>> -> memref<128xf32, #tpu.memory_space<vmem>>
    %dma_start3A_309 = arith.constant 3072 : i32
    %dma_start3A_310 = tpu.memref_slice %arg7[%dma_start3A_309] : memref<4096xi32, #tpu.memory_space<vmem>> -> memref<128xi32, #tpu.memory_space<vmem>>
    %dma_start3A_311 = arith.constant 0 : i32
    %dma_start3A_312 = tpu.memref_slice %arg2[%dma_start3A_311] : memref<102400000xf32, #tpu.memory_space<hbm>> -> memref<102400000xf32, #tpu.memory_space<hbm>>
    %dma_start3A_313 = tpu.memref_slice %arg11[%dma_start3A_306] : memref<4x!tpu.dma_semaphore, #tpu.memory_space<semaphore_mem>> -> memref<1x!tpu.dma_semaphore, #tpu.memory_space<semaphore_mem>>
    %dma_start3A_314 = tpu.memref_squeeze %dma_start3A_313 : memref<1x!tpu.dma_semaphore, #tpu.memory_space<semaphore_mem>> -> memref<!tpu.dma_semaphore, #tpu.memory_space<semaphore_mem>>
    tpu.enqueue_indirect_dma source(%dma_start3A_312 : memref<102400000xf32, #tpu.memory_space<hbm>>) target(%dma_start3A_308 : memref<128xf32, #tpu.memory_space<vmem>>) offsets(%dma_start3A_310 : memref<128xi32, #tpu.memory_space<vmem>>) semaphore(%dma_start3A_314 : memref<!tpu.dma_semaphore, #tpu.memory_space<semaphore_mem>>)
    %dma_start3A_315 = arith.constant 3 : i32
    %dma_start3A_316 = arith.constant 3200 : i32
    %dma_start3A_317 = tpu.memref_slice %arg9[%dma_start3A_316] : memref<4096xf32, #tpu.memory_space<vmem>> -> memref<128xf32, #tpu.memory_space<vmem>>
    %dma_start3A_318 = arith.constant 3200 : i32
    %dma_start3A_319 = tpu.memref_slice %arg7[%dma_start3A_318] : memref<4096xi32, #tpu.memory_space<vmem>> -> memref<128xi32, #tpu.memory_space<vmem>>
    %dma_start3A_320 = arith.constant 0 : i32
    %dma_start3A_321 = tpu.memref_slice %arg2[%dma_start3A_320] : memref<102400000xf32, #tpu.memory_space<hbm>> -> memref<102400000xf32, #tpu.memory_space<hbm>>
    %dma_start3A_322 = tpu.memref_slice %arg11[%dma_start3A_315] : memref<4x!tpu.dma_semaphore, #tpu.memory_space<semaphore_mem>> -> memref<1x!tpu.dma_semaphore, #tpu.memory_space<semaphore_mem>>
    %dma_start3A_323 = tpu.memref_squeeze %dma_start3A_322 : memref<1x!tpu.dma_semaphore, #tpu.memory_space<semaphore_mem>> -> memref<!tpu.dma_semaphore, #tpu.memory_space<semaphore_mem>>
    tpu.enqueue_indirect_dma source(%dma_start3A_321 : memref<102400000xf32, #tpu.memory_space<hbm>>) target(%dma_start3A_317 : memref<128xf32, #tpu.memory_space<vmem>>) offsets(%dma_start3A_319 : memref<128xi32, #tpu.memory_space<vmem>>) semaphore(%dma_start3A_323 : memref<!tpu.dma_semaphore, #tpu.memory_space<semaphore_mem>>)
    %dma_start3A_324 = arith.constant 3 : i32
    %dma_start3A_325 = arith.constant 3328 : i32
    %dma_start3A_326 = tpu.memref_slice %arg9[%dma_start3A_325] : memref<4096xf32, #tpu.memory_space<vmem>> -> memref<128xf32, #tpu.memory_space<vmem>>
    %dma_start3A_327 = arith.constant 3328 : i32
    %dma_start3A_328 = tpu.memref_slice %arg7[%dma_start3A_327] : memref<4096xi32, #tpu.memory_space<vmem>> -> memref<128xi32, #tpu.memory_space<vmem>>
    %dma_start3A_329 = arith.constant 0 : i32
    %dma_start3A_330 = tpu.memref_slice %arg2[%dma_start3A_329] : memref<102400000xf32, #tpu.memory_space<hbm>> -> memref<102400000xf32, #tpu.memory_space<hbm>>
    %dma_start3A_331 = tpu.memref_slice %arg11[%dma_start3A_324] : memref<4x!tpu.dma_semaphore, #tpu.memory_space<semaphore_mem>> -> memref<1x!tpu.dma_semaphore, #tpu.memory_space<semaphore_mem>>
    %dma_start3A_332 = tpu.memref_squeeze %dma_start3A_331 : memref<1x!tpu.dma_semaphore, #tpu.memory_space<semaphore_mem>> -> memref<!tpu.dma_semaphore, #tpu.memory_space<semaphore_mem>>
    tpu.enqueue_indirect_dma source(%dma_start3A_330 : memref<102400000xf32, #tpu.memory_space<hbm>>) target(%dma_start3A_326 : memref<128xf32, #tpu.memory_space<vmem>>) offsets(%dma_start3A_328 : memref<128xi32, #tpu.memory_space<vmem>>) semaphore(%dma_start3A_332 : memref<!tpu.dma_semaphore, #tpu.memory_space<semaphore_mem>>)
    %dma_start3A_333 = arith.constant 3 : i32
    %dma_start3A_334 = arith.constant 3456 : i32
    %dma_start3A_335 = tpu.memref_slice %arg9[%dma_start3A_334] : memref<4096xf32, #tpu.memory_space<vmem>> -> memref<128xf32, #tpu.memory_space<vmem>>
    %dma_start3A_336 = arith.constant 3456 : i32
    %dma_start3A_337 = tpu.memref_slice %arg7[%dma_start3A_336] : memref<4096xi32, #tpu.memory_space<vmem>> -> memref<128xi32, #tpu.memory_space<vmem>>
    %dma_start3A_338 = arith.constant 0 : i32
    %dma_start3A_339 = tpu.memref_slice %arg2[%dma_start3A_338] : memref<102400000xf32, #tpu.memory_space<hbm>> -> memref<102400000xf32, #tpu.memory_space<hbm>>
    %dma_start3A_340 = tpu.memref_slice %arg11[%dma_start3A_333] : memref<4x!tpu.dma_semaphore, #tpu.memory_space<semaphore_mem>> -> memref<1x!tpu.dma_semaphore, #tpu.memory_space<semaphore_mem>>
    %dma_start3A_341 = tpu.memref_squeeze %dma_start3A_340 : memref<1x!tpu.dma_semaphore, #tpu.memory_space<semaphore_mem>> -> memref<!tpu.dma_semaphore, #tpu.memory_space<semaphore_mem>>
    tpu.enqueue_indirect_dma source(%dma_start3A_339 : memref<102400000xf32, #tpu.memory_space<hbm>>) target(%dma_start3A_335 : memref<128xf32, #tpu.memory_space<vmem>>) offsets(%dma_start3A_337 : memref<128xi32, #tpu.memory_space<vmem>>) semaphore(%dma_start3A_341 : memref<!tpu.dma_semaphore, #tpu.memory_space<semaphore_mem>>)
    %dma_start3A_342 = arith.constant 3 : i32
    %dma_start3A_343 = arith.constant 3584 : i32
    %dma_start3A_344 = tpu.memref_slice %arg9[%dma_start3A_343] : memref<4096xf32, #tpu.memory_space<vmem>> -> memref<128xf32, #tpu.memory_space<vmem>>
    %dma_start3A_345 = arith.constant 3584 : i32
    %dma_start3A_346 = tpu.memref_slice %arg7[%dma_start3A_345] : memref<4096xi32, #tpu.memory_space<vmem>> -> memref<128xi32, #tpu.memory_space<vmem>>
    %dma_start3A_347 = arith.constant 0 : i32
    %dma_start3A_348 = tpu.memref_slice %arg2[%dma_start3A_347] : memref<102400000xf32, #tpu.memory_space<hbm>> -> memref<102400000xf32, #tpu.memory_space<hbm>>
    %dma_start3A_349 = tpu.memref_slice %arg11[%dma_start3A_342] : memref<4x!tpu.dma_semaphore, #tpu.memory_space<semaphore_mem>> -> memref<1x!tpu.dma_semaphore, #tpu.memory_space<semaphore_mem>>
    %dma_start3A_350 = tpu.memref_squeeze %dma_start3A_349 : memref<1x!tpu.dma_semaphore, #tpu.memory_space<semaphore_mem>> -> memref<!tpu.dma_semaphore, #tpu.memory_space<semaphore_mem>>
    tpu.enqueue_indirect_dma source(%dma_start3A_348 : memref<102400000xf32, #tpu.memory_space<hbm>>) target(%dma_start3A_344 : memref<128xf32, #tpu.memory_space<vmem>>) offsets(%dma_start3A_346 : memref<128xi32, #tpu.memory_space<vmem>>) semaphore(%dma_start3A_350 : memref<!tpu.dma_semaphore, #tpu.memory_space<semaphore_mem>>)
    %dma_start3A_351 = arith.constant 3 : i32
    %dma_start3A_352 = arith.constant 3712 : i32
    %dma_start3A_353 = tpu.memref_slice %arg9[%dma_start3A_352] : memref<4096xf32, #tpu.memory_space<vmem>> -> memref<128xf32, #tpu.memory_space<vmem>>
    %dma_start3A_354 = arith.constant 3712 : i32
    %dma_start3A_355 = tpu.memref_slice %arg7[%dma_start3A_354] : memref<4096xi32, #tpu.memory_space<vmem>> -> memref<128xi32, #tpu.memory_space<vmem>>
    %dma_start3A_356 = arith.constant 0 : i32
    %dma_start3A_357 = tpu.memref_slice %arg2[%dma_start3A_356] : memref<102400000xf32, #tpu.memory_space<hbm>> -> memref<102400000xf32, #tpu.memory_space<hbm>>
    %dma_start3A_358 = tpu.memref_slice %arg11[%dma_start3A_351] : memref<4x!tpu.dma_semaphore, #tpu.memory_space<semaphore_mem>> -> memref<1x!tpu.dma_semaphore, #tpu.memory_space<semaphore_mem>>
    %dma_start3A_359 = tpu.memref_squeeze %dma_start3A_358 : memref<1x!tpu.dma_semaphore, #tpu.memory_space<semaphore_mem>> -> memref<!tpu.dma_semaphore, #tpu.memory_space<semaphore_mem>>
    tpu.enqueue_indirect_dma source(%dma_start3A_357 : memref<102400000xf32, #tpu.memory_space<hbm>>) target(%dma_start3A_353 : memref<128xf32, #tpu.memory_space<vmem>>) offsets(%dma_start3A_355 : memref<128xi32, #tpu.memory_space<vmem>>) semaphore(%dma_start3A_359 : memref<!tpu.dma_semaphore, #tpu.memory_space<semaphore_mem>>)
    %dma_start3A_360 = arith.constant 3 : i32
    %dma_start3A_361 = arith.constant 3840 : i32
    %dma_start3A_362 = tpu.memref_slice %arg9[%dma_start3A_361] : memref<4096xf32, #tpu.memory_space<vmem>> -> memref<128xf32, #tpu.memory_space<vmem>>
    %dma_start3A_363 = arith.constant 3840 : i32
    %dma_start3A_364 = tpu.memref_slice %arg7[%dma_start3A_363] : memref<4096xi32, #tpu.memory_space<vmem>> -> memref<128xi32, #tpu.memory_space<vmem>>
    %dma_start3A_365 = arith.constant 0 : i32
    %dma_start3A_366 = tpu.memref_slice %arg2[%dma_start3A_365] : memref<102400000xf32, #tpu.memory_space<hbm>> -> memref<102400000xf32, #tpu.memory_space<hbm>>
    %dma_start3A_367 = tpu.memref_slice %arg11[%dma_start3A_360] : memref<4x!tpu.dma_semaphore, #tpu.memory_space<semaphore_mem>> -> memref<1x!tpu.dma_semaphore, #tpu.memory_space<semaphore_mem>>
    %dma_start3A_368 = tpu.memref_squeeze %dma_start3A_367 : memref<1x!tpu.dma_semaphore, #tpu.memory_space<semaphore_mem>> -> memref<!tpu.dma_semaphore, #tpu.memory_space<semaphore_mem>>
    tpu.enqueue_indirect_dma source(%dma_start3A_366 : memref<102400000xf32, #tpu.memory_space<hbm>>) target(%dma_start3A_362 : memref<128xf32, #tpu.memory_space<vmem>>) offsets(%dma_start3A_364 : memref<128xi32, #tpu.memory_space<vmem>>) semaphore(%dma_start3A_368 : memref<!tpu.dma_semaphore, #tpu.memory_space<semaphore_mem>>)
    %dma_start3A_369 = arith.constant 3 : i32
    %dma_start3A_370 = arith.constant 3968 : i32
    %dma_start3A_371 = tpu.memref_slice %arg9[%dma_start3A_370] : memref<4096xf32, #tpu.memory_space<vmem>> -> memref<128xf32, #tpu.memory_space<vmem>>
    %dma_start3A_372 = arith.constant 3968 : i32
    %dma_start3A_373 = tpu.memref_slice %arg7[%dma_start3A_372] : memref<4096xi32, #tpu.memory_space<vmem>> -> memref<128xi32, #tpu.memory_space<vmem>>
    %dma_start3A_374 = arith.constant 0 : i32
    %dma_start3A_375 = tpu.memref_slice %arg2[%dma_start3A_374] : memref<102400000xf32, #tpu.memory_space<hbm>> -> memref<102400000xf32, #tpu.memory_space<hbm>>
    %dma_start3A_376 = tpu.memref_slice %arg11[%dma_start3A_369] : memref<4x!tpu.dma_semaphore, #tpu.memory_space<semaphore_mem>> -> memref<1x!tpu.dma_semaphore, #tpu.memory_space<semaphore_mem>>
    %dma_start3A_377 = tpu.memref_squeeze %dma_start3A_376 : memref<1x!tpu.dma_semaphore, #tpu.memory_space<semaphore_mem>> -> memref<!tpu.dma_semaphore, #tpu.memory_space<semaphore_mem>>
    tpu.enqueue_indirect_dma source(%dma_start3A_375 : memref<102400000xf32, #tpu.memory_space<hbm>>) target(%dma_start3A_371 : memref<128xf32, #tpu.memory_space<vmem>>) offsets(%dma_start3A_373 : memref<128xi32, #tpu.memory_space<vmem>>) semaphore(%dma_start3A_377 : memref<!tpu.dma_semaphore, #tpu.memory_space<semaphore_mem>>)
    %dma_wait3A = arith.constant 0 : i32
    %dma_wait3A_378 = tpu.memref_slice %arg2[%dma_wait3A] : memref<102400000xf32, #tpu.memory_space<hbm>> -> memref<102400000xf32, #tpu.memory_space<hbm>>
    tpu.wait_indirect_dma semaphore(%arg12 : memref<!tpu.dma_semaphore, #tpu.memory_space<semaphore_mem>>) src(%dma_wait3A_378 : memref<102400000xf32, #tpu.memory_space<hbm>>) dst(%arg8 : memref<32xf32, #tpu.memory_space<vmem>>)
    %get3A_379 = arith.constant 0 : index
    %get3A_380 = tpu.vector_load %arg8[%get3A_379] {strides = array<i32>} : memref<32xf32, #tpu.memory_space<vmem>>, vector<16xf32>,
    %get3A_381 = vector.shape_cast %get3A_380 : vector<16xf32> to vector<16xf32>
    %get3A_382 = arith.constant 16 : index
    %get3A_383 = tpu.vector_load %arg8[%get3A_382] {strides = array<i32>} : memref<32xf32, #tpu.memory_space<vmem>>, vector<16xf32>,
    %get3A_384 = vector.shape_cast %get3A_383 : vector<16xf32> to vector<16xf32>
    %broadcast_in_dim3A = arith.constant 0.000000e+00 : f32
    %broadcast_in_dim3A_385 = vector.broadcast %broadcast_in_dim3A : f32 to vector<16xf32>
    %dma_wait3A_386 = arith.constant 0 : i32
    %dma_wait3A_387 = arith.constant 0 : i32
    %dma_wait3A_388 = tpu.memref_slice %arg9[%dma_wait3A_387] : memref<4096xf32, #tpu.memory_space<vmem>> -> memref<128xf32, #tpu.memory_space<vmem>>
    %dma_wait3A_389 = arith.constant 0 : i32
    %dma_wait3A_390 = tpu.memref_slice %arg7[%dma_wait3A_389] : memref<4096xi32, #tpu.memory_space<vmem>> -> memref<128xi32, #tpu.memory_space<vmem>>
    %dma_wait3A_391 = arith.constant 0 : i32
    %dma_wait3A_392 = tpu.memref_slice %arg2[%dma_wait3A_391] : memref<102400000xf32, #tpu.memory_space<hbm>> -> memref<102400000xf32, #tpu.memory_space<hbm>>
    %dma_wait3A_393 = tpu.memref_slice %arg11[%dma_wait3A_386] : memref<4x!tpu.dma_semaphore, #tpu.memory_space<semaphore_mem>> -> memref<1x!tpu.dma_semaphore, #tpu.memory_space<semaphore_mem>>
    %dma_wait3A_394 = tpu.memref_squeeze %dma_wait3A_393 : memref<1x!tpu.dma_semaphore, #tpu.memory_space<semaphore_mem>> -> memref<!tpu.dma_semaphore, #tpu.memory_space<semaphore_mem>>
    tpu.wait_indirect_dma semaphore(%dma_wait3A_394 : memref<!tpu.dma_semaphore, #tpu.memory_space<semaphore_mem>>) src(%dma_wait3A_392 : memref<102400000xf32, #tpu.memory_space<hbm>>) dst(%dma_wait3A_388 : memref<128xf32, #tpu.memory_space<vmem>>)
    %dma_wait3A_395 = arith.constant 0 : i32
    %dma_wait3A_396 = arith.constant 128 : i32
    %dma_wait3A_397 = tpu.memref_slice %arg9[%dma_wait3A_396] : memref<4096xf32, #tpu.memory_space<vmem>> -> memref<128xf32, #tpu.memory_space<vmem>>
    %dma_wait3A_398 = arith.constant 128 : i32
    %dma_wait3A_399 = tpu.memref_slice %arg7[%dma_wait3A_398] : memref<4096xi32, #tpu.memory_space<vmem>> -> memref<128xi32, #tpu.memory_space<vmem>>
    %dma_wait3A_400 = arith.constant 0 : i32
    %dma_wait3A_401 = tpu.memref_slice %arg2[%dma_wait3A_400] : memref<102400000xf32, #tpu.memory_space<hbm>> -> memref<102400000xf32, #tpu.memory_space<hbm>>
    %dma_wait3A_402 = tpu.memref_slice %arg11[%dma_wait3A_395] : memref<4x!tpu.dma_semaphore, #tpu.memory_space<semaphore_mem>> -> memref<1x!tpu.dma_semaphore, #tpu.memory_space<semaphore_mem>>
    %dma_wait3A_403 = tpu.memref_squeeze %dma_wait3A_402 : memref<1x!tpu.dma_semaphore, #tpu.memory_space<semaphore_mem>> -> memref<!tpu.dma_semaphore, #tpu.memory_space<semaphore_mem>>
    tpu.wait_indirect_dma semaphore(%dma_wait3A_403 : memref<!tpu.dma_semaphore, #tpu.memory_space<semaphore_mem>>) src(%dma_wait3A_401 : memref<102400000xf32, #tpu.memory_space<hbm>>) dst(%dma_wait3A_397 : memref<128xf32, #tpu.memory_space<vmem>>)
    %dma_wait3A_404 = arith.constant 0 : i32
    %dma_wait3A_405 = arith.constant 256 : i32
    %dma_wait3A_406 = tpu.memref_slice %arg9[%dma_wait3A_405] : memref<4096xf32, #tpu.memory_space<vmem>> -> memref<128xf32, #tpu.memory_space<vmem>>
    %dma_wait3A_407 = arith.constant 256 : i32
    %dma_wait3A_408 = tpu.memref_slice %arg7[%dma_wait3A_407] : memref<4096xi32, #tpu.memory_space<vmem>> -> memref<128xi32, #tpu.memory_space<vmem>>
    %dma_wait3A_409 = arith.constant 0 : i32
    %dma_wait3A_410 = tpu.memref_slice %arg2[%dma_wait3A_409] : memref<102400000xf32, #tpu.memory_space<hbm>> -> memref<102400000xf32, #tpu.memory_space<hbm>>
    %dma_wait3A_411 = tpu.memref_slice %arg11[%dma_wait3A_404] : memref<4x!tpu.dma_semaphore, #tpu.memory_space<semaphore_mem>> -> memref<1x!tpu.dma_semaphore, #tpu.memory_space<semaphore_mem>>
    %dma_wait3A_412 = tpu.memref_squeeze %dma_wait3A_411 : memref<1x!tpu.dma_semaphore, #tpu.memory_space<semaphore_mem>> -> memref<!tpu.dma_semaphore, #tpu.memory_space<semaphore_mem>>
    tpu.wait_indirect_dma semaphore(%dma_wait3A_412 : memref<!tpu.dma_semaphore, #tpu.memory_space<semaphore_mem>>) src(%dma_wait3A_410 : memref<102400000xf32, #tpu.memory_space<hbm>>) dst(%dma_wait3A_406 : memref<128xf32, #tpu.memory_space<vmem>>)
    %dma_wait3A_413 = arith.constant 0 : i32
    %dma_wait3A_414 = arith.constant 384 : i32
    %dma_wait3A_415 = tpu.memref_slice %arg9[%dma_wait3A_414] : memref<4096xf32, #tpu.memory_space<vmem>> -> memref<128xf32, #tpu.memory_space<vmem>>
    %dma_wait3A_416 = arith.constant 384 : i32
    %dma_wait3A_417 = tpu.memref_slice %arg7[%dma_wait3A_416] : memref<4096xi32, #tpu.memory_space<vmem>> -> memref<128xi32, #tpu.memory_space<vmem>>
    %dma_wait3A_418 = arith.constant 0 : i32
    %dma_wait3A_419 = tpu.memref_slice %arg2[%dma_wait3A_418] : memref<102400000xf32, #tpu.memory_space<hbm>> -> memref<102400000xf32, #tpu.memory_space<hbm>>
    %dma_wait3A_420 = tpu.memref_slice %arg11[%dma_wait3A_413] : memref<4x!tpu.dma_semaphore, #tpu.memory_space<semaphore_mem>> -> memref<1x!tpu.dma_semaphore, #tpu.memory_space<semaphore_mem>>
    %dma_wait3A_421 = tpu.memref_squeeze %dma_wait3A_420 : memref<1x!tpu.dma_semaphore, #tpu.memory_space<semaphore_mem>> -> memref<!tpu.dma_semaphore, #tpu.memory_space<semaphore_mem>>
    tpu.wait_indirect_dma semaphore(%dma_wait3A_421 : memref<!tpu.dma_semaphore, #tpu.memory_space<semaphore_mem>>) src(%dma_wait3A_419 : memref<102400000xf32, #tpu.memory_space<hbm>>) dst(%dma_wait3A_415 : memref<128xf32, #tpu.memory_space<vmem>>)
    %dma_wait3A_422 = arith.constant 0 : i32
    %dma_wait3A_423 = arith.constant 512 : i32
    %dma_wait3A_424 = tpu.memref_slice %arg9[%dma_wait3A_423] : memref<4096xf32, #tpu.memory_space<vmem>> -> memref<128xf32, #tpu.memory_space<vmem>>
    %dma_wait3A_425 = arith.constant 512 : i32
    %dma_wait3A_426 = tpu.memref_slice %arg7[%dma_wait3A_425] : memref<4096xi32, #tpu.memory_space<vmem>> -> memref<128xi32, #tpu.memory_space<vmem>>
    %dma_wait3A_427 = arith.constant 0 : i32
    %dma_wait3A_428 = tpu.memref_slice %arg2[%dma_wait3A_427] : memref<102400000xf32, #tpu.memory_space<hbm>> -> memref<102400000xf32, #tpu.memory_space<hbm>>
    %dma_wait3A_429 = tpu.memref_slice %arg11[%dma_wait3A_422] : memref<4x!tpu.dma_semaphore, #tpu.memory_space<semaphore_mem>> -> memref<1x!tpu.dma_semaphore, #tpu.memory_space<semaphore_mem>>
    %dma_wait3A_430 = tpu.memref_squeeze %dma_wait3A_429 : memref<1x!tpu.dma_semaphore, #tpu.memory_space<semaphore_mem>> -> memref<!tpu.dma_semaphore, #tpu.memory_space<semaphore_mem>>
    tpu.wait_indirect_dma semaphore(%dma_wait3A_430 : memref<!tpu.dma_semaphore, #tpu.memory_space<semaphore_mem>>) src(%dma_wait3A_428 : memref<102400000xf32, #tpu.memory_space<hbm>>) dst(%dma_wait3A_424 : memref<128xf32, #tpu.memory_space<vmem>>)
    %dma_wait3A_431 = arith.constant 0 : i32
    %dma_wait3A_432 = arith.constant 640 : i32
    %dma_wait3A_433 = tpu.memref_slice %arg9[%dma_wait3A_432] : memref<4096xf32, #tpu.memory_space<vmem>> -> memref<128xf32, #tpu.memory_space<vmem>>
    %dma_wait3A_434 = arith.constant 640 : i32
    %dma_wait3A_435 = tpu.memref_slice %arg7[%dma_wait3A_434] : memref<4096xi32, #tpu.memory_space<vmem>> -> memref<128xi32, #tpu.memory_space<vmem>>
    %dma_wait3A_436 = arith.constant 0 : i32
    %dma_wait3A_437 = tpu.memref_slice %arg2[%dma_wait3A_436] : memref<102400000xf32, #tpu.memory_space<hbm>> -> memref<102400000xf32, #tpu.memory_space<hbm>>
    %dma_wait3A_438 = tpu.memref_slice %arg11[%dma_wait3A_431] : memref<4x!tpu.dma_semaphore, #tpu.memory_space<semaphore_mem>> -> memref<1x!tpu.dma_semaphore, #tpu.memory_space<semaphore_mem>>
    %dma_wait3A_439 = tpu.memref_squeeze %dma_wait3A_438 : memref<1x!tpu.dma_semaphore, #tpu.memory_space<semaphore_mem>> -> memref<!tpu.dma_semaphore, #tpu.memory_space<semaphore_mem>>
    tpu.wait_indirect_dma semaphore(%dma_wait3A_439 : memref<!tpu.dma_semaphore, #tpu.memory_space<semaphore_mem>>) src(%dma_wait3A_437 : memref<102400000xf32, #tpu.memory_space<hbm>>) dst(%dma_wait3A_433 : memref<128xf32, #tpu.memory_space<vmem>>)
    %dma_wait3A_440 = arith.constant 0 : i32
    %dma_wait3A_441 = arith.constant 768 : i32
    %dma_wait3A_442 = tpu.memref_slice %arg9[%dma_wait3A_441] : memref<4096xf32, #tpu.memory_space<vmem>> -> memref<128xf32, #tpu.memory_space<vmem>>
    %dma_wait3A_443 = arith.constant 768 : i32
    %dma_wait3A_444 = tpu.memref_slice %arg7[%dma_wait3A_443] : memref<4096xi32, #tpu.memory_space<vmem>> -> memref<128xi32, #tpu.memory_space<vmem>>
    %dma_wait3A_445 = arith.constant 0 : i32
    %dma_wait3A_446 = tpu.memref_slice %arg2[%dma_wait3A_445] : memref<102400000xf32, #tpu.memory_space<hbm>> -> memref<102400000xf32, #tpu.memory_space<hbm>>
    %dma_wait3A_447 = tpu.memref_slice %arg11[%dma_wait3A_440] : memref<4x!tpu.dma_semaphore, #tpu.memory_space<semaphore_mem>> -> memref<1x!tpu.dma_semaphore, #tpu.memory_space<semaphore_mem>>
    %dma_wait3A_448 = tpu.memref_squeeze %dma_wait3A_447 : memref<1x!tpu.dma_semaphore, #tpu.memory_space<semaphore_mem>> -> memref<!tpu.dma_semaphore, #tpu.memory_space<semaphore_mem>>
    tpu.wait_indirect_dma semaphore(%dma_wait3A_448 : memref<!tpu.dma_semaphore, #tpu.memory_space<semaphore_mem>>) src(%dma_wait3A_446 : memref<102400000xf32, #tpu.memory_space<hbm>>) dst(%dma_wait3A_442 : memref<128xf32, #tpu.memory_space<vmem>>)
    %dma_wait3A_449 = arith.constant 0 : i32
    %dma_wait3A_450 = arith.constant 896 : i32
    %dma_wait3A_451 = tpu.memref_slice %arg9[%dma_wait3A_450] : memref<4096xf32, #tpu.memory_space<vmem>> -> memref<128xf32, #tpu.memory_space<vmem>>
    %dma_wait3A_452 = arith.constant 896 : i32
    %dma_wait3A_453 = tpu.memref_slice %arg7[%dma_wait3A_452] : memref<4096xi32, #tpu.memory_space<vmem>> -> memref<128xi32, #tpu.memory_space<vmem>>
    %dma_wait3A_454 = arith.constant 0 : i32
    %dma_wait3A_455 = tpu.memref_slice %arg2[%dma_wait3A_454] : memref<102400000xf32, #tpu.memory_space<hbm>> -> memref<102400000xf32, #tpu.memory_space<hbm>>
    %dma_wait3A_456 = tpu.memref_slice %arg11[%dma_wait3A_449] : memref<4x!tpu.dma_semaphore, #tpu.memory_space<semaphore_mem>> -> memref<1x!tpu.dma_semaphore, #tpu.memory_space<semaphore_mem>>
    %dma_wait3A_457 = tpu.memref_squeeze %dma_wait3A_456 : memref<1x!tpu.dma_semaphore, #tpu.memory_space<semaphore_mem>> -> memref<!tpu.dma_semaphore, #tpu.memory_space<semaphore_mem>>
    tpu.wait_indirect_dma semaphore(%dma_wait3A_457 : memref<!tpu.dma_semaphore, #tpu.memory_space<semaphore_mem>>) src(%dma_wait3A_455 : memref<102400000xf32, #tpu.memory_space<hbm>>) dst(%dma_wait3A_451 : memref<128xf32, #tpu.memory_space<vmem>>)
    %scan3A_458 = arith.constant 0 : i32
    %scan3A_459 = arith.constant 32 : i32
    %scan3A_460 = arith.addi %scan3A_458, %scan3A_459 : i32
    %scan3A_461 = arith.constant 1 : i32
    %scan3A_462:2 = scf.for %scan3A_706 = %scan3A_458 to %scan3A_460 step %scan3A_461 iter_args(%scan3A_707 = %broadcast_in_dim3A_385, %scan3A_708 = %broadcast_in_dim3A_385) -> (vector<16xf32>, vector<16xf32>)  : i32 {
      %mul3A_709 = arith.constant 32 : i32
      %mul3A_710 = arith.muli %scan3A_706, %mul3A_709 : i32
      %get3A_711 = arith.index_cast %mul3A_710 : i32 to index
      %get3A_712 = tpu.vector_load %arg9[%get3A_711] {strides = array<i32>} : memref<4096xf32, #tpu.memory_space<vmem>>, vector<16xf32>,
      %get3A_713 = vector.shape_cast %get3A_712 : vector<16xf32> to vector<16xf32>
      %sub3A = arith.subf %get3A_381, %get3A_713 : vector<16xf32>
      %abs3A = math.absf %sub3A : vector<16xf32>
      %neg3A = arith.constant 0.000000e+00 : f32
      %neg3A_714 = vector.broadcast %neg3A : f32 to vector<16xf32>
      %neg3A_715 = arith.subf %neg3A_714, %abs3A : vector<16xf32>
      %exp3A = math.exp %neg3A_715 : vector<16xf32>
      %add3A_716 = arith.constant 2.000000e+00 : f32
      %add3A_717 = vector.broadcast %add3A_716 : f32 to vector<16xf32>
      %add3A_718 = arith.addf %exp3A, %add3A_717 : vector<16xf32>
      %div3A = arith.divf %exp3A, %add3A_718 : vector<16xf32>
      %mul3A_719 = arith.mulf %div3A, %div3A : vector<16xf32>
      %mul3A_720 = arith.constant 0.111111112 : f32
      %mul3A_721 = vector.broadcast %mul3A_720 : f32 to vector<16xf32>
      %mul3A_722 = arith.mulf %mul3A_719, %mul3A_721 : vector<16xf32>
      %add3A_723 = arith.constant 0.142857149 : f32
      %add3A_724 = vector.broadcast %add3A_723 : f32 to vector<16xf32>
      %add3A_725 = arith.addf %add3A_724, %mul3A_722 : vector<16xf32>
      %mul3A_726 = arith.mulf %mul3A_719, %add3A_725 : vector<16xf32>
      %add3A_727 = arith.constant 2.000000e-01 : f32
      %add3A_728 = vector.broadcast %add3A_727 : f32 to vector<16xf32>
      %add3A_729 = arith.addf %add3A_728, %mul3A_726 : vector<16xf32>
      %mul3A_730 = arith.mulf %mul3A_719, %add3A_729 : vector<16xf32>
      %add3A_731 = arith.constant 0.333333343 : f32
      %add3A_732 = vector.broadcast %add3A_731 : f32 to vector<16xf32>
      %add3A_733 = arith.addf %add3A_732, %mul3A_730 : vector<16xf32>
      %mul3A_734 = arith.mulf %mul3A_719, %add3A_733 : vector<16xf32>
      %add3A_735 = arith.constant 1.000000e+00 : f32
      %add3A_736 = vector.broadcast %add3A_735 : f32 to vector<16xf32>
      %add3A_737 = arith.addf %add3A_736, %mul3A_734 : vector<16xf32>
      %min3A = arith.constant 0.000000e+00 : f32
      %min3A_738 = vector.broadcast %min3A : f32 to vector<16xf32>
      %min3A_739 = arith.minimumf %sub3A, %min3A_738 : vector<16xf32>
      %mul3A_740 = arith.constant 2.000000e+00 : f32
      %mul3A_741 = vector.broadcast %mul3A_740 : f32 to vector<16xf32>
      %mul3A_742 = arith.mulf %mul3A_741, %div3A : vector<16xf32>
      %mul3A_743 = arith.mulf %mul3A_742, %add3A_737 : vector<16xf32>
      %sub3A_744 = arith.subf %min3A_739, %mul3A_743 : vector<16xf32>
      %sub3A_745 = arith.subf %scan3A_707, %sub3A_744 : vector<16xf32>
      %mul3A_746 = arith.constant 32 : i32
      %mul3A_747 = arith.muli %scan3A_706, %mul3A_746 : i32
      %add3A_748 = arith.constant 16 : i32
      %add3A_749 = arith.addi %mul3A_747, %add3A_748 : i32
      %get3A_750 = arith.index_cast %add3A_749 : i32 to index
      %get3A_751 = tpu.vector_load %arg9[%get3A_750] {strides = array<i32>} : memref<4096xf32, #tpu.memory_space<vmem>>, vector<16xf32>,
      %get3A_752 = vector.shape_cast %get3A_751 : vector<16xf32> to vector<16xf32>
      %sub3A_753 = arith.subf %get3A_384, %get3A_752 : vector<16xf32>
      %abs3A_754 = math.absf %sub3A_753 : vector<16xf32>
      %neg3A_755 = arith.constant 0.000000e+00 : f32
      %neg3A_756 = vector.broadcast %neg3A_755 : f32 to vector<16xf32>
      %neg3A_757 = arith.subf %neg3A_756, %abs3A_754 : vector<16xf32>
      %exp3A_758 = math.exp %neg3A_757 : vector<16xf32>
      %add3A_759 = arith.constant 2.000000e+00 : f32
      %add3A_760 = vector.broadcast %add3A_759 : f32 to vector<16xf32>
      %add3A_761 = arith.addf %exp3A_758, %add3A_760 : vector<16xf32>
      %div3A_762 = arith.divf %exp3A_758, %add3A_761 : vector<16xf32>
      %mul3A_763 = arith.mulf %div3A_762, %div3A_762 : vector<16xf32>
      %mul3A_764 = arith.constant 0.111111112 : f32
      %mul3A_765 = vector.broadcast %mul3A_764 : f32 to vector<16xf32>
      %mul3A_766 = arith.mulf %mul3A_763, %mul3A_765 : vector<16xf32>
      %add3A_767 = arith.constant 0.142857149 : f32
      %add3A_768 = vector.broadcast %add3A_767 : f32 to vector<16xf32>
      %add3A_769 = arith.addf %add3A_768, %mul3A_766 : vector<16xf32>
      %mul3A_770 = arith.mulf %mul3A_763, %add3A_769 : vector<16xf32>
      %add3A_771 = arith.constant 2.000000e-01 : f32
      %add3A_772 = vector.broadcast %add3A_771 : f32 to vector<16xf32>
      %add3A_773 = arith.addf %add3A_772, %mul3A_770 : vector<16xf32>
      %mul3A_774 = arith.mulf %mul3A_763, %add3A_773 : vector<16xf32>
      %add3A_775 = arith.constant 0.333333343 : f32
      %add3A_776 = vector.broadcast %add3A_775 : f32 to vector<16xf32>
      %add3A_777 = arith.addf %add3A_776, %mul3A_774 : vector<16xf32>
      %mul3A_778 = arith.mulf %mul3A_763, %add3A_777 : vector<16xf32>
      %add3A_779 = arith.constant 1.000000e+00 : f32
      %add3A_780 = vector.broadcast %add3A_779 : f32 to vector<16xf32>
      %add3A_781 = arith.addf %add3A_780, %mul3A_778 : vector<16xf32>
      %min3A_782 = arith.constant 0.000000e+00 : f32
      %min3A_783 = vector.broadcast %min3A_782 : f32 to vector<16xf32>
      %min3A_784 = arith.minimumf %sub3A_753, %min3A_783 : vector<16xf32>
      %mul3A_785 = arith.constant 2.000000e+00 : f32
      %mul3A_786 = vector.broadcast %mul3A_785 : f32 to vector<16xf32>
      %mul3A_787 = arith.mulf %mul3A_786, %div3A_762 : vector<16xf32>
      %mul3A_788 = arith.mulf %mul3A_787, %add3A_781 : vector<16xf32>
      %sub3A_789 = arith.subf %min3A_784, %mul3A_788 : vector<16xf32>
      %sub3A_790 = arith.subf %scan3A_708, %sub3A_789 : vector<16xf32>
      scf.yield %sub3A_745, %sub3A_790 : vector<16xf32>, vector<16xf32>
    }
    %scan3A_463 = arith.constant 32 : i32
    %dma_wait3A_464 = arith.constant 1 : i32
    %dma_wait3A_465 = arith.constant 1024 : i32
    %dma_wait3A_466 = tpu.memref_slice %arg9[%dma_wait3A_465] : memref<4096xf32, #tpu.memory_space<vmem>> -> memref<128xf32, #tpu.memory_space<vmem>>
    %dma_wait3A_467 = arith.constant 1024 : i32
    %dma_wait3A_468 = tpu.memref_slice %arg7[%dma_wait3A_467] : memref<4096xi32, #tpu.memory_space<vmem>> -> memref<128xi32, #tpu.memory_space<vmem>>
    %dma_wait3A_469 = arith.constant 0 : i32
    %dma_wait3A_470 = tpu.memref_slice %arg2[%dma_wait3A_469] : memref<102400000xf32, #tpu.memory_space<hbm>> -> memref<102400000xf32, #tpu.memory_space<hbm>>
    %dma_wait3A_471 = tpu.memref_slice %arg11[%dma_wait3A_464] : memref<4x!tpu.dma_semaphore, #tpu.memory_space<semaphore_mem>> -> memref<1x!tpu.dma_semaphore, #tpu.memory_space<semaphore_mem>>
    %dma_wait3A_472 = tpu.memref_squeeze %dma_wait3A_471 : memref<1x!tpu.dma_semaphore, #tpu.memory_space<semaphore_mem>> -> memref<!tpu.dma_semaphore, #tpu.memory_space<semaphore_mem>>
    tpu.wait_indirect_dma semaphore(%dma_wait3A_472 : memref<!tpu.dma_semaphore, #tpu.memory_space<semaphore_mem>>) src(%dma_wait3A_470 : memref<102400000xf32, #tpu.memory_space<hbm>>) dst(%dma_wait3A_466 : memref<128xf32, #tpu.memory_space<vmem>>)
    %dma_wait3A_473 = arith.constant 1 : i32
    %dma_wait3A_474 = arith.constant 1152 : i32
    %dma_wait3A_475 = tpu.memref_slice %arg9[%dma_wait3A_474] : memref<4096xf32, #tpu.memory_space<vmem>> -> memref<128xf32, #tpu.memory_space<vmem>>
    %dma_wait3A_476 = arith.constant 1152 : i32
    %dma_wait3A_477 = tpu.memref_slice %arg7[%dma_wait3A_476] : memref<4096xi32, #tpu.memory_space<vmem>> -> memref<128xi32, #tpu.memory_space<vmem>>
    %dma_wait3A_478 = arith.constant 0 : i32
    %dma_wait3A_479 = tpu.memref_slice %arg2[%dma_wait3A_478] : memref<102400000xf32, #tpu.memory_space<hbm>> -> memref<102400000xf32, #tpu.memory_space<hbm>>
    %dma_wait3A_480 = tpu.memref_slice %arg11[%dma_wait3A_473] : memref<4x!tpu.dma_semaphore, #tpu.memory_space<semaphore_mem>> -> memref<1x!tpu.dma_semaphore, #tpu.memory_space<semaphore_mem>>
    %dma_wait3A_481 = tpu.memref_squeeze %dma_wait3A_480 : memref<1x!tpu.dma_semaphore, #tpu.memory_space<semaphore_mem>> -> memref<!tpu.dma_semaphore, #tpu.memory_space<semaphore_mem>>
    tpu.wait_indirect_dma semaphore(%dma_wait3A_481 : memref<!tpu.dma_semaphore, #tpu.memory_space<semaphore_mem>>) src(%dma_wait3A_479 : memref<102400000xf32, #tpu.memory_space<hbm>>) dst(%dma_wait3A_475 : memref<128xf32, #tpu.memory_space<vmem>>)
    %dma_wait3A_482 = arith.constant 1 : i32
    %dma_wait3A_483 = arith.constant 1280 : i32
    %dma_wait3A_484 = tpu.memref_slice %arg9[%dma_wait3A_483] : memref<4096xf32, #tpu.memory_space<vmem>> -> memref<128xf32, #tpu.memory_space<vmem>>
    %dma_wait3A_485 = arith.constant 1280 : i32
    %dma_wait3A_486 = tpu.memref_slice %arg7[%dma_wait3A_485] : memref<4096xi32, #tpu.memory_space<vmem>> -> memref<128xi32, #tpu.memory_space<vmem>>
    %dma_wait3A_487 = arith.constant 0 : i32
    %dma_wait3A_488 = tpu.memref_slice %arg2[%dma_wait3A_487] : memref<102400000xf32, #tpu.memory_space<hbm>> -> memref<102400000xf32, #tpu.memory_space<hbm>>
    %dma_wait3A_489 = tpu.memref_slice %arg11[%dma_wait3A_482] : memref<4x!tpu.dma_semaphore, #tpu.memory_space<semaphore_mem>> -> memref<1x!tpu.dma_semaphore, #tpu.memory_space<semaphore_mem>>
    %dma_wait3A_490 = tpu.memref_squeeze %dma_wait3A_489 : memref<1x!tpu.dma_semaphore, #tpu.memory_space<semaphore_mem>> -> memref<!tpu.dma_semaphore, #tpu.memory_space<semaphore_mem>>
    tpu.wait_indirect_dma semaphore(%dma_wait3A_490 : memref<!tpu.dma_semaphore, #tpu.memory_space<semaphore_mem>>) src(%dma_wait3A_488 : memref<102400000xf32, #tpu.memory_space<hbm>>) dst(%dma_wait3A_484 : memref<128xf32, #tpu.memory_space<vmem>>)
    %dma_wait3A_491 = arith.constant 1 : i32
    %dma_wait3A_492 = arith.constant 1408 : i32
    %dma_wait3A_493 = tpu.memref_slice %arg9[%dma_wait3A_492] : memref<4096xf32, #tpu.memory_space<vmem>> -> memref<128xf32, #tpu.memory_space<vmem>>
    %dma_wait3A_494 = arith.constant 1408 : i32
    %dma_wait3A_495 = tpu.memref_slice %arg7[%dma_wait3A_494] : memref<4096xi32, #tpu.memory_space<vmem>> -> memref<128xi32, #tpu.memory_space<vmem>>
    %dma_wait3A_496 = arith.constant 0 : i32
    %dma_wait3A_497 = tpu.memref_slice %arg2[%dma_wait3A_496] : memref<102400000xf32, #tpu.memory_space<hbm>> -> memref<102400000xf32, #tpu.memory_space<hbm>>
    %dma_wait3A_498 = tpu.memref_slice %arg11[%dma_wait3A_491] : memref<4x!tpu.dma_semaphore, #tpu.memory_space<semaphore_mem>> -> memref<1x!tpu.dma_semaphore, #tpu.memory_space<semaphore_mem>>
    %dma_wait3A_499 = tpu.memref_squeeze %dma_wait3A_498 : memref<1x!tpu.dma_semaphore, #tpu.memory_space<semaphore_mem>> -> memref<!tpu.dma_semaphore, #tpu.memory_space<semaphore_mem>>
    tpu.wait_indirect_dma semaphore(%dma_wait3A_499 : memref<!tpu.dma_semaphore, #tpu.memory_space<semaphore_mem>>) src(%dma_wait3A_497 : memref<102400000xf32, #tpu.memory_space<hbm>>) dst(%dma_wait3A_493 : memref<128xf32, #tpu.memory_space<vmem>>)
    %dma_wait3A_500 = arith.constant 1 : i32
    %dma_wait3A_501 = arith.constant 1536 : i32
    %dma_wait3A_502 = tpu.memref_slice %arg9[%dma_wait3A_501] : memref<4096xf32, #tpu.memory_space<vmem>> -> memref<128xf32, #tpu.memory_space<vmem>>
    %dma_wait3A_503 = arith.constant 1536 : i32
    %dma_wait3A_504 = tpu.memref_slice %arg7[%dma_wait3A_503] : memref<4096xi32, #tpu.memory_space<vmem>> -> memref<128xi32, #tpu.memory_space<vmem>>
    %dma_wait3A_505 = arith.constant 0 : i32
    %dma_wait3A_506 = tpu.memref_slice %arg2[%dma_wait3A_505] : memref<102400000xf32, #tpu.memory_space<hbm>> -> memref<102400000xf32, #tpu.memory_space<hbm>>
    %dma_wait3A_507 = tpu.memref_slice %arg11[%dma_wait3A_500] : memref<4x!tpu.dma_semaphore, #tpu.memory_space<semaphore_mem>> -> memref<1x!tpu.dma_semaphore, #tpu.memory_space<semaphore_mem>>
    %dma_wait3A_508 = tpu.memref_squeeze %dma_wait3A_507 : memref<1x!tpu.dma_semaphore, #tpu.memory_space<semaphore_mem>> -> memref<!tpu.dma_semaphore, #tpu.memory_space<semaphore_mem>>
    tpu.wait_indirect_dma semaphore(%dma_wait3A_508 : memref<!tpu.dma_semaphore, #tpu.memory_space<semaphore_mem>>) src(%dma_wait3A_506 : memref<102400000xf32, #tpu.memory_space<hbm>>) dst(%dma_wait3A_502 : memref<128xf32, #tpu.memory_space<vmem>>)
    %dma_wait3A_509 = arith.constant 1 : i32
    %dma_wait3A_510 = arith.constant 1664 : i32
    %dma_wait3A_511 = tpu.memref_slice %arg9[%dma_wait3A_510] : memref<4096xf32, #tpu.memory_space<vmem>> -> memref<128xf32, #tpu.memory_space<vmem>>
    %dma_wait3A_512 = arith.constant 1664 : i32
    %dma_wait3A_513 = tpu.memref_slice %arg7[%dma_wait3A_512] : memref<4096xi32, #tpu.memory_space<vmem>> -> memref<128xi32, #tpu.memory_space<vmem>>
    %dma_wait3A_514 = arith.constant 0 : i32
    %dma_wait3A_515 = tpu.memref_slice %arg2[%dma_wait3A_514] : memref<102400000xf32, #tpu.memory_space<hbm>> -> memref<102400000xf32, #tpu.memory_space<hbm>>
    %dma_wait3A_516 = tpu.memref_slice %arg11[%dma_wait3A_509] : memref<4x!tpu.dma_semaphore, #tpu.memory_space<semaphore_mem>> -> memref<1x!tpu.dma_semaphore, #tpu.memory_space<semaphore_mem>>
    %dma_wait3A_517 = tpu.memref_squeeze %dma_wait3A_516 : memref<1x!tpu.dma_semaphore, #tpu.memory_space<semaphore_mem>> -> memref<!tpu.dma_semaphore, #tpu.memory_space<semaphore_mem>>
    tpu.wait_indirect_dma semaphore(%dma_wait3A_517 : memref<!tpu.dma_semaphore, #tpu.memory_space<semaphore_mem>>) src(%dma_wait3A_515 : memref<102400000xf32, #tpu.memory_space<hbm>>) dst(%dma_wait3A_511 : memref<128xf32, #tpu.memory_space<vmem>>)
    %dma_wait3A_518 = arith.constant 1 : i32
    %dma_wait3A_519 = arith.constant 1792 : i32
    %dma_wait3A_520 = tpu.memref_slice %arg9[%dma_wait3A_519] : memref<4096xf32, #tpu.memory_space<vmem>> -> memref<128xf32, #tpu.memory_space<vmem>>
    %dma_wait3A_521 = arith.constant 1792 : i32
    %dma_wait3A_522 = tpu.memref_slice %arg7[%dma_wait3A_521] : memref<4096xi32, #tpu.memory_space<vmem>> -> memref<128xi32, #tpu.memory_space<vmem>>
    %dma_wait3A_523 = arith.constant 0 : i32
    %dma_wait3A_524 = tpu.memref_slice %arg2[%dma_wait3A_523] : memref<102400000xf32, #tpu.memory_space<hbm>> -> memref<102400000xf32, #tpu.memory_space<hbm>>
    %dma_wait3A_525 = tpu.memref_slice %arg11[%dma_wait3A_518] : memref<4x!tpu.dma_semaphore, #tpu.memory_space<semaphore_mem>> -> memref<1x!tpu.dma_semaphore, #tpu.memory_space<semaphore_mem>>
    %dma_wait3A_526 = tpu.memref_squeeze %dma_wait3A_525 : memref<1x!tpu.dma_semaphore, #tpu.memory_space<semaphore_mem>> -> memref<!tpu.dma_semaphore, #tpu.memory_space<semaphore_mem>>
    tpu.wait_indirect_dma semaphore(%dma_wait3A_526 : memref<!tpu.dma_semaphore, #tpu.memory_space<semaphore_mem>>) src(%dma_wait3A_524 : memref<102400000xf32, #tpu.memory_space<hbm>>) dst(%dma_wait3A_520 : memref<128xf32, #tpu.memory_space<vmem>>)
    %dma_wait3A_527 = arith.constant 1 : i32
    %dma_wait3A_528 = arith.constant 1920 : i32
    %dma_wait3A_529 = tpu.memref_slice %arg9[%dma_wait3A_528] : memref<4096xf32, #tpu.memory_space<vmem>> -> memref<128xf32, #tpu.memory_space<vmem>>
    %dma_wait3A_530 = arith.constant 1920 : i32
    %dma_wait3A_531 = tpu.memref_slice %arg7[%dma_wait3A_530] : memref<4096xi32, #tpu.memory_space<vmem>> -> memref<128xi32, #tpu.memory_space<vmem>>
    %dma_wait3A_532 = arith.constant 0 : i32
    %dma_wait3A_533 = tpu.memref_slice %arg2[%dma_wait3A_532] : memref<102400000xf32, #tpu.memory_space<hbm>> -> memref<102400000xf32, #tpu.memory_space<hbm>>
    %dma_wait3A_534 = tpu.memref_slice %arg11[%dma_wait3A_527] : memref<4x!tpu.dma_semaphore, #tpu.memory_space<semaphore_mem>> -> memref<1x!tpu.dma_semaphore, #tpu.memory_space<semaphore_mem>>
    %dma_wait3A_535 = tpu.memref_squeeze %dma_wait3A_534 : memref<1x!tpu.dma_semaphore, #tpu.memory_space<semaphore_mem>> -> memref<!tpu.dma_semaphore, #tpu.memory_space<semaphore_mem>>
    tpu.wait_indirect_dma semaphore(%dma_wait3A_535 : memref<!tpu.dma_semaphore, #tpu.memory_space<semaphore_mem>>) src(%dma_wait3A_533 : memref<102400000xf32, #tpu.memory_space<hbm>>) dst(%dma_wait3A_529 : memref<128xf32, #tpu.memory_space<vmem>>)
    %scan3A_536 = arith.constant 32 : i32
    %scan3A_537 = arith.constant 32 : i32
    %scan3A_538 = arith.addi %scan3A_536, %scan3A_537 : i32
    %scan3A_539 = arith.constant 1 : i32
    %scan3A_540:2 = scf.for %scan3A_706 = %scan3A_536 to %scan3A_538 step %scan3A_539 iter_args(%scan3A_707 = %scan3A_462#0, %scan3A_708 = %scan3A_462#1) -> (vector<16xf32>, vector<16xf32>)  : i32 {
      %mul3A_709 = arith.constant 32 : i32
      %mul3A_710 = arith.muli %scan3A_706, %mul3A_709 : i32
      %get3A_711 = arith.index_cast %mul3A_710 : i32 to index
      %get3A_712 = tpu.vector_load %arg9[%get3A_711] {strides = array<i32>} : memref<4096xf32, #tpu.memory_space<vmem>>, vector<16xf32>,
      %get3A_713 = vector.shape_cast %get3A_712 : vector<16xf32> to vector<16xf32>
      %sub3A = arith.subf %get3A_381, %get3A_713 : vector<16xf32>
      %abs3A = math.absf %sub3A : vector<16xf32>
      %neg3A = arith.constant 0.000000e+00 : f32
      %neg3A_714 = vector.broadcast %neg3A : f32 to vector<16xf32>
      %neg3A_715 = arith.subf %neg3A_714, %abs3A : vector<16xf32>
      %exp3A = math.exp %neg3A_715 : vector<16xf32>
      %add3A_716 = arith.constant 2.000000e+00 : f32
      %add3A_717 = vector.broadcast %add3A_716 : f32 to vector<16xf32>
      %add3A_718 = arith.addf %exp3A, %add3A_717 : vector<16xf32>
      %div3A = arith.divf %exp3A, %add3A_718 : vector<16xf32>
      %mul3A_719 = arith.mulf %div3A, %div3A : vector<16xf32>
      %mul3A_720 = arith.constant 0.111111112 : f32
      %mul3A_721 = vector.broadcast %mul3A_720 : f32 to vector<16xf32>
      %mul3A_722 = arith.mulf %mul3A_719, %mul3A_721 : vector<16xf32>
      %add3A_723 = arith.constant 0.142857149 : f32
      %add3A_724 = vector.broadcast %add3A_723 : f32 to vector<16xf32>
      %add3A_725 = arith.addf %add3A_724, %mul3A_722 : vector<16xf32>
      %mul3A_726 = arith.mulf %mul3A_719, %add3A_725 : vector<16xf32>
      %add3A_727 = arith.constant 2.000000e-01 : f32
      %add3A_728 = vector.broadcast %add3A_727 : f32 to vector<16xf32>
      %add3A_729 = arith.addf %add3A_728, %mul3A_726 : vector<16xf32>
      %mul3A_730 = arith.mulf %mul3A_719, %add3A_729 : vector<16xf32>
      %add3A_731 = arith.constant 0.333333343 : f32
      %add3A_732 = vector.broadcast %add3A_731 : f32 to vector<16xf32>
      %add3A_733 = arith.addf %add3A_732, %mul3A_730 : vector<16xf32>
      %mul3A_734 = arith.mulf %mul3A_719, %add3A_733 : vector<16xf32>
      %add3A_735 = arith.constant 1.000000e+00 : f32
      %add3A_736 = vector.broadcast %add3A_735 : f32 to vector<16xf32>
      %add3A_737 = arith.addf %add3A_736, %mul3A_734 : vector<16xf32>
      %min3A = arith.constant 0.000000e+00 : f32
      %min3A_738 = vector.broadcast %min3A : f32 to vector<16xf32>
      %min3A_739 = arith.minimumf %sub3A, %min3A_738 : vector<16xf32>
      %mul3A_740 = arith.constant 2.000000e+00 : f32
      %mul3A_741 = vector.broadcast %mul3A_740 : f32 to vector<16xf32>
      %mul3A_742 = arith.mulf %mul3A_741, %div3A : vector<16xf32>
      %mul3A_743 = arith.mulf %mul3A_742, %add3A_737 : vector<16xf32>
      %sub3A_744 = arith.subf %min3A_739, %mul3A_743 : vector<16xf32>
      %sub3A_745 = arith.subf %scan3A_707, %sub3A_744 : vector<16xf32>
      %mul3A_746 = arith.constant 32 : i32
      %mul3A_747 = arith.muli %scan3A_706, %mul3A_746 : i32
      %add3A_748 = arith.constant 16 : i32
      %add3A_749 = arith.addi %mul3A_747, %add3A_748 : i32
      %get3A_750 = arith.index_cast %add3A_749 : i32 to index
      %get3A_751 = tpu.vector_load %arg9[%get3A_750] {strides = array<i32>} : memref<4096xf32, #tpu.memory_space<vmem>>, vector<16xf32>,
      %get3A_752 = vector.shape_cast %get3A_751 : vector<16xf32> to vector<16xf32>
      %sub3A_753 = arith.subf %get3A_384, %get3A_752 : vector<16xf32>
      %abs3A_754 = math.absf %sub3A_753 : vector<16xf32>
      %neg3A_755 = arith.constant 0.000000e+00 : f32
      %neg3A_756 = vector.broadcast %neg3A_755 : f32 to vector<16xf32>
      %neg3A_757 = arith.subf %neg3A_756, %abs3A_754 : vector<16xf32>
      %exp3A_758 = math.exp %neg3A_757 : vector<16xf32>
      %add3A_759 = arith.constant 2.000000e+00 : f32
      %add3A_760 = vector.broadcast %add3A_759 : f32 to vector<16xf32>
      %add3A_761 = arith.addf %exp3A_758, %add3A_760 : vector<16xf32>
      %div3A_762 = arith.divf %exp3A_758, %add3A_761 : vector<16xf32>
      %mul3A_763 = arith.mulf %div3A_762, %div3A_762 : vector<16xf32>
      %mul3A_764 = arith.constant 0.111111112 : f32
      %mul3A_765 = vector.broadcast %mul3A_764 : f32 to vector<16xf32>
      %mul3A_766 = arith.mulf %mul3A_763, %mul3A_765 : vector<16xf32>
      %add3A_767 = arith.constant 0.142857149 : f32
      %add3A_768 = vector.broadcast %add3A_767 : f32 to vector<16xf32>
      %add3A_769 = arith.addf %add3A_768, %mul3A_766 : vector<16xf32>
      %mul3A_770 = arith.mulf %mul3A_763, %add3A_769 : vector<16xf32>
      %add3A_771 = arith.constant 2.000000e-01 : f32
      %add3A_772 = vector.broadcast %add3A_771 : f32 to vector<16xf32>
      %add3A_773 = arith.addf %add3A_772, %mul3A_770 : vector<16xf32>
      %mul3A_774 = arith.mulf %mul3A_763, %add3A_773 : vector<16xf32>
      %add3A_775 = arith.constant 0.333333343 : f32
      %add3A_776 = vector.broadcast %add3A_775 : f32 to vector<16xf32>
      %add3A_777 = arith.addf %add3A_776, %mul3A_774 : vector<16xf32>
      %mul3A_778 = arith.mulf %mul3A_763, %add3A_777 : vector<16xf32>
      %add3A_779 = arith.constant 1.000000e+00 : f32
      %add3A_780 = vector.broadcast %add3A_779 : f32 to vector<16xf32>
      %add3A_781 = arith.addf %add3A_780, %mul3A_778 : vector<16xf32>
      %min3A_782 = arith.constant 0.000000e+00 : f32
      %min3A_783 = vector.broadcast %min3A_782 : f32 to vector<16xf32>
      %min3A_784 = arith.minimumf %sub3A_753, %min3A_783 : vector<16xf32>
      %mul3A_785 = arith.constant 2.000000e+00 : f32
      %mul3A_786 = vector.broadcast %mul3A_785 : f32 to vector<16xf32>
      %mul3A_787 = arith.mulf %mul3A_786, %div3A_762 : vector<16xf32>
      %mul3A_788 = arith.mulf %mul3A_787, %add3A_781 : vector<16xf32>
      %sub3A_789 = arith.subf %min3A_784, %mul3A_788 : vector<16xf32>
      %sub3A_790 = arith.subf %scan3A_708, %sub3A_789 : vector<16xf32>
      scf.yield %sub3A_745, %sub3A_790 : vector<16xf32>, vector<16xf32>
    }
    %scan3A_541 = arith.constant 32 : i32
    %dma_wait3A_542 = arith.constant 2 : i32
    %dma_wait3A_543 = arith.constant 2048 : i32
    %dma_wait3A_544 = tpu.memref_slice %arg9[%dma_wait3A_543] : memref<4096xf32, #tpu.memory_space<vmem>> -> memref<128xf32, #tpu.memory_space<vmem>>
    %dma_wait3A_545 = arith.constant 2048 : i32
    %dma_wait3A_546 = tpu.memref_slice %arg7[%dma_wait3A_545] : memref<4096xi32, #tpu.memory_space<vmem>> -> memref<128xi32, #tpu.memory_space<vmem>>
    %dma_wait3A_547 = arith.constant 0 : i32
    %dma_wait3A_548 = tpu.memref_slice %arg2[%dma_wait3A_547] : memref<102400000xf32, #tpu.memory_space<hbm>> -> memref<102400000xf32, #tpu.memory_space<hbm>>
    %dma_wait3A_549 = tpu.memref_slice %arg11[%dma_wait3A_542] : memref<4x!tpu.dma_semaphore, #tpu.memory_space<semaphore_mem>> -> memref<1x!tpu.dma_semaphore, #tpu.memory_space<semaphore_mem>>
    %dma_wait3A_550 = tpu.memref_squeeze %dma_wait3A_549 : memref<1x!tpu.dma_semaphore, #tpu.memory_space<semaphore_mem>> -> memref<!tpu.dma_semaphore, #tpu.memory_space<semaphore_mem>>
    tpu.wait_indirect_dma semaphore(%dma_wait3A_550 : memref<!tpu.dma_semaphore, #tpu.memory_space<semaphore_mem>>) src(%dma_wait3A_548 : memref<102400000xf32, #tpu.memory_space<hbm>>) dst(%dma_wait3A_544 : memref<128xf32, #tpu.memory_space<vmem>>)
    %dma_wait3A_551 = arith.constant 2 : i32
    %dma_wait3A_552 = arith.constant 2176 : i32
    %dma_wait3A_553 = tpu.memref_slice %arg9[%dma_wait3A_552] : memref<4096xf32, #tpu.memory_space<vmem>> -> memref<128xf32, #tpu.memory_space<vmem>>
    %dma_wait3A_554 = arith.constant 2176 : i32
    %dma_wait3A_555 = tpu.memref_slice %arg7[%dma_wait3A_554] : memref<4096xi32, #tpu.memory_space<vmem>> -> memref<128xi32, #tpu.memory_space<vmem>>
    %dma_wait3A_556 = arith.constant 0 : i32
    %dma_wait3A_557 = tpu.memref_slice %arg2[%dma_wait3A_556] : memref<102400000xf32, #tpu.memory_space<hbm>> -> memref<102400000xf32, #tpu.memory_space<hbm>>
    %dma_wait3A_558 = tpu.memref_slice %arg11[%dma_wait3A_551] : memref<4x!tpu.dma_semaphore, #tpu.memory_space<semaphore_mem>> -> memref<1x!tpu.dma_semaphore, #tpu.memory_space<semaphore_mem>>
    %dma_wait3A_559 = tpu.memref_squeeze %dma_wait3A_558 : memref<1x!tpu.dma_semaphore, #tpu.memory_space<semaphore_mem>> -> memref<!tpu.dma_semaphore, #tpu.memory_space<semaphore_mem>>
    tpu.wait_indirect_dma semaphore(%dma_wait3A_559 : memref<!tpu.dma_semaphore, #tpu.memory_space<semaphore_mem>>) src(%dma_wait3A_557 : memref<102400000xf32, #tpu.memory_space<hbm>>) dst(%dma_wait3A_553 : memref<128xf32, #tpu.memory_space<vmem>>)
    %dma_wait3A_560 = arith.constant 2 : i32
    %dma_wait3A_561 = arith.constant 2304 : i32
    %dma_wait3A_562 = tpu.memref_slice %arg9[%dma_wait3A_561] : memref<4096xf32, #tpu.memory_space<vmem>> -> memref<128xf32, #tpu.memory_space<vmem>>
    %dma_wait3A_563 = arith.constant 2304 : i32
    %dma_wait3A_564 = tpu.memref_slice %arg7[%dma_wait3A_563] : memref<4096xi32, #tpu.memory_space<vmem>> -> memref<128xi32, #tpu.memory_space<vmem>>
    %dma_wait3A_565 = arith.constant 0 : i32
    %dma_wait3A_566 = tpu.memref_slice %arg2[%dma_wait3A_565] : memref<102400000xf32, #tpu.memory_space<hbm>> -> memref<102400000xf32, #tpu.memory_space<hbm>>
    %dma_wait3A_567 = tpu.memref_slice %arg11[%dma_wait3A_560] : memref<4x!tpu.dma_semaphore, #tpu.memory_space<semaphore_mem>> -> memref<1x!tpu.dma_semaphore, #tpu.memory_space<semaphore_mem>>
    %dma_wait3A_568 = tpu.memref_squeeze %dma_wait3A_567 : memref<1x!tpu.dma_semaphore, #tpu.memory_space<semaphore_mem>> -> memref<!tpu.dma_semaphore, #tpu.memory_space<semaphore_mem>>
    tpu.wait_indirect_dma semaphore(%dma_wait3A_568 : memref<!tpu.dma_semaphore, #tpu.memory_space<semaphore_mem>>) src(%dma_wait3A_566 : memref<102400000xf32, #tpu.memory_space<hbm>>) dst(%dma_wait3A_562 : memref<128xf32, #tpu.memory_space<vmem>>)
    %dma_wait3A_569 = arith.constant 2 : i32
    %dma_wait3A_570 = arith.constant 2432 : i32
    %dma_wait3A_571 = tpu.memref_slice %arg9[%dma_wait3A_570] : memref<4096xf32, #tpu.memory_space<vmem>> -> memref<128xf32, #tpu.memory_space<vmem>>
    %dma_wait3A_572 = arith.constant 2432 : i32
    %dma_wait3A_573 = tpu.memref_slice %arg7[%dma_wait3A_572] : memref<4096xi32, #tpu.memory_space<vmem>> -> memref<128xi32, #tpu.memory_space<vmem>>
    %dma_wait3A_574 = arith.constant 0 : i32
    %dma_wait3A_575 = tpu.memref_slice %arg2[%dma_wait3A_574] : memref<102400000xf32, #tpu.memory_space<hbm>> -> memref<102400000xf32, #tpu.memory_space<hbm>>
    %dma_wait3A_576 = tpu.memref_slice %arg11[%dma_wait3A_569] : memref<4x!tpu.dma_semaphore, #tpu.memory_space<semaphore_mem>> -> memref<1x!tpu.dma_semaphore, #tpu.memory_space<semaphore_mem>>
    %dma_wait3A_577 = tpu.memref_squeeze %dma_wait3A_576 : memref<1x!tpu.dma_semaphore, #tpu.memory_space<semaphore_mem>> -> memref<!tpu.dma_semaphore, #tpu.memory_space<semaphore_mem>>
    tpu.wait_indirect_dma semaphore(%dma_wait3A_577 : memref<!tpu.dma_semaphore, #tpu.memory_space<semaphore_mem>>) src(%dma_wait3A_575 : memref<102400000xf32, #tpu.memory_space<hbm>>) dst(%dma_wait3A_571 : memref<128xf32, #tpu.memory_space<vmem>>)
    %dma_wait3A_578 = arith.constant 2 : i32
    %dma_wait3A_579 = arith.constant 2560 : i32
    %dma_wait3A_580 = tpu.memref_slice %arg9[%dma_wait3A_579] : memref<4096xf32, #tpu.memory_space<vmem>> -> memref<128xf32, #tpu.memory_space<vmem>>
    %dma_wait3A_581 = arith.constant 2560 : i32
    %dma_wait3A_582 = tpu.memref_slice %arg7[%dma_wait3A_581] : memref<4096xi32, #tpu.memory_space<vmem>> -> memref<128xi32, #tpu.memory_space<vmem>>
    %dma_wait3A_583 = arith.constant 0 : i32
    %dma_wait3A_584 = tpu.memref_slice %arg2[%dma_wait3A_583] : memref<102400000xf32, #tpu.memory_space<hbm>> -> memref<102400000xf32, #tpu.memory_space<hbm>>
    %dma_wait3A_585 = tpu.memref_slice %arg11[%dma_wait3A_578] : memref<4x!tpu.dma_semaphore, #tpu.memory_space<semaphore_mem>> -> memref<1x!tpu.dma_semaphore, #tpu.memory_space<semaphore_mem>>
    %dma_wait3A_586 = tpu.memref_squeeze %dma_wait3A_585 : memref<1x!tpu.dma_semaphore, #tpu.memory_space<semaphore_mem>> -> memref<!tpu.dma_semaphore, #tpu.memory_space<semaphore_mem>>
    tpu.wait_indirect_dma semaphore(%dma_wait3A_586 : memref<!tpu.dma_semaphore, #tpu.memory_space<semaphore_mem>>) src(%dma_wait3A_584 : memref<102400000xf32, #tpu.memory_space<hbm>>) dst(%dma_wait3A_580 : memref<128xf32, #tpu.memory_space<vmem>>)
    %dma_wait3A_587 = arith.constant 2 : i32
    %dma_wait3A_588 = arith.constant 2688 : i32
    %dma_wait3A_589 = tpu.memref_slice %arg9[%dma_wait3A_588] : memref<4096xf32, #tpu.memory_space<vmem>> -> memref<128xf32, #tpu.memory_space<vmem>>
    %dma_wait3A_590 = arith.constant 2688 : i32
    %dma_wait3A_591 = tpu.memref_slice %arg7[%dma_wait3A_590] : memref<4096xi32, #tpu.memory_space<vmem>> -> memref<128xi32, #tpu.memory_space<vmem>>
    %dma_wait3A_592 = arith.constant 0 : i32
    %dma_wait3A_593 = tpu.memref_slice %arg2[%dma_wait3A_592] : memref<102400000xf32, #tpu.memory_space<hbm>> -> memref<102400000xf32, #tpu.memory_space<hbm>>
    %dma_wait3A_594 = tpu.memref_slice %arg11[%dma_wait3A_587] : memref<4x!tpu.dma_semaphore, #tpu.memory_space<semaphore_mem>> -> memref<1x!tpu.dma_semaphore, #tpu.memory_space<semaphore_mem>>
    %dma_wait3A_595 = tpu.memref_squeeze %dma_wait3A_594 : memref<1x!tpu.dma_semaphore, #tpu.memory_space<semaphore_mem>> -> memref<!tpu.dma_semaphore, #tpu.memory_space<semaphore_mem>>
    tpu.wait_indirect_dma semaphore(%dma_wait3A_595 : memref<!tpu.dma_semaphore, #tpu.memory_space<semaphore_mem>>) src(%dma_wait3A_593 : memref<102400000xf32, #tpu.memory_space<hbm>>) dst(%dma_wait3A_589 : memref<128xf32, #tpu.memory_space<vmem>>)
    %dma_wait3A_596 = arith.constant 2 : i32
    %dma_wait3A_597 = arith.constant 2816 : i32
    %dma_wait3A_598 = tpu.memref_slice %arg9[%dma_wait3A_597] : memref<4096xf32, #tpu.memory_space<vmem>> -> memref<128xf32, #tpu.memory_space<vmem>>
    %dma_wait3A_599 = arith.constant 2816 : i32
    %dma_wait3A_600 = tpu.memref_slice %arg7[%dma_wait3A_599] : memref<4096xi32, #tpu.memory_space<vmem>> -> memref<128xi32, #tpu.memory_space<vmem>>
    %dma_wait3A_601 = arith.constant 0 : i32
    %dma_wait3A_602 = tpu.memref_slice %arg2[%dma_wait3A_601] : memref<102400000xf32, #tpu.memory_space<hbm>> -> memref<102400000xf32, #tpu.memory_space<hbm>>
    %dma_wait3A_603 = tpu.memref_slice %arg11[%dma_wait3A_596] : memref<4x!tpu.dma_semaphore, #tpu.memory_space<semaphore_mem>> -> memref<1x!tpu.dma_semaphore, #tpu.memory_space<semaphore_mem>>
    %dma_wait3A_604 = tpu.memref_squeeze %dma_wait3A_603 : memref<1x!tpu.dma_semaphore, #tpu.memory_space<semaphore_mem>> -> memref<!tpu.dma_semaphore, #tpu.memory_space<semaphore_mem>>
    tpu.wait_indirect_dma semaphore(%dma_wait3A_604 : memref<!tpu.dma_semaphore, #tpu.memory_space<semaphore_mem>>) src(%dma_wait3A_602 : memref<102400000xf32, #tpu.memory_space<hbm>>) dst(%dma_wait3A_598 : memref<128xf32, #tpu.memory_space<vmem>>)
    %dma_wait3A_605 = arith.constant 2 : i32
    %dma_wait3A_606 = arith.constant 2944 : i32
    %dma_wait3A_607 = tpu.memref_slice %arg9[%dma_wait3A_606] : memref<4096xf32, #tpu.memory_space<vmem>> -> memref<128xf32, #tpu.memory_space<vmem>>
    %dma_wait3A_608 = arith.constant 2944 : i32
    %dma_wait3A_609 = tpu.memref_slice %arg7[%dma_wait3A_608] : memref<4096xi32, #tpu.memory_space<vmem>> -> memref<128xi32, #tpu.memory_space<vmem>>
    %dma_wait3A_610 = arith.constant 0 : i32
    %dma_wait3A_611 = tpu.memref_slice %arg2[%dma_wait3A_610] : memref<102400000xf32, #tpu.memory_space<hbm>> -> memref<102400000xf32, #tpu.memory_space<hbm>>
    %dma_wait3A_612 = tpu.memref_slice %arg11[%dma_wait3A_605] : memref<4x!tpu.dma_semaphore, #tpu.memory_space<semaphore_mem>> -> memref<1x!tpu.dma_semaphore, #tpu.memory_space<semaphore_mem>>
    %dma_wait3A_613 = tpu.memref_squeeze %dma_wait3A_612 : memref<1x!tpu.dma_semaphore, #tpu.memory_space<semaphore_mem>> -> memref<!tpu.dma_semaphore, #tpu.memory_space<semaphore_mem>>
    tpu.wait_indirect_dma semaphore(%dma_wait3A_613 : memref<!tpu.dma_semaphore, #tpu.memory_space<semaphore_mem>>) src(%dma_wait3A_611 : memref<102400000xf32, #tpu.memory_space<hbm>>) dst(%dma_wait3A_607 : memref<128xf32, #tpu.memory_space<vmem>>)
    %scan3A_614 = arith.constant 64 : i32
    %scan3A_615 = arith.constant 32 : i32
    %scan3A_616 = arith.addi %scan3A_614, %scan3A_615 : i32
    %scan3A_617 = arith.constant 1 : i32
    %scan3A_618:2 = scf.for %scan3A_706 = %scan3A_614 to %scan3A_616 step %scan3A_617 iter_args(%scan3A_707 = %scan3A_540#0, %scan3A_708 = %scan3A_540#1) -> (vector<16xf32>, vector<16xf32>)  : i32 {
      %mul3A_709 = arith.constant 32 : i32
      %mul3A_710 = arith.muli %scan3A_706, %mul3A_709 : i32
      %get3A_711 = arith.index_cast %mul3A_710 : i32 to index
      %get3A_712 = tpu.vector_load %arg9[%get3A_711] {strides = array<i32>} : memref<4096xf32, #tpu.memory_space<vmem>>, vector<16xf32>,
      %get3A_713 = vector.shape_cast %get3A_712 : vector<16xf32> to vector<16xf32>
      %sub3A = arith.subf %get3A_381, %get3A_713 : vector<16xf32>
      %abs3A = math.absf %sub3A : vector<16xf32>
      %neg3A = arith.constant 0.000000e+00 : f32
      %neg3A_714 = vector.broadcast %neg3A : f32 to vector<16xf32>
      %neg3A_715 = arith.subf %neg3A_714, %abs3A : vector<16xf32>
      %exp3A = math.exp %neg3A_715 : vector<16xf32>
      %add3A_716 = arith.constant 2.000000e+00 : f32
      %add3A_717 = vector.broadcast %add3A_716 : f32 to vector<16xf32>
      %add3A_718 = arith.addf %exp3A, %add3A_717 : vector<16xf32>
      %div3A = arith.divf %exp3A, %add3A_718 : vector<16xf32>
      %mul3A_719 = arith.mulf %div3A, %div3A : vector<16xf32>
      %mul3A_720 = arith.constant 0.111111112 : f32
      %mul3A_721 = vector.broadcast %mul3A_720 : f32 to vector<16xf32>
      %mul3A_722 = arith.mulf %mul3A_719, %mul3A_721 : vector<16xf32>
      %add3A_723 = arith.constant 0.142857149 : f32
      %add3A_724 = vector.broadcast %add3A_723 : f32 to vector<16xf32>
      %add3A_725 = arith.addf %add3A_724, %mul3A_722 : vector<16xf32>
      %mul3A_726 = arith.mulf %mul3A_719, %add3A_725 : vector<16xf32>
      %add3A_727 = arith.constant 2.000000e-01 : f32
      %add3A_728 = vector.broadcast %add3A_727 : f32 to vector<16xf32>
      %add3A_729 = arith.addf %add3A_728, %mul3A_726 : vector<16xf32>
      %mul3A_730 = arith.mulf %mul3A_719, %add3A_729 : vector<16xf32>
      %add3A_731 = arith.constant 0.333333343 : f32
      %add3A_732 = vector.broadcast %add3A_731 : f32 to vector<16xf32>
      %add3A_733 = arith.addf %add3A_732, %mul3A_730 : vector<16xf32>
      %mul3A_734 = arith.mulf %mul3A_719, %add3A_733 : vector<16xf32>
      %add3A_735 = arith.constant 1.000000e+00 : f32
      %add3A_736 = vector.broadcast %add3A_735 : f32 to vector<16xf32>
      %add3A_737 = arith.addf %add3A_736, %mul3A_734 : vector<16xf32>
      %min3A = arith.constant 0.000000e+00 : f32
      %min3A_738 = vector.broadcast %min3A : f32 to vector<16xf32>
      %min3A_739 = arith.minimumf %sub3A, %min3A_738 : vector<16xf32>
      %mul3A_740 = arith.constant 2.000000e+00 : f32
      %mul3A_741 = vector.broadcast %mul3A_740 : f32 to vector<16xf32>
      %mul3A_742 = arith.mulf %mul3A_741, %div3A : vector<16xf32>
      %mul3A_743 = arith.mulf %mul3A_742, %add3A_737 : vector<16xf32>
      %sub3A_744 = arith.subf %min3A_739, %mul3A_743 : vector<16xf32>
      %sub3A_745 = arith.subf %scan3A_707, %sub3A_744 : vector<16xf32>
      %mul3A_746 = arith.constant 32 : i32
      %mul3A_747 = arith.muli %scan3A_706, %mul3A_746 : i32
      %add3A_748 = arith.constant 16 : i32
      %add3A_749 = arith.addi %mul3A_747, %add3A_748 : i32
      %get3A_750 = arith.index_cast %add3A_749 : i32 to index
      %get3A_751 = tpu.vector_load %arg9[%get3A_750] {strides = array<i32>} : memref<4096xf32, #tpu.memory_space<vmem>>, vector<16xf32>,
      %get3A_752 = vector.shape_cast %get3A_751 : vector<16xf32> to vector<16xf32>
      %sub3A_753 = arith.subf %get3A_384, %get3A_752 : vector<16xf32>
      %abs3A_754 = math.absf %sub3A_753 : vector<16xf32>
      %neg3A_755 = arith.constant 0.000000e+00 : f32
      %neg3A_756 = vector.broadcast %neg3A_755 : f32 to vector<16xf32>
      %neg3A_757 = arith.subf %neg3A_756, %abs3A_754 : vector<16xf32>
      %exp3A_758 = math.exp %neg3A_757 : vector<16xf32>
      %add3A_759 = arith.constant 2.000000e+00 : f32
      %add3A_760 = vector.broadcast %add3A_759 : f32 to vector<16xf32>
      %add3A_761 = arith.addf %exp3A_758, %add3A_760 : vector<16xf32>
      %div3A_762 = arith.divf %exp3A_758, %add3A_761 : vector<16xf32>
      %mul3A_763 = arith.mulf %div3A_762, %div3A_762 : vector<16xf32>
      %mul3A_764 = arith.constant 0.111111112 : f32
      %mul3A_765 = vector.broadcast %mul3A_764 : f32 to vector<16xf32>
      %mul3A_766 = arith.mulf %mul3A_763, %mul3A_765 : vector<16xf32>
      %add3A_767 = arith.constant 0.142857149 : f32
      %add3A_768 = vector.broadcast %add3A_767 : f32 to vector<16xf32>
      %add3A_769 = arith.addf %add3A_768, %mul3A_766 : vector<16xf32>
      %mul3A_770 = arith.mulf %mul3A_763, %add3A_769 : vector<16xf32>
      %add3A_771 = arith.constant 2.000000e-01 : f32
      %add3A_772 = vector.broadcast %add3A_771 : f32 to vector<16xf32>
      %add3A_773 = arith.addf %add3A_772, %mul3A_770 : vector<16xf32>
      %mul3A_774 = arith.mulf %mul3A_763, %add3A_773 : vector<16xf32>
      %add3A_775 = arith.constant 0.333333343 : f32
      %add3A_776 = vector.broadcast %add3A_775 : f32 to vector<16xf32>
      %add3A_777 = arith.addf %add3A_776, %mul3A_774 : vector<16xf32>
      %mul3A_778 = arith.mulf %mul3A_763, %add3A_777 : vector<16xf32>
      %add3A_779 = arith.constant 1.000000e+00 : f32
      %add3A_780 = vector.broadcast %add3A_779 : f32 to vector<16xf32>
      %add3A_781 = arith.addf %add3A_780, %mul3A_778 : vector<16xf32>
      %min3A_782 = arith.constant 0.000000e+00 : f32
      %min3A_783 = vector.broadcast %min3A_782 : f32 to vector<16xf32>
      %min3A_784 = arith.minimumf %sub3A_753, %min3A_783 : vector<16xf32>
      %mul3A_785 = arith.constant 2.000000e+00 : f32
      %mul3A_786 = vector.broadcast %mul3A_785 : f32 to vector<16xf32>
      %mul3A_787 = arith.mulf %mul3A_786, %div3A_762 : vector<16xf32>
      %mul3A_788 = arith.mulf %mul3A_787, %add3A_781 : vector<16xf32>
      %sub3A_789 = arith.subf %min3A_784, %mul3A_788 : vector<16xf32>
      %sub3A_790 = arith.subf %scan3A_708, %sub3A_789 : vector<16xf32>
      scf.yield %sub3A_745, %sub3A_790 : vector<16xf32>, vector<16xf32>
    }
    %scan3A_619 = arith.constant 32 : i32
    %dma_wait3A_620 = arith.constant 3 : i32
    %dma_wait3A_621 = arith.constant 3072 : i32
    %dma_wait3A_622 = tpu.memref_slice %arg9[%dma_wait3A_621] : memref<4096xf32, #tpu.memory_space<vmem>> -> memref<128xf32, #tpu.memory_space<vmem>>
    %dma_wait3A_623 = arith.constant 3072 : i32
    %dma_wait3A_624 = tpu.memref_slice %arg7[%dma_wait3A_623] : memref<4096xi32, #tpu.memory_space<vmem>> -> memref<128xi32, #tpu.memory_space<vmem>>
    %dma_wait3A_625 = arith.constant 0 : i32
    %dma_wait3A_626 = tpu.memref_slice %arg2[%dma_wait3A_625] : memref<102400000xf32, #tpu.memory_space<hbm>> -> memref<102400000xf32, #tpu.memory_space<hbm>>
    %dma_wait3A_627 = tpu.memref_slice %arg11[%dma_wait3A_620] : memref<4x!tpu.dma_semaphore, #tpu.memory_space<semaphore_mem>> -> memref<1x!tpu.dma_semaphore, #tpu.memory_space<semaphore_mem>>
    %dma_wait3A_628 = tpu.memref_squeeze %dma_wait3A_627 : memref<1x!tpu.dma_semaphore, #tpu.memory_space<semaphore_mem>> -> memref<!tpu.dma_semaphore, #tpu.memory_space<semaphore_mem>>
    tpu.wait_indirect_dma semaphore(%dma_wait3A_628 : memref<!tpu.dma_semaphore, #tpu.memory_space<semaphore_mem>>) src(%dma_wait3A_626 : memref<102400000xf32, #tpu.memory_space<hbm>>) dst(%dma_wait3A_622 : memref<128xf32, #tpu.memory_space<vmem>>)
    %dma_wait3A_629 = arith.constant 3 : i32
    %dma_wait3A_630 = arith.constant 3200 : i32
    %dma_wait3A_631 = tpu.memref_slice %arg9[%dma_wait3A_630] : memref<4096xf32, #tpu.memory_space<vmem>> -> memref<128xf32, #tpu.memory_space<vmem>>
    %dma_wait3A_632 = arith.constant 3200 : i32
    %dma_wait3A_633 = tpu.memref_slice %arg7[%dma_wait3A_632] : memref<4096xi32, #tpu.memory_space<vmem>> -> memref<128xi32, #tpu.memory_space<vmem>>
    %dma_wait3A_634 = arith.constant 0 : i32
    %dma_wait3A_635 = tpu.memref_slice %arg2[%dma_wait3A_634] : memref<102400000xf32, #tpu.memory_space<hbm>> -> memref<102400000xf32, #tpu.memory_space<hbm>>
    %dma_wait3A_636 = tpu.memref_slice %arg11[%dma_wait3A_629] : memref<4x!tpu.dma_semaphore, #tpu.memory_space<semaphore_mem>> -> memref<1x!tpu.dma_semaphore, #tpu.memory_space<semaphore_mem>>
    %dma_wait3A_637 = tpu.memref_squeeze %dma_wait3A_636 : memref<1x!tpu.dma_semaphore, #tpu.memory_space<semaphore_mem>> -> memref<!tpu.dma_semaphore, #tpu.memory_space<semaphore_mem>>
    tpu.wait_indirect_dma semaphore(%dma_wait3A_637 : memref<!tpu.dma_semaphore, #tpu.memory_space<semaphore_mem>>) src(%dma_wait3A_635 : memref<102400000xf32, #tpu.memory_space<hbm>>) dst(%dma_wait3A_631 : memref<128xf32, #tpu.memory_space<vmem>>)
    %dma_wait3A_638 = arith.constant 3 : i32
    %dma_wait3A_639 = arith.constant 3328 : i32
    %dma_wait3A_640 = tpu.memref_slice %arg9[%dma_wait3A_639] : memref<4096xf32, #tpu.memory_space<vmem>> -> memref<128xf32, #tpu.memory_space<vmem>>
    %dma_wait3A_641 = arith.constant 3328 : i32
    %dma_wait3A_642 = tpu.memref_slice %arg7[%dma_wait3A_641] : memref<4096xi32, #tpu.memory_space<vmem>> -> memref<128xi32, #tpu.memory_space<vmem>>
    %dma_wait3A_643 = arith.constant 0 : i32
    %dma_wait3A_644 = tpu.memref_slice %arg2[%dma_wait3A_643] : memref<102400000xf32, #tpu.memory_space<hbm>> -> memref<102400000xf32, #tpu.memory_space<hbm>>
    %dma_wait3A_645 = tpu.memref_slice %arg11[%dma_wait3A_638] : memref<4x!tpu.dma_semaphore, #tpu.memory_space<semaphore_mem>> -> memref<1x!tpu.dma_semaphore, #tpu.memory_space<semaphore_mem>>
    %dma_wait3A_646 = tpu.memref_squeeze %dma_wait3A_645 : memref<1x!tpu.dma_semaphore, #tpu.memory_space<semaphore_mem>> -> memref<!tpu.dma_semaphore, #tpu.memory_space<semaphore_mem>>
    tpu.wait_indirect_dma semaphore(%dma_wait3A_646 : memref<!tpu.dma_semaphore, #tpu.memory_space<semaphore_mem>>) src(%dma_wait3A_644 : memref<102400000xf32, #tpu.memory_space<hbm>>) dst(%dma_wait3A_640 : memref<128xf32, #tpu.memory_space<vmem>>)
    %dma_wait3A_647 = arith.constant 3 : i32
    %dma_wait3A_648 = arith.constant 3456 : i32
    %dma_wait3A_649 = tpu.memref_slice %arg9[%dma_wait3A_648] : memref<4096xf32, #tpu.memory_space<vmem>> -> memref<128xf32, #tpu.memory_space<vmem>>
    %dma_wait3A_650 = arith.constant 3456 : i32
    %dma_wait3A_651 = tpu.memref_slice %arg7[%dma_wait3A_650] : memref<4096xi32, #tpu.memory_space<vmem>> -> memref<128xi32, #tpu.memory_space<vmem>>
    %dma_wait3A_652 = arith.constant 0 : i32
    %dma_wait3A_653 = tpu.memref_slice %arg2[%dma_wait3A_652] : memref<102400000xf32, #tpu.memory_space<hbm>> -> memref<102400000xf32, #tpu.memory_space<hbm>>
    %dma_wait3A_654 = tpu.memref_slice %arg11[%dma_wait3A_647] : memref<4x!tpu.dma_semaphore, #tpu.memory_space<semaphore_mem>> -> memref<1x!tpu.dma_semaphore, #tpu.memory_space<semaphore_mem>>
    %dma_wait3A_655 = tpu.memref_squeeze %dma_wait3A_654 : memref<1x!tpu.dma_semaphore, #tpu.memory_space<semaphore_mem>> -> memref<!tpu.dma_semaphore, #tpu.memory_space<semaphore_mem>>
    tpu.wait_indirect_dma semaphore(%dma_wait3A_655 : memref<!tpu.dma_semaphore, #tpu.memory_space<semaphore_mem>>) src(%dma_wait3A_653 : memref<102400000xf32, #tpu.memory_space<hbm>>) dst(%dma_wait3A_649 : memref<128xf32, #tpu.memory_space<vmem>>)
    %dma_wait3A_656 = arith.constant 3 : i32
    %dma_wait3A_657 = arith.constant 3584 : i32
    %dma_wait3A_658 = tpu.memref_slice %arg9[%dma_wait3A_657] : memref<4096xf32, #tpu.memory_space<vmem>> -> memref<128xf32, #tpu.memory_space<vmem>>
    %dma_wait3A_659 = arith.constant 3584 : i32
    %dma_wait3A_660 = tpu.memref_slice %arg7[%dma_wait3A_659] : memref<4096xi32, #tpu.memory_space<vmem>> -> memref<128xi32, #tpu.memory_space<vmem>>
    %dma_wait3A_661 = arith.constant 0 : i32
    %dma_wait3A_662 = tpu.memref_slice %arg2[%dma_wait3A_661] : memref<102400000xf32, #tpu.memory_space<hbm>> -> memref<102400000xf32, #tpu.memory_space<hbm>>
    %dma_wait3A_663 = tpu.memref_slice %arg11[%dma_wait3A_656] : memref<4x!tpu.dma_semaphore, #tpu.memory_space<semaphore_mem>> -> memref<1x!tpu.dma_semaphore, #tpu.memory_space<semaphore_mem>>
    %dma_wait3A_664 = tpu.memref_squeeze %dma_wait3A_663 : memref<1x!tpu.dma_semaphore, #tpu.memory_space<semaphore_mem>> -> memref<!tpu.dma_semaphore, #tpu.memory_space<semaphore_mem>>
    tpu.wait_indirect_dma semaphore(%dma_wait3A_664 : memref<!tpu.dma_semaphore, #tpu.memory_space<semaphore_mem>>) src(%dma_wait3A_662 : memref<102400000xf32, #tpu.memory_space<hbm>>) dst(%dma_wait3A_658 : memref<128xf32, #tpu.memory_space<vmem>>)
    %dma_wait3A_665 = arith.constant 3 : i32
    %dma_wait3A_666 = arith.constant 3712 : i32
    %dma_wait3A_667 = tpu.memref_slice %arg9[%dma_wait3A_666] : memref<4096xf32, #tpu.memory_space<vmem>> -> memref<128xf32, #tpu.memory_space<vmem>>
    %dma_wait3A_668 = arith.constant 3712 : i32
    %dma_wait3A_669 = tpu.memref_slice %arg7[%dma_wait3A_668] : memref<4096xi32, #tpu.memory_space<vmem>> -> memref<128xi32, #tpu.memory_space<vmem>>
    %dma_wait3A_670 = arith.constant 0 : i32
    %dma_wait3A_671 = tpu.memref_slice %arg2[%dma_wait3A_670] : memref<102400000xf32, #tpu.memory_space<hbm>> -> memref<102400000xf32, #tpu.memory_space<hbm>>
    %dma_wait3A_672 = tpu.memref_slice %arg11[%dma_wait3A_665] : memref<4x!tpu.dma_semaphore, #tpu.memory_space<semaphore_mem>> -> memref<1x!tpu.dma_semaphore, #tpu.memory_space<semaphore_mem>>
    %dma_wait3A_673 = tpu.memref_squeeze %dma_wait3A_672 : memref<1x!tpu.dma_semaphore, #tpu.memory_space<semaphore_mem>> -> memref<!tpu.dma_semaphore, #tpu.memory_space<semaphore_mem>>
    tpu.wait_indirect_dma semaphore(%dma_wait3A_673 : memref<!tpu.dma_semaphore, #tpu.memory_space<semaphore_mem>>) src(%dma_wait3A_671 : memref<102400000xf32, #tpu.memory_space<hbm>>) dst(%dma_wait3A_667 : memref<128xf32, #tpu.memory_space<vmem>>)
    %dma_wait3A_674 = arith.constant 3 : i32
    %dma_wait3A_675 = arith.constant 3840 : i32
    %dma_wait3A_676 = tpu.memref_slice %arg9[%dma_wait3A_675] : memref<4096xf32, #tpu.memory_space<vmem>> -> memref<128xf32, #tpu.memory_space<vmem>>
    %dma_wait3A_677 = arith.constant 3840 : i32
    %dma_wait3A_678 = tpu.memref_slice %arg7[%dma_wait3A_677] : memref<4096xi32, #tpu.memory_space<vmem>> -> memref<128xi32, #tpu.memory_space<vmem>>
    %dma_wait3A_679 = arith.constant 0 : i32
    %dma_wait3A_680 = tpu.memref_slice %arg2[%dma_wait3A_679] : memref<102400000xf32, #tpu.memory_space<hbm>> -> memref<102400000xf32, #tpu.memory_space<hbm>>
    %dma_wait3A_681 = tpu.memref_slice %arg11[%dma_wait3A_674] : memref<4x!tpu.dma_semaphore, #tpu.memory_space<semaphore_mem>> -> memref<1x!tpu.dma_semaphore, #tpu.memory_space<semaphore_mem>>
    %dma_wait3A_682 = tpu.memref_squeeze %dma_wait3A_681 : memref<1x!tpu.dma_semaphore, #tpu.memory_space<semaphore_mem>> -> memref<!tpu.dma_semaphore, #tpu.memory_space<semaphore_mem>>
    tpu.wait_indirect_dma semaphore(%dma_wait3A_682 : memref<!tpu.dma_semaphore, #tpu.memory_space<semaphore_mem>>) src(%dma_wait3A_680 : memref<102400000xf32, #tpu.memory_space<hbm>>) dst(%dma_wait3A_676 : memref<128xf32, #tpu.memory_space<vmem>>)
    %dma_wait3A_683 = arith.constant 3 : i32
    %dma_wait3A_684 = arith.constant 3968 : i32
    %dma_wait3A_685 = tpu.memref_slice %arg9[%dma_wait3A_684] : memref<4096xf32, #tpu.memory_space<vmem>> -> memref<128xf32, #tpu.memory_space<vmem>>
    %dma_wait3A_686 = arith.constant 3968 : i32
    %dma_wait3A_687 = tpu.memref_slice %arg7[%dma_wait3A_686] : memref<4096xi32, #tpu.memory_space<vmem>> -> memref<128xi32, #tpu.memory_space<vmem>>
    %dma_wait3A_688 = arith.constant 0 : i32
    %dma_wait3A_689 = tpu.memref_slice %arg2[%dma_wait3A_688] : memref<102400000xf32, #tpu.memory_space<hbm>> -> memref<102400000xf32, #tpu.memory_space<hbm>>
    %dma_wait3A_690 = tpu.memref_slice %arg11[%dma_wait3A_683] : memref<4x!tpu.dma_semaphore, #tpu.memory_space<semaphore_mem>> -> memref<1x!tpu.dma_semaphore, #tpu.memory_space<semaphore_mem>>
    %dma_wait3A_691 = tpu.memref_squeeze %dma_wait3A_690 : memref<1x!tpu.dma_semaphore, #tpu.memory_space<semaphore_mem>> -> memref<!tpu.dma_semaphore, #tpu.memory_space<semaphore_mem>>
    tpu.wait_indirect_dma semaphore(%dma_wait3A_691 : memref<!tpu.dma_semaphore, #tpu.memory_space<semaphore_mem>>) src(%dma_wait3A_689 : memref<102400000xf32, #tpu.memory_space<hbm>>) dst(%dma_wait3A_685 : memref<128xf32, #tpu.memory_space<vmem>>)
    %scan3A_692 = arith.constant 96 : i32
    %scan3A_693 = arith.constant 32 : i32
    %scan3A_694 = arith.addi %scan3A_692, %scan3A_693 : i32
    %scan3A_695 = arith.constant 1 : i32
    %scan3A_696:2 = scf.for %scan3A_706 = %scan3A_692 to %scan3A_694 step %scan3A_695 iter_args(%scan3A_707 = %scan3A_618#0, %scan3A_708 = %scan3A_618#1) -> (vector<16xf32>, vector<16xf32>)  : i32 {
      %mul3A_709 = arith.constant 32 : i32
      %mul3A_710 = arith.muli %scan3A_706, %mul3A_709 : i32
      %get3A_711 = arith.index_cast %mul3A_710 : i32 to index
      %get3A_712 = tpu.vector_load %arg9[%get3A_711] {strides = array<i32>} : memref<4096xf32, #tpu.memory_space<vmem>>, vector<16xf32>,
      %get3A_713 = vector.shape_cast %get3A_712 : vector<16xf32> to vector<16xf32>
      %sub3A = arith.subf %get3A_381, %get3A_713 : vector<16xf32>
      %abs3A = math.absf %sub3A : vector<16xf32>
      %neg3A = arith.constant 0.000000e+00 : f32
      %neg3A_714 = vector.broadcast %neg3A : f32 to vector<16xf32>
      %neg3A_715 = arith.subf %neg3A_714, %abs3A : vector<16xf32>
      %exp3A = math.exp %neg3A_715 : vector<16xf32>
      %add3A_716 = arith.constant 2.000000e+00 : f32
      %add3A_717 = vector.broadcast %add3A_716 : f32 to vector<16xf32>
      %add3A_718 = arith.addf %exp3A, %add3A_717 : vector<16xf32>
      %div3A = arith.divf %exp3A, %add3A_718 : vector<16xf32>
      %mul3A_719 = arith.mulf %div3A, %div3A : vector<16xf32>
      %mul3A_720 = arith.constant 0.111111112 : f32
      %mul3A_721 = vector.broadcast %mul3A_720 : f32 to vector<16xf32>
      %mul3A_722 = arith.mulf %mul3A_719, %mul3A_721 : vector<16xf32>
      %add3A_723 = arith.constant 0.142857149 : f32
      %add3A_724 = vector.broadcast %add3A_723 : f32 to vector<16xf32>
      %add3A_725 = arith.addf %add3A_724, %mul3A_722 : vector<16xf32>
      %mul3A_726 = arith.mulf %mul3A_719, %add3A_725 : vector<16xf32>
      %add3A_727 = arith.constant 2.000000e-01 : f32
      %add3A_728 = vector.broadcast %add3A_727 : f32 to vector<16xf32>
      %add3A_729 = arith.addf %add3A_728, %mul3A_726 : vector<16xf32>
      %mul3A_730 = arith.mulf %mul3A_719, %add3A_729 : vector<16xf32>
      %add3A_731 = arith.constant 0.333333343 : f32
      %add3A_732 = vector.broadcast %add3A_731 : f32 to vector<16xf32>
      %add3A_733 = arith.addf %add3A_732, %mul3A_730 : vector<16xf32>
      %mul3A_734 = arith.mulf %mul3A_719, %add3A_733 : vector<16xf32>
      %add3A_735 = arith.constant 1.000000e+00 : f32
      %add3A_736 = vector.broadcast %add3A_735 : f32 to vector<16xf32>
      %add3A_737 = arith.addf %add3A_736, %mul3A_734 : vector<16xf32>
      %min3A = arith.constant 0.000000e+00 : f32
      %min3A_738 = vector.broadcast %min3A : f32 to vector<16xf32>
      %min3A_739 = arith.minimumf %sub3A, %min3A_738 : vector<16xf32>
      %mul3A_740 = arith.constant 2.000000e+00 : f32
      %mul3A_741 = vector.broadcast %mul3A_740 : f32 to vector<16xf32>
      %mul3A_742 = arith.mulf %mul3A_741, %div3A : vector<16xf32>
      %mul3A_743 = arith.mulf %mul3A_742, %add3A_737 : vector<16xf32>
      %sub3A_744 = arith.subf %min3A_739, %mul3A_743 : vector<16xf32>
      %sub3A_745 = arith.subf %scan3A_707, %sub3A_744 : vector<16xf32>
      %mul3A_746 = arith.constant 32 : i32
      %mul3A_747 = arith.muli %scan3A_706, %mul3A_746 : i32
      %add3A_748 = arith.constant 16 : i32
      %add3A_749 = arith.addi %mul3A_747, %add3A_748 : i32
      %get3A_750 = arith.index_cast %add3A_749 : i32 to index
      %get3A_751 = tpu.vector_load %arg9[%get3A_750] {strides = array<i32>} : memref<4096xf32, #tpu.memory_space<vmem>>, vector<16xf32>,
      %get3A_752 = vector.shape_cast %get3A_751 : vector<16xf32> to vector<16xf32>
      %sub3A_753 = arith.subf %get3A_384, %get3A_752 : vector<16xf32>
      %abs3A_754 = math.absf %sub3A_753 : vector<16xf32>
      %neg3A_755 = arith.constant 0.000000e+00 : f32
      %neg3A_756 = vector.broadcast %neg3A_755 : f32 to vector<16xf32>
      %neg3A_757 = arith.subf %neg3A_756, %abs3A_754 : vector<16xf32>
      %exp3A_758 = math.exp %neg3A_757 : vector<16xf32>
      %add3A_759 = arith.constant 2.000000e+00 : f32
      %add3A_760 = vector.broadcast %add3A_759 : f32 to vector<16xf32>
      %add3A_761 = arith.addf %exp3A_758, %add3A_760 : vector<16xf32>
      %div3A_762 = arith.divf %exp3A_758, %add3A_761 : vector<16xf32>
      %mul3A_763 = arith.mulf %div3A_762, %div3A_762 : vector<16xf32>
      %mul3A_764 = arith.constant 0.111111112 : f32
      %mul3A_765 = vector.broadcast %mul3A_764 : f32 to vector<16xf32>
      %mul3A_766 = arith.mulf %mul3A_763, %mul3A_765 : vector<16xf32>
      %add3A_767 = arith.constant 0.142857149 : f32
      %add3A_768 = vector.broadcast %add3A_767 : f32 to vector<16xf32>
      %add3A_769 = arith.addf %add3A_768, %mul3A_766 : vector<16xf32>
      %mul3A_770 = arith.mulf %mul3A_763, %add3A_769 : vector<16xf32>
      %add3A_771 = arith.constant 2.000000e-01 : f32
      %add3A_772 = vector.broadcast %add3A_771 : f32 to vector<16xf32>
      %add3A_773 = arith.addf %add3A_772, %mul3A_770 : vector<16xf32>
      %mul3A_774 = arith.mulf %mul3A_763, %add3A_773 : vector<16xf32>
      %add3A_775 = arith.constant 0.333333343 : f32
      %add3A_776 = vector.broadcast %add3A_775 : f32 to vector<16xf32>
      %add3A_777 = arith.addf %add3A_776, %mul3A_774 : vector<16xf32>
      %mul3A_778 = arith.mulf %mul3A_763, %add3A_777 : vector<16xf32>
      %add3A_779 = arith.constant 1.000000e+00 : f32
      %add3A_780 = vector.broadcast %add3A_779 : f32 to vector<16xf32>
      %add3A_781 = arith.addf %add3A_780, %mul3A_778 : vector<16xf32>
      %min3A_782 = arith.constant 0.000000e+00 : f32
      %min3A_783 = vector.broadcast %min3A_782 : f32 to vector<16xf32>
      %min3A_784 = arith.minimumf %sub3A_753, %min3A_783 : vector<16xf32>
      %mul3A_785 = arith.constant 2.000000e+00 : f32
      %mul3A_786 = vector.broadcast %mul3A_785 : f32 to vector<16xf32>
      %mul3A_787 = arith.mulf %mul3A_786, %div3A_762 : vector<16xf32>
      %mul3A_788 = arith.mulf %mul3A_787, %add3A_781 : vector<16xf32>
      %sub3A_789 = arith.subf %min3A_784, %mul3A_788 : vector<16xf32>
      %sub3A_790 = arith.subf %scan3A_708, %sub3A_789 : vector<16xf32>
      scf.yield %sub3A_745, %sub3A_790 : vector<16xf32>, vector<16xf32>
    }
    %scan3A_697 = arith.constant 32 : i32
    %add3A_698 = arith.addf %scan3A_696#0, %scan3A_696#1 : vector<16xf32>
    %mul3A_699 = arith.constant 7.62939453E-6 : f32
    %mul3A_700 = vector.broadcast %mul3A_699 : f32 to vector<16xf32>
    %mul3A_701 = arith.mulf %add3A_698, %mul3A_700 : vector<16xf32>
    %swap3A_702 = arith.constant 0 : index
    %swap3A_703 = tpu.vector_load %arg10[%swap3A_702] {strides = array<i32>} : memref<16xf32, #tpu.memory_space<vmem>>, vector<16xf32>,
    %swap3A_704 = vector.shape_cast %swap3A_703 : vector<16xf32> to vector<16xf32>
    %swap3A_705 = vector.shape_cast %mul3A_701 : vector<16xf32> to vector<16xf32>
    tpu.vector_store %arg10[%swap3A_702], %swap3A_705 {strides = array<i32>} : memref<16xf32, #tpu.memory_space<vmem>>, vector<16xf32>,
    "tpu.region"() ({
      %run_scoped3A = tpu.sem_alloc : memref<!tpu.dma_semaphore, #tpu.memory_space<semaphore_mem>>
      %dma_start3A_706 = arith.constant 0 : i32
      %dma_start3A_707 = tpu.memref_slice %arg5[%add3A, %dma_start3A_706] : memref<32x16xf32, #tpu.memory_space<hbm>> -> memref<1x16xf32, #tpu.memory_space<hbm>>
      %dma_start3A_708 = tpu.memref_squeeze %dma_start3A_707 : memref<1x16xf32, #tpu.memory_space<hbm>> -> memref<16xf32, #tpu.memory_space<hbm>>
      %dma_start3A_709 = arith.constant 0 : i32
      %dma_start3A_710 = tpu.memref_slice %arg5[%add3A, %dma_start3A_709] : memref<32x16xf32, #tpu.memory_space<hbm>> -> memref<1x16xf32, #tpu.memory_space<hbm>>
      %dma_start3A_711 = tpu.memref_squeeze %dma_start3A_710 : memref<1x16xf32, #tpu.memory_space<hbm>> -> memref<16xf32, #tpu.memory_space<hbm>>
      tpu.enqueue_dma source(%arg10 : memref<16xf32, #tpu.memory_space<vmem>>) target(%dma_start3A_711 : memref<16xf32, #tpu.memory_space<hbm>>) target_semaphore(%run_scoped3A : memref<!tpu.dma_semaphore, #tpu.memory_space<semaphore_mem>>)
      %dma_wait3A_712 = arith.constant 0 : i32
      %dma_wait3A_713 = tpu.memref_slice %arg5[%add3A, %dma_wait3A_712] : memref<32x16xf32, #tpu.memory_space<hbm>> -> memref<1x16xf32, #tpu.memory_space<hbm>>
      %dma_wait3A_714 = tpu.memref_squeeze %dma_wait3A_713 : memref<1x16xf32, #tpu.memory_space<hbm>> -> memref<16xf32, #tpu.memory_space<hbm>>
      %dma_wait3A_715 = arith.constant 0 : i32
      %dma_wait3A_716 = tpu.memref_slice %arg5[%add3A, %dma_wait3A_715] : memref<32x16xf32, #tpu.memory_space<hbm>> -> memref<1x16xf32, #tpu.memory_space<hbm>>
      %dma_wait3A_717 = tpu.memref_squeeze %dma_wait3A_716 : memref<1x16xf32, #tpu.memory_space<hbm>> -> memref<16xf32, #tpu.memory_space<hbm>>
      tpu.wait_dma2 semaphore(%run_scoped3A : memref<!tpu.dma_semaphore, #tpu.memory_space<semaphore_mem>>) src(%arg10 : memref<16xf32, #tpu.memory_space<vmem>>) dst(%dma_wait3A_717 : memref<16xf32, #tpu.memory_space<hbm>>)
      tpu.yield
    }) : () -> ()
    return
  }
}

</mosaic_0001>

<sc_bundles>
// kernel: _bpr_loss_sc.3.cloned.1.call-start
scs
__scs_entry_jumppad:
0x0: {  	(pc) =	sbr.rel $0x88, $3  }
0x1: {  	(tag) =	ssettag $0x0;
	lr =	simm.s32 $0x1  }
0x2: {  	[smem:$0x3F9E] =	sst lr;
	_ =	strace $0xD0000000  }
0x3: {  	_ = 	snop  }
0x4: {  	_ = 	snop  }
0x5: {  	_ = 	snop  }
0x6: {  	_ = 	snop  }
0x7: {  	_ = 	snop  }
__scs_overlays_trampoline_lowered:
0x8: {  	[smem:$0x3FAD] =	sst s0  }
0x9: {  	[smem:$0x3FAE] =	sst s1  }
0xa: {  	[smem:$0x3FAF] =	sst s2  }
0xb: {  	[smem:$0x3FB0] =	sst s3  }
0xc: {  	[smem:$0x3FB1] =	sst s4  }
0xd: {  	[smem:$0x3FB2] =	sst s5  }
0xe: {  	[smem:$0x3FB3] =	sst s6  }
0xf: {  	[smem:$0x3FB4] =	sst s7  }
0x10: {  	[smem:$0x3FB5] =	sst s8  }
0x11: {  	[smem:$0x3FB6] =	sst s9;
	s0 =	simm.s32 @!p0 $0x0  }
0x12: {  	s1 =	sld [smem:$0x3F9C];
	s0 =	simm.s32 @p0 $0x1  }
0x13: {  	[smem:$0x3FB7] =	sst s0;
	s0 =	simm.s32 @!p1 $0x0  }
0x14: {  	s2 =	sld [smem:$0x3F9B];
	s0 =	simm.s32 @p1 $0x1  }
0x15: {  	[smem:$0x3FB8] =	sst s0;
	s0 =	simm.s32 @!p2 $0x0  }
0x16: {  	s3 =	sld [smem:$0x3FDB];
	s0 =	simm.s32 @p2 $0x1  }
0x17: {  	s4 =	simm.s32 $0x1BF5;
	[smem:$0x3FBA] =	sst s0  }
0x18: {  	s0 =	sld [smem:$0x3F9D];
	_ =	swait.ge [sflag:s4], $0x0  }
0x19: {  	s7 =	sld [smem:$0x3F9E]  }
0x1a: {  	s8 =	sadd.s32 $0xFFFFE003, lr  }
0x1b: {  	s9 =	sadd.s32 $0xFFFFFEF7, lr;
	s5 =	simm.s32 $0xFFFFFFFF;
	p2 =	slt.u32 s8, $0xFFFFF086  }
0x1c: {  	p1 =	slt.u32 s9, $0xF7A;
	s5 =	simm.s32 @!p2 $0x0  }
0x1d: {  	s5 =	simm.s32 @p1 $0x1;
	p0 =	seq.s32 s7, s2  }
0x1e: {  	s7 =	smul.u32 @!p0 $0xF7A, s2;
	p2 =	seq.s32 @!p0 s5, $0x0  }
0x1f: {  	s9 =	smul.u32 $0xF7A, s1;
	s8 =	simm.s32 @!p0 $0x1BF5;
	p2 =	por !p2, p0  }
0x20: {  	[sflag:s8] =	ssyncset.s32 @!p0 $0xFFFFF086;
	s6 =	sadd.s32 @!p0 s3, s7;
	s7 =	simm.s32 @!p0 $0x108  }
0x21: {  	s3 =	sadd.s32 s3, s9;
	s6 =	sadd.s32 @!p0 $0x88, s6;
	s7 =	simm.s32 @p2 $0x1082  }
0x22: {  	[simem:s7], [sflag:s8] =	dma.local @!p0 [hbm:s6], $0xF7A  }
0x23: {  	s9 =	sor.u32 $0xD0000000, s2;
	s6 =	simm.s32 $0x108;
	_ =	swait.ge @!p0 [sflag:s8], $0x0  }
0x24: {  	s3 =	sadd.s32 $0x88, s3;
	s6 =	simm.s32 @!p1 $0x1082;
	[sflag:s4] =	ssyncset.s32 $0xFFFFF086  }
0x25: {  	[simem:s6], [sflag:s4] =	dma.local [hbm:s3], $0xF7A  }
0x26: {  	[smem:$0x3F9E] =	sst s1;
	(tag) =	ssettag s2;
	_ =	strace s9  }
0x27: {  	s1 =	sld [smem:$0x3FAE]  }
0x28: {  	s2 =	sld [smem:$0x3FAF]  }
0x29: {  	s4 =	sld [smem:$0x3FB1]  }
0x2a: {  	p0 =	seq.s32 s5, $0x0;
	s5 =	sld [smem:$0x3FB2]  }
0x2b: {  	s6 =	sld [smem:$0x3FB3]  }
0x2c: {  	s7 =	sld [smem:$0x3FB4]  }
0x2d: {  	s3 =	simm.s32 $0x108;
	s8 =	sld [smem:$0x3FB5]  }
0x2e: {  	s3 =	simm.s32 @!p0 $0x1082;
	s9 =	sld [smem:$0x3FB6]  }
0x2f: {  	lr =	sadd.s32 s0, s3;
	s0 =	sld [smem:$0x3FAD]  }
0x30: {  	s3 =	sld [smem:$0x3FB0]  }
0x31: {  	[smem:$0x3FB9] =	sst s10  }
0x32: {  	s10 =	sld [smem:$0x3FB7];
	_ =	sdelay $0x3  }
0x33: {  	p0 =	seq.s32 s10, $0x1;
	s10 =	sld [smem:$0x3FB9];
	_ =	sdelay $0x3  }
0x34: {  	[smem:$0x3FB9] =	sst s10  }
0x35: {  	s10 =	sld [smem:$0x3FB8];
	_ =	sdelay $0x3  }
0x36: {  	p1 =	seq.s32 s10, $0x1;
	s10 =	sld [smem:$0x3FB9];
	_ =	sdelay $0x3  }
0x37: {  	[smem:$0x3FB9] =	sst s10  }
0x38: {  	s10 =	sld [smem:$0x3FBA]  }
0x39: {  	_ = 	snop;
	(pc) =	sbr.ind lr, $3  }
0x3a: {  	_ = 	snop  }
0x3b: {  	_ = 	snop  }
0x3c: {  	p2 =	seq.s32 s10, $0x1;
	s10 =	sld [smem:$0x3FB9]  }
0x3d: {  	_ =	shalt  }
0x3e: {  	_ =	shalt  }
0x3f: {  	_ =	shalt  }
0x40: {  	_ =	shalt  }
0x41: {  	_ =	shalt  }
0x42: {  	_ =	shalt  }
0x43: {  	_ =	shalt  }
0x44: {  	_ =	shalt  }
0x45: {  	_ =	shalt  }
0x46: {  	_ =	shalt  }
0x47: {  	_ =	shalt  }
0x48: {  	_ =	shalt  }
0x49: {  	_ =	shalt  }
0x4a: {  	_ =	shalt  }
0x4b: {  	_ =	shalt  }
0x4c: {  	_ =	shalt  }
0x4d: {  	_ =	shalt  }
0x4e: {  	_ =	shalt  }
0x4f: {  	_ =	shalt  }
0x50: {  	_ =	shalt  }
0x51: {  	_ =	shalt  }
0x52: {  	_ =	shalt  }
0x53: {  	_ =	shalt  }
0x54: {  	_ =	shalt  }
0x55: {  	_ =	shalt  }
0x56: {  	_ =	shalt  }
0x57: {  	_ =	shalt  }
0x58: {  	_ =	shalt  }
0x59: {  	_ =	shalt  }
0x5a: {  	_ =	shalt  }
0x5b: {  	_ =	shalt  }
0x5c: {  	_ =	shalt  }
0x5d: {  	_ =	shalt  }
0x5e: {  	_ =	shalt  }
0x5f: {  	_ =	shalt  }
0x60: {  	_ =	shalt  }
0x61: {  	_ =	shalt  }
0x62: {  	_ =	shalt  }
0x63: {  	_ =	shalt  }
0x64: {  	_ =	shalt  }
0x65: {  	_ =	shalt  }
0x66: {  	_ =	shalt  }
0x67: {  	_ =	shalt  }
0x68: {  	_ =	shalt  }
0x69: {  	_ =	shalt  }
0x6a: {  	_ =	shalt  }
0x6b: {  	_ =	shalt  }
0x6c: {  	_ =	shalt  }
0x6d: {  	_ =	shalt  }
0x6e: {  	_ =	shalt  }
0x6f: {  	_ =	shalt  }
0x70: {  	_ =	shalt  }
0x71: {  	_ =	shalt  }
0x72: {  	_ =	shalt  }
0x73: {  	_ =	shalt  }
0x74: {  	_ =	shalt  }
0x75: {  	_ =	shalt  }
0x76: {  	_ =	shalt  }
0x77: {  	_ =	shalt  }
0x78: {  	_ =	shalt  }
0x79: {  	_ =	shalt  }
0x7a: {  	_ =	shalt  }
0x7b: {  	_ =	shalt  }
0x7c: {  	_ =	shalt  }
0x7d: {  	_ =	shalt  }
0x7e: {  	_ =	shalt  }
0x7f: {  	_ =	shalt  }
0x80: {  	_ =	shalt  }
0x81: {  	_ =	shalt  }
0x82: {  	_ =	shalt  }
0x83: {  	_ =	shalt  }
0x84: {  	_ =	shalt  }
0x85: {  	_ =	shalt  }
0x86: {  	_ =	shalt  }
0x87: {  	_ =	shalt  }
.Lfunc_end0:
.L_simem_size_0:
called_computation_lowered:
.L_overlay_start_0:
0x88: {  	s2 =	sld [smem:$0x3FD9]  }
0x89: {  	s3 =	sld [smem:$0x3FFE];
	_ =	sdelay $0x1  }
0x8a: {  	s1 =	srdreg.scid  }
0x8b: {  	s0 =	sand.u32 $0x1, s1  }
0x8c: {  	s17 =	sshll.u32 s0, $0xA;
	s2 =	sadd.s32 s3, s2  }
0x8d: {  	s2 =	sadd.s32 s2, s17  }
0x8e: {  	[smem:$0x3FC5] =	sst s2  }
0x8f: {  	_ = 	snop  }
0x90: {  	s2 =	sld [smem:$0x3FC9]  }
0x91: {  	s18 =	sld [smem:$0x3FC8]  }
0x92: {  	s4 =	sld [smem:$0x3FC7];
	(tm) =	ssettm $0x1  }
0x93: {  	s5 =	sld [smem:$0x3FFB];
	_ =	sdelay $0x3  }
0x94: {  	_ =	strace s5  }
0x95: {  	s5 =	sld [smem:$0x3FFC];
	_ =	sdelay $0x3  }
0x96: {  	_ =	strace s5  }
0x97: {  	s5 =	sld [smem:$0x3FFD];
	_ =	sdelay $0x3  }
0x98: {  	_ =	strace s5  }
0x99: {  	_ =	strace $0x8FFFFFFF  }
0x9a: {  	s19 =	sld [smem:$0x3FDB];
	_ =	sdelay $0x1  }
0x9b: {  	s6 =	simm.s32 $_scs_section_size  }
0x9c: {  	s7 =	simm.s32 $_size__tile_overlayer_lowered;
	s8 =	simm.s32 $_tile_overlayer_lowered  }
0x9d: {  	s22 =	simm.s32 $0x1BFF;
	s21 =	sshll.u32 s8, $0x1;
	s5 =	sadd.s32 s6, s19  }
0x9e: {  	s9 =	simm.s32 $0x0;
	s20 =	sshll.u32 s7, $0x1;
	s7 =	sadd.s32 s21, s5  }
0x9f: {  	[timem:s9], [sflag:s22] =	dma.local [hbm:s7], s20  }
0xa0: {  	_ =	swait.ge [sflag:s22], s20  }
0xa1: {  	s6 =	ssub.s32 $0x0, s20;
	[sflag:s22] =	ssyncset.done $0x0  }
0xa2: {  	[sflag:s22] =	ssyncadd.s32 s6;
	_ =	sdelay $0x1  }
0xa3: {  	s23 =	simm.s32 $0x1B8B  }
0xa4: {  	_ =	swait.ge [sflag:s23], $0x1  }
0xa5: {  	[sflag:s23] =	ssyncset.done $0x0  }
0xa6: {  	s25 =	simm.s32 $0x1B8E;
	s24 =	sld [smem:$0x3FFE];
	[sflag:s23] =	ssyncadd.s32 $0xFFFFFFFF  }
0xa7: {  	s26 =	simm.s32 $execute0_lowered;
	[smem:$0x3FD2] =	sst s25  }
0xa8: {  	s7 =	sshll.u32 s26, $0x1;
	_ =	strace $0x80000046;
	[dreg:$0x1] =	wrdreg $0xFFFFFFFF  }
0xa9: {  	s28 =	simm.s32 $_size_execute0_lowered;
	s5 =	sadd.s32 s5, s7;
	[dreg:$0x0] =	wrdreg $0x0  }
0xaa: {  	s7 =	sshll.u32 s28, $0x1;
	[dreg:$0x2] =	wrdreg s5  }
0xab: {  	[dreg:$0x3] =	wrdreg s7  }
0xac: {  	[dreg:$0x4] =	wrdreg $0xC0  }
0xad: {  	_ =	task [dreg:s9], $0x5FFFF  }
0xae: {  	[dreg:$0x1] =	wrdreg $0xFFFFFFFF  }
0xaf: {  	[dreg:$0x0] =	wrdreg $0x60  }
0xb0: {  	[dreg:$0x2] =	wrdreg s2  }
0xb1: {  	[dreg:$0x3] =	wrdreg s18  }
0xb2: {  	[dreg:$0x4] =	wrdreg s4  }
0xb3: {  	[dreg:$0x5] =	wrdreg s24  }
0xb4: {  	[dreg:$0x6] =	wrdreg $0x9  }
0xb5: {  	_ =	task.clear_ibuf [dreg:s9], $0x7FFFF;
	_ =	strace $0x90000046  }
0xb6: {  	s29 =	simm.s32 $0x9;
	_ =	strace $0x80000048  }
0xb7: {  	_ =	swait.ge [sflag:s29], $0x1  }
0xb8: {  	[sflag:s29] =	ssyncadd.s32 $0xFFFFFFFF  }
0xb9: {  	_ =	strace $0x90000048  }
0xba: {  	_ =	sfence  }
0xbb: {  	s30 =	sld [smem:$0x0];
	_ =	sdelay $0x2  }
0xbc: {  	s31 =	sshll.u32 s1, $0xD;
	s1 =	sshrl.u32 s1, $0x2  }
0xbd: {  	s3 =	sand.u32 $0x4000, s31;
	s1 =	sadd.s32 s1, s30  }
0xbe: {  	s0 =	sor.u32 s3, s0;
	s1 =	sshll.u32 s1, $0x11  }
0xbf: {  	s0 =	sor.u32 s1, s0  }
0xc0: {  	s0 =	sadd.s32 $0x8F2B, s0  }
0xc1: {  	[sflag:s0] =	ssyncadd.remote.s32 $0x1  }
0xc2: {  	_ =	sfence.sel $0xFFFF  }
0xc3: {  	[dreg:$0x0] =	wrdreg $0xFFFFFFFF;
	(pc) =	sbr.abs _section_cstart, $3  }
0xc4: {  	[dreg:$0x1] =	wrdreg $0xFFFFFFFF  }
0xc5: {  	_ =	task.clear_ibuf [dreg:s9], $0x2FFFF;
	_ =	strace $0x9FFFFFFF  }
0xc6: {  	(tm) =	ssettm $0x7FFFFFFF  }
0xc7: {  	_ =	shalt  }
tec
execute0_lowered:
.L_overlay_start_1:
0x0: {  	(tag) =	ssettag $0x1  }
0x1: {  	s1 =	rddreg [dreg:$0x0]  }
0x2: {  	s5 =	rddreg [dreg:$0x1]  }
0x3: {  	s0 =	srdreg.scid;
	s4 =	rddreg [dreg:$0x2]  }
0x4: {  	s3 =	stileid.u32;
	s6 =	rddreg [dreg:$0x3]  }
0x5: {  	s19 =	simm.s32 $0xD80;
	s20 =	simm.s32 $0x1E00;
	s21 =	simm.s32 $0xE00  }
0x6: {  	s22 =	simm.s32 $0x1E80;
	s23 =	simm.s32 $0xE80;
	s24 =	simm.s32 $0x1F00  }
0x7: {  	s25 =	simm.s32 $0xF00;
	s26 =	simm.s32 $0x1F80;
	s28 =	simm.s32 $0xF80  }
0x8: {  	s29 =	simm.s32 $0x2000;
	s30 =	simm.s32 $0x1000;
	s31 =	simm.s32 $0x2080  }
0x9: {  	s11 =	simm.s32 $0x2;
	s12 =	simm.s32 $0x3;
	s13 =	simm.s32 $0x4  }
0xa: {  	s14 =	simm.s32 $0x2100;
	s0 =	sand.u32 $0x1, s0;
	s2 =	sshll.u32 s3, $0x1  }
0xb: {  	s15 =	sshrl.u32 s3, $0x2;
	s3 =	simm.s32 $0x0;
	s7 =	sor.u32 s0, s2  }
0xc: {  	s9 =	sshll.u32 s15, $0xA;
	[smem:$0x7FF] =	sst s3;
	s0 =	ssub.s32 $0x2, s0  }
0xd: {  	s10 =	sshll.u32 s15, $0xF;
	s2 =	simm.s32 $0x5;
	s15 =	simm.s32 $0x0  }
0xe: {  	s8 =	sshll.u32 s7, $0x7;
	_ =	strace $0x80000047;
	s16 =	sshrl.u32 s0, $0x1  }
0xf: {  	s17 =	sshll.u32 s7, $0x5;
	s7 =	sshll.u32 s7, $0x2;
	s8 =	sand.u32 $0x380, s8  }
0x10: {  	v1 =	vlaneseq.u32;
	s18 =	sor.u32 $0x10, s17;
	s5 =	sadd.s32 s5, s7;
	v0 =	vmov s17;
	s9 =	sor.u32 s9, s8  }
0x11: {  	v2 =	vor.u32 s17, v1;
	s8 =	sor.u32 s10, s8;
	s10 =	simm.s32 $0x6;
	v3 =	vmov s18;
	v0 =	vshll.u32 v0, $0x3;
	s9 =	sshrl.u32 s9, $0x3  }
0x12: {  	v1 =	vor.u32 s18, v1;
	v2 =	vand.u32 $0x6F, v2;
	s8 =	sshrl.u32 s8, $0x3;
	v3 =	vshll.u32 v3, $0x3;
	s6 =	sadd.s32 s9, s6;
	s9 =	ssub.s32 s0, s16  }
0x13: {  	v0 =	vand.u32 $0x7FFFFC00, v0;
	v1 =	vand.u32 $0x7F, v1;
	s4 =	sadd.s32 s4, s8;
	s8 =	simm.s32 $0x400;
	v3 =	vand.u32 $0x7FFFFC00, v3;
	s0 =	simm.s32 $0x1  }
0x14: {  	v0 =	vor.u32 v2, v0;
	s6 =	sadd.s32 $0x400, s6;
	s7 =	smax.u32 s9, $0x1;
	s9 =	simm.s32 $0x80;
	v1 =	vor.u32 v1, v3  }
.LBB2_1:
0x15: {  	[tilespmem:s9], [sflag:$0x6] =	stream.strided.gather [hbm4b:s4+s9], $0x1000, s8, s9, $0x38;
	[tilespmem:$0x2180] =	vst v63  }
0x16: {  	_ =	swait.ge [sflag:s10], $0x1000  }
0x17: {  	[sflag:s10] =	ssyncset.done $0x0  }
0x18: {  	[sflag:s10] =	ssyncadd.s32 $0xFFFFF000  }
0x19: {  	[tilespmem:s3], [sflag:$0x6] =	stream.linear.gather [hbm4b:s5+s3], $0x20, $0x38;
	[tilespmem:$0x2180] =	vst v63  }
0x1a: {  	_ =	swait.ge [sflag:s10], $0x20  }
0x1b: {  	[sflag:s10] =	ssyncset.done $0x0  }
0x1c: {  	[sflag:s10] =	ssyncadd.s32 $0xFFFFFFE0  }
0x1d: {  	v2 =	vld [tilespmem:$0x0]  }
0x1e: {  	v3 =	vld [tilespmem:$0x10];
	_ =	sdelay $0x3  }
0x1f: {  	v4 =	vshll.u32 v2, $0xA;
	v2 =	vshll.u32 v2, $0x7  }
0x20: {  	v5 =	vshll.u32 v3, $0x7;
	v3 =	vshll.u32 v3, $0xA;
	v2 =	vand.u32 $0x380, v2  }
0x21: {  	v4 =	vand.u32 $0xFFFFE000, v4;
	v5 =	vand.u32 $0x380, v5;
	v2 =	vor.u32 v0, v2  }
0x22: {  	v3 =	vand.u32 $0xFFFFE000, v3;
	v63 =	vor.u32 v1, v5;
	v2 =	vadd.s32 v4, v2  }
0x23: {  	[tilespmem:$0x0] =	vst v2;
	v2 =	vadd.s32 v3, v63  }
0x24: {  	s16 =	simm.s32 $0x20;
	s17 =	simm.s32 $0x1080;
	[tilespmem:$0x10] =	vst v2  }
0x25: {  	[tilespmem:s17], [sflag:$0x5] =	stream.indirect.gather [hbm4b:s1+s16], $0x1, s3, s16, $0xb8;
	[tilespmem:$0x2180] =	vst v63  }
0x26: {  	s16 =	simm.s32 $0x0  }
0x27: {  	s17 =	simm.s32 $0x80;
	v2 =	vld [tilespmem:s16+$0x80]  }
.LBB2_2:
0x28: {  	p0 =	sne.s32 s17, $0xF80;
	v3 =	vld [tilespmem:s16+$0x90];
	_ =	sdelay $0x3  }
0x29: {  	v4 =	vshll.u32 v2, $0xA;
	v2 =	vshll.u32 v2, $0x7  }
.Ltmp0:
0x2a: {  	v4 =	vand.u32 $0xFFFFE000, v4;
	v2 =	vand.u32 $0x380, v2;
	v5 =	vshll.u32 v3, $0x7;
	(pc) =	sbr.rel @p0 .LBB2_2-.Ltmp0, $4  }
0x2b: {  	v3 =	vshll.u32 v3, $0xA;
	v2 =	vor.u32 v0, v2;
	v5 =	vand.u32 $0x380, v5  }
0x2c: {  	v3 =	vand.u32 $0xFFFFE000, v3;
	v2 =	vadd.s32 v4, v2;
	v4 =	vor.u32 v1, v5  }
0x2d: {  	s18 =	sshra.s32 s17, $0x2;
	[tilespmem:s16+$0x80] =	vst v2;
	v3 =	vadd.s32 v3, v4  }
0x2e: {  	s17 =	sadd.s32 $0x80, s17;
	v2 =	vld [tilespmem:s18+$0x80];
	[tilespmem:s16+$0x90] =	vst v3;
	s16 =	smov.u32 s18  }
0x2f: {  	v3 =	vld [tilespmem:s16+$0x90];
	_ =	sdelay $0x3  }
0x30: {  	v4 =	vshll.u32 v2, $0xA;
	v2 =	vshll.u32 v2, $0x7  }
0x31: {  	v4 =	vand.u32 $0xFFFFE000, v4;
	v2 =	vand.u32 $0x380, v2;
	v5 =	vshll.u32 v3, $0x7  }
0x32: {  	v3 =	vshll.u32 v3, $0xA;
	v2 =	vor.u32 v0, v2;
	v5 =	vand.u32 $0x380, v5  }
0x33: {  	v3 =	vand.u32 $0xFFFFE000, v3;
	v2 =	vadd.s32 v4, v2;
	v63 =	vor.u32 v1, v5  }
0x34: {  	[tilespmem:s16+$0x80] =	vst v2;
	v2 =	vadd.s32 v3, v63  }
0x35: {  	s17 =	simm.s32 $0x1100;
	[tilespmem:s16+$0x90] =	vst v2  }
0x36: {  	[tilespmem:s17], [sflag:$0x1] =	stream.indirect.gather [hbm4b:s1+s9], $0x1, s9, s9, $0xb8;
	[tilespmem:$0x2180] =	vst v63  }
0x37: {  	s18 =	simm.s32 $0x100;
	s17 =	simm.s32 $0x1180  }
0x38: {  	[tilespmem:s17], [sflag:$0x1] =	stream.indirect.gather [hbm4b:s1+s9], $0x1, s18, s9, $0xb8;
	[tilespmem:$0x2180] =	vst v63  }
0x39: {  	s17 =	simm.s32 $0x180;
	s18 =	simm.s32 $0x1200  }
0x3a: {  	[tilespmem:s18], [sflag:$0x1] =	stream.indirect.gather [hbm4b:s1+s9], $0x1, s17, s9, $0xb8;
	[tilespmem:$0x2180] =	vst v63  }
0x3b: {  	s17 =	simm.s32 $0x200;
	s18 =	simm.s32 $0x1280  }
0x3c: {  	[tilespmem:s18], [sflag:$0x1] =	stream.indirect.gather [hbm4b:s1+s9], $0x1, s17, s9, $0xb8;
	[tilespmem:$0x2180] =	vst v63  }
0x3d: {  	s17 =	simm.s32 $0x280;
	s18 =	simm.s32 $0x1300  }
0x3e: {  	[tilespmem:s18], [sflag:$0x1] =	stream.indirect.gather [hbm4b:s1+s9], $0x1, s17, s9, $0xb8;
	[tilespmem:$0x2180] =	vst v63  }
0x3f: {  	s17 =	simm.s32 $0x300;
	s18 =	simm.s32 $0x1380  }
0x40: {  	[tilespmem:s18], [sflag:$0x1] =	stream.indirect.gather [hbm4b:s1+s9], $0x1, s17, s9, $0xb8;
	[tilespmem:$0x2180] =	vst v63  }
0x41: {  	s17 =	simm.s32 $0x380;
	s18 =	simm.s32 $0x1400  }
0x42: {  	[tilespmem:s18], [sflag:$0x1] =	stream.indirect.gather [hbm4b:s1+s9], $0x1, s17, s9, $0xb8;
	[tilespmem:$0x2180] =	vst v63  }
0x43: {  	s16 =	simm.s32 $0x0;
	s18 =	simm.s32 $0x1480  }
0x44: {  	[tilespmem:s18], [sflag:$0x1] =	stream.indirect.gather [hbm4b:s1+s9], $0x1, s8, s9, $0xb8;
	[tilespmem:$0x2180] =	vst v63  }
0x45: {  	s17 =	simm.s32 $0x80;
	v2 =	vld [tilespmem:s16+$0x480]  }
.LBB2_4:
0x46: {  	p0 =	sne.s32 s17, $0xF80;
	v3 =	vld [tilespmem:s16+$0x490];
	_ =	sdelay $0x3  }
0x47: {  	v4 =	vshll.u32 v2, $0xA;
	v2 =	vshll.u32 v2, $0x7  }
.Ltmp1:
0x48: {  	v4 =	vand.u32 $0xFFFFE000, v4;
	v2 =	vand.u32 $0x380, v2;
	v5 =	vshll.u32 v3, $0x7;
	(pc) =	sbr.rel @p0 .LBB2_4-.Ltmp1, $4  }
0x49: {  	v3 =	vshll.u32 v3, $0xA;
	v2 =	vor.u32 v0, v2;
	v5 =	vand.u32 $0x380, v5  }
0x4a: {  	v3 =	vand.u32 $0xFFFFE000, v3;
	v2 =	vadd.s32 v4, v2;
	v4 =	vor.u32 v1, v5  }
0x4b: {  	s18 =	sshra.s32 s17, $0x2;
	[tilespmem:s16+$0x480] =	vst v2;
	v3 =	vadd.s32 v3, v4  }
0x4c: {  	s17 =	sadd.s32 $0x80, s17;
	v2 =	vld [tilespmem:s18+$0x480];
	[tilespmem:s16+$0x490] =	vst v3;
	s16 =	smov.u32 s18  }
0x4d: {  	v3 =	vld [tilespmem:s16+$0x490];
	_ =	sdelay $0x3  }
0x4e: {  	v4 =	vshll.u32 v2, $0xA;
	v2 =	vshll.u32 v2, $0x7  }
0x4f: {  	v4 =	vand.u32 $0xFFFFE000, v4;
	v2 =	vand.u32 $0x380, v2;
	v5 =	vshll.u32 v3, $0x7  }
0x50: {  	v3 =	vshll.u32 v3, $0xA;
	v2 =	vor.u32 v0, v2;
	v5 =	vand.u32 $0x380, v5  }
0x51: {  	v3 =	vand.u32 $0xFFFFE000, v3;
	v2 =	vadd.s32 v4, v2;
	v63 =	vor.u32 v1, v5  }
0x52: {  	[tilespmem:s16+$0x480] =	vst v2;
	v2 =	vadd.s32 v3, v63  }
0x53: {  	s18 =	simm.s32 $0x480;
	s17 =	simm.s32 $0x1500;
	[tilespmem:s16+$0x490] =	vst v2  }
0x54: {  	[tilespmem:s17], [sflag:$0x2] =	stream.indirect.gather [hbm4b:s1+s9], $0x1, s18, s9, $0xb8;
	[tilespmem:$0x2180] =	vst v63  }
0x55: {  	s17 =	simm.s32 $0x500;
	s18 =	simm.s32 $0x1580  }
0x56: {  	[tilespmem:s18], [sflag:$0x2] =	stream.indirect.gather [hbm4b:s1+s9], $0x1, s17, s9, $0xb8;
	[tilespmem:$0x2180] =	vst v63  }
0x57: {  	s17 =	simm.s32 $0x580;
	s18 =	simm.s32 $0x1600  }
0x58: {  	[tilespmem:s18], [sflag:$0x2] =	stream.indirect.gather [hbm4b:s1+s9], $0x1, s17, s9, $0xb8;
	[tilespmem:$0x2180] =	vst v63  }
0x59: {  	s17 =	simm.s32 $0x600;
	s18 =	simm.s32 $0x1680  }
0x5a: {  	[tilespmem:s18], [sflag:$0x2] =	stream.indirect.gather [hbm4b:s1+s9], $0x1, s17, s9, $0xb8;
	[tilespmem:$0x2180] =	vst v63  }
0x5b: {  	s17 =	simm.s32 $0x680;
	s18 =	simm.s32 $0x1700  }
0x5c: {  	[tilespmem:s18], [sflag:$0x2] =	stream.indirect.gather [hbm4b:s1+s9], $0x1, s17, s9, $0xb8;
	[tilespmem:$0x2180] =	vst v63  }
0x5d: {  	s17 =	simm.s32 $0x700;
	s18 =	simm.s32 $0x1780  }
0x5e: {  	[tilespmem:s18], [sflag:$0x2] =	stream.indirect.gather [hbm4b:s1+s9], $0x1, s17, s9, $0xb8;
	[tilespmem:$0x2180] =	vst v63  }
0x5f: {  	s17 =	simm.s32 $0x780;
	s18 =	simm.s32 $0x1800  }
0x60: {  	[tilespmem:s18], [sflag:$0x2] =	stream.indirect.gather [hbm4b:s1+s9], $0x1, s17, s9, $0xb8;
	[tilespmem:$0x2180] =	vst v63  }
0x61: {  	s16 =	simm.s32 $0x0;
	s17 =	simm.s32 $0x800;
	s18 =	simm.s32 $0x1880  }
0x62: {  	[tilespmem:s18], [sflag:$0x2] =	stream.indirect.gather [hbm4b:s1+s9], $0x1, s17, s9, $0xb8;
	[tilespmem:$0x2180] =	vst v63  }
0x63: {  	s17 =	simm.s32 $0x80;
	v2 =	vld [tilespmem:s16+$0x880]  }
.LBB2_6:
0x64: {  	p0 =	sne.s32 s17, $0xF80;
	v3 =	vld [tilespmem:s16+$0x890];
	_ =	sdelay $0x3  }
0x65: {  	v4 =	vshll.u32 v2, $0xA;
	v2 =	vshll.u32 v2, $0x7  }
.Ltmp2:
0x66: {  	v4 =	vand.u32 $0xFFFFE000, v4;
	v2 =	vand.u32 $0x380, v2;
	v5 =	vshll.u32 v3, $0x7;
	(pc) =	sbr.rel @p0 .LBB2_6-.Ltmp2, $4  }
0x67: {  	v3 =	vshll.u32 v3, $0xA;
	v2 =	vor.u32 v0, v2;
	v5 =	vand.u32 $0x380, v5  }
0x68: {  	v3 =	vand.u32 $0xFFFFE000, v3;
	v2 =	vadd.s32 v4, v2;
	v4 =	vor.u32 v1, v5  }
0x69: {  	s18 =	sshra.s32 s17, $0x2;
	[tilespmem:s16+$0x880] =	vst v2;
	v3 =	vadd.s32 v3, v4  }
0x6a: {  	s17 =	sadd.s32 $0x80, s17;
	v2 =	vld [tilespmem:s18+$0x880];
	[tilespmem:s16+$0x890] =	vst v3;
	s16 =	smov.u32 s18  }
0x6b: {  	v3 =	vld [tilespmem:s16+$0x890];
	_ =	sdelay $0x3  }
0x6c: {  	v4 =	vshll.u32 v2, $0xA;
	v2 =	vshll.u32 v2, $0x7  }
0x6d: {  	v4 =	vand.u32 $0xFFFFE000, v4;
	v2 =	vand.u32 $0x380, v2;
	v5 =	vshll.u32 v3, $0x7  }
0x6e: {  	v3 =	vshll.u32 v3, $0xA;
	v2 =	vor.u32 v0, v2;
	v5 =	vand.u32 $0x380, v5  }
0x6f: {  	v3 =	vand.u32 $0xFFFFE000, v3;
	v2 =	vadd.s32 v4, v2;
	v63 =	vor.u32 v1, v5  }
0x70: {  	[tilespmem:s16+$0x880] =	vst v2;
	v2 =	vadd.s32 v3, v63  }
0x71: {  	s18 =	simm.s32 $0x880;
	s17 =	simm.s32 $0x1900;
	[tilespmem:s16+$0x890] =	vst v2  }
0x72: {  	[tilespmem:s17], [sflag:$0x3] =	stream.indirect.gather [hbm4b:s1+s9], $0x1, s18, s9, $0xb8;
	[tilespmem:$0x2180] =	vst v63  }
0x73: {  	s17 =	simm.s32 $0x900;
	s18 =	simm.s32 $0x1980  }
0x74: {  	[tilespmem:s18], [sflag:$0x3] =	stream.indirect.gather [hbm4b:s1+s9], $0x1, s17, s9, $0xb8;
	[tilespmem:$0x2180] =	vst v63  }
0x75: {  	s17 =	simm.s32 $0x980;
	s18 =	simm.s32 $0x1A00  }
0x76: {  	[tilespmem:s18], [sflag:$0x3] =	stream.indirect.gather [hbm4b:s1+s9], $0x1, s17, s9, $0xb8;
	[tilespmem:$0x2180] =	vst v63  }
0x77: {  	s17 =	simm.s32 $0xA00;
	s18 =	simm.s32 $0x1A80  }
0x78: {  	[tilespmem:s18], [sflag:$0x3] =	stream.indirect.gather [hbm4b:s1+s9], $0x1, s17, s9, $0xb8;
	[tilespmem:$0x2180] =	vst v63  }
0x79: {  	s17 =	simm.s32 $0xA80;
	s18 =	simm.s32 $0x1B00  }
0x7a: {  	[tilespmem:s18], [sflag:$0x3] =	stream.indirect.gather [hbm4b:s1+s9], $0x1, s17, s9, $0xb8;
	[tilespmem:$0x2180] =	vst v63  }
0x7b: {  	s17 =	simm.s32 $0xB00;
	s18 =	simm.s32 $0x1B80  }
0x7c: {  	[tilespmem:s18], [sflag:$0x3] =	stream.indirect.gather [hbm4b:s1+s9], $0x1, s17, s9, $0xb8;
	[tilespmem:$0x2180] =	vst v63  }
0x7d: {  	s17 =	simm.s32 $0xB80;
	s18 =	simm.s32 $0x1C00  }
0x7e: {  	[tilespmem:s18], [sflag:$0x3] =	stream.indirect.gather [hbm4b:s1+s9], $0x1, s17, s9, $0xb8;
	[tilespmem:$0x2180] =	vst v63  }
0x7f: {  	s16 =	simm.s32 $0x0;
	s17 =	simm.s32 $0xC00;
	s18 =	simm.s32 $0x1C80  }
0x80: {  	[tilespmem:s18], [sflag:$0x3] =	stream.indirect.gather [hbm4b:s1+s9], $0x1, s17, s9, $0xb8;
	[tilespmem:$0x2180] =	vst v63  }
0x81: {  	s17 =	simm.s32 $0x80;
	v2 =	vld [tilespmem:s16+$0xC80]  }
.LBB2_8:
0x82: {  	p0 =	sne.s32 s17, $0xF80;
	v3 =	vld [tilespmem:s16+$0xC90];
	_ =	sdelay $0x3  }
0x83: {  	v4 =	vshll.u32 v2, $0xA;
	v2 =	vshll.u32 v2, $0x7  }
.Ltmp3:
0x84: {  	v4 =	vand.u32 $0xFFFFE000, v4;
	v2 =	vand.u32 $0x380, v2;
	v5 =	vshll.u32 v3, $0x7;
	(pc) =	sbr.rel @p0 .LBB2_8-.Ltmp3, $4  }
0x85: {  	v3 =	vshll.u32 v3, $0xA;
	v2 =	vor.u32 v0, v2;
	v5 =	vand.u32 $0x380, v5  }
0x86: {  	v3 =	vand.u32 $0xFFFFE000, v3;
	v2 =	vadd.s32 v4, v2;
	v4 =	vor.u32 v1, v5  }
0x87: {  	s18 =	sshra.s32 s17, $0x2;
	[tilespmem:s16+$0xC80] =	vst v2;
	v3 =	vadd.s32 v3, v4  }
0x88: {  	s17 =	sadd.s32 $0x80, s17;
	v2 =	vld [tilespmem:s18+$0xC80];
	[tilespmem:s16+$0xC90] =	vst v3;
	s16 =	smov.u32 s18  }
0x89: {  	v3 =	vld [tilespmem:s16+$0xC90];
	_ =	sdelay $0x3  }
0x8a: {  	v4 =	vshll.u32 v2, $0xA;
	v2 =	vshll.u32 v2, $0x7  }
0x8b: {  	v4 =	vand.u32 $0xFFFFE000, v4;
	v2 =	vand.u32 $0x380, v2;
	v5 =	vshll.u32 v3, $0x7  }
0x8c: {  	v3 =	vshll.u32 v3, $0xA;
	v2 =	vor.u32 v0, v2;
	v5 =	vand.u32 $0x380, v5  }
0x8d: {  	v3 =	vand.u32 $0xFFFFE000, v3;
	v2 =	vadd.s32 v4, v2;
	v4 =	vor.u32 v1, v5  }
0x8e: {  	[tilespmem:s16+$0xC80] =	vst v2;
	v2 =	vadd.s32 v3, v4  }
0x8f: {  	s18 =	simm.s32 $0xC80;
	s17 =	simm.s32 $0x1D00;
	[tilespmem:s16+$0xC90] =	vst v2  }
0x90: {  	[tilespmem:s17], [sflag:$0x4] =	stream.indirect.gather [hbm4b:s1+s9], $0x1, s18, s9, $0xb8;
	[tilespmem:$0x2180] =	vst v63  }
0x91: {  	s17 =	simm.s32 $0xD00;
	s18 =	simm.s32 $0x1D80  }
0x92: {  	[tilespmem:s18], [sflag:$0x4] =	stream.indirect.gather [hbm4b:s1+s9], $0x1, s17, s9, $0xb8;
	[tilespmem:$0x2180] =	vst v63  }
0x93: {  	_ = 	snop  }
0x94: {  	[tilespmem:s20], [sflag:$0x4] =	stream.indirect.gather [hbm4b:s1+s9], $0x1, s19, s9, $0xb8;
	[tilespmem:$0x2180] =	vst v63  }
0x95: {  	_ = 	snop  }
0x96: {  	[tilespmem:s22], [sflag:$0x4] =	stream.indirect.gather [hbm4b:s1+s9], $0x1, s21, s9, $0xb8;
	[tilespmem:$0x2180] =	vst v63  }
0x97: {  	_ = 	snop  }
0x98: {  	[tilespmem:s24], [sflag:$0x4] =	stream.indirect.gather [hbm4b:s1+s9], $0x1, s23, s9, $0xb8;
	[tilespmem:$0x2180] =	vst v63  }
0x99: {  	_ = 	snop  }
0x9a: {  	[tilespmem:s26], [sflag:$0x4] =	stream.indirect.gather [hbm4b:s1+s9], $0x1, s25, s9, $0xb8;
	[tilespmem:$0x2180] =	vst v63  }
0x9b: {  	_ = 	snop  }
0x9c: {  	[tilespmem:s29], [sflag:$0x4] =	stream.indirect.gather [hbm4b:s1+s9], $0x1, s28, s9, $0xb8;
	[tilespmem:$0x2180] =	vst v63  }
0x9d: {  	_ = 	snop  }
0x9e: {  	[tilespmem:s31], [sflag:$0x4] =	stream.indirect.gather [hbm4b:s1+s9], $0x1, s30, s9, $0xb8;
	[tilespmem:$0x2180] =	vst v63  }
0x9f: {  	_ =	swait.ge [sflag:s2], $0x20  }
0xa0: {  	[sflag:s2] =	ssyncset.done $0x0  }
0xa1: {  	[sflag:s2] =	ssyncadd.s32 $0xFFFFFFE0  }
0xa2: {  	v2 =	vld [tilespmem:$0x1080]  }
0xa3: {  	v3 =	vld [tilespmem:$0x1090];
	_ =	swait.ge [sflag:s0], $0x80  }
0xa4: {  	[sflag:s0] =	ssyncset.done $0x0  }
0xa5: {  	[sflag:s0] =	ssyncadd.s32 $0xFFFFFF80  }
0xa6: {  	_ =	swait.ge [sflag:s0], $0x80  }
0xa7: {  	[sflag:s0] =	ssyncset.done $0x0  }
0xa8: {  	[sflag:s0] =	ssyncadd.s32 $0xFFFFFF80  }
0xa9: {  	_ =	swait.ge [sflag:s0], $0x80  }
0xaa: {  	[sflag:s0] =	ssyncset.done $0x0  }
0xab: {  	[sflag:s0] =	ssyncadd.s32 $0xFFFFFF80  }
0xac: {  	_ =	swait.ge [sflag:s0], $0x80  }
0xad: {  	[sflag:s0] =	ssyncset.done $0x0  }
0xae: {  	[sflag:s0] =	ssyncadd.s32 $0xFFFFFF80  }
0xaf: {  	_ =	swait.ge [sflag:s0], $0x80  }
0xb0: {  	[sflag:s0] =	ssyncset.done $0x0  }
0xb1: {  	[sflag:s0] =	ssyncadd.s32 $0xFFFFFF80  }
0xb2: {  	_ =	swait.ge [sflag:s0], $0x80  }
0xb3: {  	[sflag:s0] =	ssyncset.done $0x0  }
0xb4: {  	[sflag:s0] =	ssyncadd.s32 $0xFFFFFF80  }
0xb5: {  	_ =	swait.ge [sflag:s0], $0x80  }
0xb6: {  	[sflag:s0] =	ssyncset.done $0x0  }
0xb7: {  	[sflag:s0] =	ssyncadd.s32 $0xFFFFFF80  }
0xb8: {  	_ =	swait.ge [sflag:s0], $0x80  }
0xb9: {  	[sflag:s0] =	ssyncset.done $0x0  }
0xba: {  	s18 =	simm.s32 $0x0;
	[sflag:s0] =	ssyncadd.s32 $0xFFFFFF80  }
0xbb: {  	v4 =	vld [tilespmem:s18+$0x1110];
	_ =	sdelay $0x4  }
0xbc: {  	v4 =	vsub.f32 v3, v4;
	_ =	sdelay $0x1  }
0xbd: {  	v5 =	vand.u32 $0x7FFFFFFF, v4  }
0xbe: {  	v5 =	vsub.f32 $0.0e+00, v5  }
0xbf: {  	v6 =	vld [tilespmem:s18+$0x1100]  }
0xc0: {  	v5 =	vmul.f32 $1.442695020e+00, v5;
	_ =	sdelay $0x1  }
0xc1: {  	(erf) = vpow2.f32 v5  }
0xc2: {  	s17 =	simm.s32 $0x20  }
0xc3: {  	v7 =	vsub.f32 v2, v6;
	v5 =	vld [tilespmem:s17+$0x1110];
	_ =	sdelay $0x1  }
0xc4: {  	v6 =	vand.u32 $0x7FFFFFFF, v7  }
0xc5: {  	v6 =	vsub.f32 $0.0e+00, v6;
	_ =	sdelay $0x1  }
0xc6: {  	v8 =	vld [tilespmem:s17+$0x1100];
	v6 =	vmul.f32 $1.442695020e+00, v6;
	v5 =	vsub.f32 v3, v5;
	_ =	sdelay $0x1  }
0xc7: {  	(erf) = vpow2.f32 v6;
	v6 =	vand.u32 $0x7FFFFFFF, v5;
	v9 =	vpop (erf)  }
0xc8: {  	v6 =	vsub.f32 $0.0e+00, v6;
	v10 =	vadd.f32 $2.000000000e+00, v9;
	_ =	sdelay $0x1  }
0xc9: {  	v8 =	vsub.f32 v2, v8;
	v6 =	vmul.f32 $1.442695020e+00, v6;
	(erf) = vrcp.f32 v10;
	_ =	sdelay $0x1  }
0xca: {  	(erf) = vpow2.f32 v6;
	v6 =	vand.u32 $0x7FFFFFFF, v8  }
0xcb: {  	v6 =	vsub.f32 $0.0e+00, v6  }
0xcc: {  	s18 =	simm.s32 $0x40  }
0xcd: {  	v10 =	vld [tilespmem:s18+$0x1110];
	v6 =	vmul.f32 $1.442695020e+00, v6;
	_ =	sdelay $0x1  }
0xce: {  	v11 =	vpop (erf)  }
0xcf: {  	v12 =	vadd.f32 $2.000000000e+00, v11  }
0xd0: {  	(erf) = vpow2.f32 v6;
	v6 =	vpop (erf)  }
0xd1: {  	v14 =	vsub.f32 v3, v10;
	(erf) = vrcp.f32 v12;
	v13 =	vmul.f32 v6, v9  }
0xd2: {  	v12 =	vld [tilespmem:s18+$0x1100]  }
0xd3: {  	v10 =	vpop (erf);
	v6 =	vand.u32 $0x7FFFFFFF, v14;
	v15 =	vmul.f32 v13, v13  }
0xd4: {  	v9 =	vadd.f32 $2.000000000e+00, v10;
	v6 =	vsub.f32 $0.0e+00, v6  }
0xd5: {  	v16 =	vmul.f32 $1.111111120e-01, v15  }
0xd6: {  	(erf) = vrcp.f32 v9;
	v6 =	vmul.f32 $1.442695020e+00, v6  }
0xd7: {  	v12 =	vsub.f32 v2, v12  }
0xd8: {  	v9 =	vadd.f32 $1.428571490e-01, v16  }
0xd9: {  	s17 =	simm.s32 $0x60;
	v17 =	vand.u32 $0x7FFFFFFF, v12;
	v16 =	vpop (erf);
	(erf) = vpow2.f32 v6  }
0xda: {  	v18 =	vld [tilespmem:s17+$0x1100];
	v17 =	vsub.f32 $0.0e+00, v17;
	v9 =	vmul.f32 v9, v15;
	v6 =	vpop (erf)  }
0xdb: {  	v11 =	vmul.f32 v6, v11;
	v6 =	vld [tilespmem:s17+$0x1110]  }
0xdc: {  	v17 =	vmul.f32 $1.442695020e+00, v17;
	v9 =	vadd.f32 $2.000000030e-01, v9  }
0xdd: {  	v19 =	vadd.f32 $2.000000000e+00, v16;
	v20 =	vmul.f32 v11, v11  }
0xde: {  	(erf) = vpow2.f32 v17;
	v17 =	vmul.f32 v9, v15  }
0xdf: {  	v18 =	vsub.f32 v2, v18;
	(erf) = vrcp.f32 v19;
	v21 =	vpop (erf);
	v19 =	vmul.f32 $1.111111120e-01, v20  }
0xe0: {  	v21 =	vmul.f32 v21, v10;
	v17 =	vadd.f32 $3.333333430e-01, v17;
	v6 =	vsub.f32 v3, v6  }
0xe1: {  	v22 =	vmin.f32 v7, $0.0e+00;
	v24 =	vand.u32 $0x7FFFFFFF, v18;
	v7 =	vadd.f32 $1.428571490e-01, v19  }
0xe2: {  	v15 =	vmul.f32 v17, v15;
	v17 =	vmul.f32 v21, v21;
	v19 =	vand.u32 $0x7FFFFFFF, v6;
	v23 =	vpop (erf)  }
0xe3: {  	v10 =	vmin.f32 v8, $0.0e+00;
	v8 =	vsub.f32 $0.0e+00, v19;
	v19 =	vadd.f32 $2.000000000e+00, v23  }
0xe4: {  	v24 =	vsub.f32 $0.0e+00, v24;
	v25 =	vmul.f32 $1.111111120e-01, v17  }
0xe5: {  	v13 =	vadd.f32 v13, v13;
	v15 =	vadd.f32 $1.000000000e+00, v15;
	(erf) = vrcp.f32 v19  }
0xe6: {  	v7 =	vmul.f32 v7, v20;
	v8 =	vmul.f32 $1.442695020e+00, v8;
	v19 =	vadd.f32 $1.428571490e-01, v25  }
0xe7: {  	v13 =	vmul.f32 v15, v13;
	v15 =	vmul.f32 $1.442695020e+00, v24  }
0xe8: {  	v25 =	vpop (erf);
	(erf) = vpow2.f32 v8;
	v8 =	vmul.f32 v19, v17;
	v19 =	vadd.f32 $2.000000030e-01, v7  }
0xe9: {  	v4 =	vmin.f32 v4, $0.0e+00;
	s18 =	simm.s32 $0x80;
	v11 =	vadd.f32 v11, v11;
	v24 =	vpop (erf);
	(erf) = vpow2.f32 v15  }
0xea: {  	v26 =	vadd.f32 $2.000000000e+00, v25;
	v16 =	vmul.f32 v24, v16;
	v24 =	vld [tilespmem:s18+$0x1110];
	v15 =	vmul.f32 v19, v20  }
0xeb: {  	v9 =	vimm.f32 $0.0e+00;
	v4 =	vsub.f32 v4, v13;
	v13 =	vld [tilespmem:s18+$0x1100];
	v8 =	vadd.f32 $2.000000030e-01, v8  }
0xec: {  	v21 =	vadd.f32 v21, v21;
	(erf) = vrcp.f32 v26;
	v15 =	vadd.f32 $3.333333430e-01, v15  }
0xed: {  	v7 =	vmin.f32 v12, $0.0e+00;
	v19 =	vsub.f32 v9, v4;
	v26 =	vmul.f32 v8, v17  }
0xee: {  	v4 =	vmin.f32 v18, $0.0e+00;
	v27 =	vmul.f32 v16, v16;
	v15 =	vmul.f32 v15, v20;
	v18 =	vpop (erf)  }
0xef: {  	v8 =	vsub.f32 v3, v24;
	v24 =	vadd.f32 $3.333333430e-01, v26;
	v20 =	vmul.f32 v18, v23  }
0xf0: {  	v12 =	vadd.f32 v16, v16;
	v16 =	vmul.f32 $1.111111120e-01, v27;
	v18 =	vsub.f32 v2, v13  }
0xf1: {  	v13 =	vand.u32 $0x7FFFFFFF, v8;
	v17 =	vmul.f32 v24, v17;
	v24 =	vmul.f32 v20, v20  }
0xf2: {  	v5 =	vmin.f32 v5, $0.0e+00;
	v16 =	vadd.f32 $1.428571490e-01, v16;
	v23 =	vpop (erf);
	v13 =	vsub.f32 $0.0e+00, v13  }
0xf3: {  	v26 =	vadd.f32 $2.000000000e+00, v23;
	v17 =	vadd.f32 $1.000000000e+00, v17;
	v29 =	vmul.f32 $1.111111120e-01, v24  }
0xf4: {  	v30 =	vadd.f32 $1.000000000e+00, v15;
	v16 =	vmul.f32 v16, v27;
	v31 =	vpop (erf);
	v13 =	vmul.f32 $1.442695020e+00, v13  }
0xf5: {  	(erf) = vrcp.f32 v26;
	v15 =	vpop (erf);
	v17 =	vmul.f32 v17, v21;
	v26 =	vadd.f32 $1.428571490e-01, v29  }
0xf6: {  	v28 =	vand.u32 $0x7FFFFFFF, v18;
	(erf) = vpow2.f32 v13;
	v13 =	vmul.f32 v15, v25  }
0xf7: {  	v11 =	vmul.f32 v30, v11;
	v28 =	vsub.f32 $0.0e+00, v28;
	v25 =	vmul.f32 v26, v24  }
0xf8: {  	s17 =	simm.s32 $0xA0;
	v16 =	vadd.f32 $2.000000030e-01, v16;
	v5 =	vsub.f32 v5, v17;
	v15 =	vmul.f32 v13, v13  }
0xf9: {  	v21 =	vmul.f32 $1.442695020e+00, v28;
	v28 =	vadd.f32 $2.000000000e+00, v31;
	v17 =	vld [tilespmem:s17+$0x1110];
	v25 =	vadd.f32 $2.000000030e-01, v25  }
0xfa: {  	v16 =	vmul.f32 v16, v27;
	v26 =	vsub.f32 v19, v5;
	v19 =	vmul.f32 $1.111111120e-01, v15  }
0xfb: {  	(erf) = vpow2.f32 v21;
	v21 =	vld [tilespmem:s17+$0x1100];
	v25 =	vmul.f32 v25, v24  }
0xfc: {  	v14 =	vmin.f32 v14, $0.0e+00;
	(erf) = vrcp.f32 v28;
	v16 =	vadd.f32 $3.333333430e-01, v16  }
0xfd: {  	v5 =	vmin.f32 v18, $0.0e+00;
	v18 =	vsub.f32 v22, v11;
	v22 =	vadd.f32 $3.333333430e-01, v25  }
0xfe: {  	v16 =	vmul.f32 v16, v27;
	v28 =	vadd.f32 $1.428571490e-01, v19;
	v11 =	vsub.f32 v3, v17;
	v19 =	vpop (erf)  }
0xff: {  	v20 =	vadd.f32 v20, v20;
	v19 =	vmul.f32 v19, v23;
	v27 =	vmul.f32 v22, v24  }
0x100: {  	v13 =	vadd.f32 v13, v13;
	v17 =	vsub.f32 v2, v21;
	v25 =	vand.u32 $0x7FFFFFFF, v11  }
0x101: {  	v23 =	vpop (erf);
	v25 =	vsub.f32 $0.0e+00, v25;
	v22 =	vmul.f32 v19, v19;
	v27 =	vadd.f32 $1.000000000e+00, v27  }
0x102: {  	v21 =	vmul.f32 v28, v15;
	v29 =	vand.u32 $0x7FFFFFFF, v17;
	v28 =	vadd.f32 $2.000000000e+00, v23  }
0x103: {  	v29 =	vsub.f32 $0.0e+00, v29;
	v25 =	vmul.f32 $1.442695020e+00, v25;
	v30 =	vmul.f32 $1.111111120e-01, v22  }
0x104: {  	v24 =	vadd.f32 $1.000000000e+00, v16;
	v16 =	vpop (erf);
	(erf) = vrcp.f32 v28;
	v20 =	vmul.f32 v27, v20  }
0x105: {  	v32 =	vadd.f32 $2.000000000e+00, v16;
	v28 =	vmul.f32 $1.442695020e+00, v29;
	v29 =	vadd.f32 $1.428571490e-01, v30;
	v27 =	vpop (erf)  }
0x106: {  	(erf) = vpow2.f32 v25;
	v25 =	vmul.f32 v27, v31;
	v27 =	vsub.f32 v14, v20  }
0x107: {  	s18 =	simm.s32 $0xC0;
	(erf) = vpow2.f32 v28;
	v28 =	vmul.f32 v29, v22;
	v29 =	vadd.f32 $2.000000030e-01, v21  }
0x108: {  	v14 =	vld [tilespmem:s18+$0x1110];
	(erf) = vrcp.f32 v32;
	v20 =	vmul.f32 v25, v25;
	v21 =	vsub.f32 v26, v27  }
0x109: {  	s16 =	simm.s32 $0x380;
	v26 =	vld [tilespmem:s18+$0x1100];
	v25 =	vadd.f32 v25, v25;
	v28 =	vadd.f32 $2.000000030e-01, v28;
	v27 =	vmul.f32 v29, v15  }
.LBB2_10:
0x10a: {  	p0 =	sne.s32 s16, $0xF80;
	v29 =	vmin.f32 v17, $0.0e+00;
	v17 =	vmul.f32 $1.111111120e-01, v20;
	v24 =	vmul.f32 v24, v12;
	v12 =	vmovc v13  }
0x10b: {  	v9 =	vsub.f32 v9, v18;
	v28 =	vmul.f32 v28, v22;
	v27 =	vadd.f32 $3.333333430e-01, v27;
	v13 =	vmovc v25  }
0x10c: {  	v25 =	vadd.f32 $1.428571490e-01, v17;
	v18 =	vsub.f32 v10, v24;
	v10 =	vmovc v7;
	v7 =	vmovc v4;
	v4 =	vmov v5  }
0x10d: {  	v14 =	vsub.f32 v3, v14;
	v5 =	vpop (erf);
	v24 =	vadd.f32 $3.333333430e-01, v28;
	v15 =	vmul.f32 v27, v15  }
0x10e: {  	v17 =	vsub.f32 v2, v26;
	v26 =	vmul.f32 v5, v23;
	v25 =	vmul.f32 v25, v20;
	v5 =	vmovc v29  }
0x10f: {  	v27 =	vand.u32 $0x7FFFFFFF, v14;
	v23 =	vpop (erf);
	v28 =	vmul.f32 v24, v22;
	v24 =	vadd.f32 $1.000000000e+00, v15  }
0x110: {  	v35 =	vsub.f32 $0.0e+00, v27;
	v27 =	vadd.f32 $2.000000000e+00, v23;
	v29 =	vpop (erf);
	v22 =	vmul.f32 v26, v26  }
0x111: {  	v32 =	vadd.f32 v19, v19;
	v30 =	vand.u32 $0x7FFFFFFF, v17;
	v31 =	vpop (erf);
	v28 =	vadd.f32 $1.000000000e+00, v28  }
0x112: {  	v19 =	vmovc v26;
	v30 =	vsub.f32 $0.0e+00, v30;
	v15 =	vmovc v20;
	v33 =	vmul.f32 $1.442695020e+00, v35;
	v34 =	vmul.f32 $1.111111120e-01, v22  }
0x113: {  	v20 =	vadd.f32 $2.000000000e+00, v29;
	(erf) = vrcp.f32 v27;
	v26 =	vmul.f32 v28, v32  }
.Ltmp4:
0x114: {  	v27 =	vmul.f32 $1.442695020e+00, v30;
	v30 =	vmin.f32 v6, $0.0e+00;
	v6 =	vmovc v8;
	v8 =	vmovc v11;
	v28 =	vadd.f32 $1.428571490e-01, v34;
	(pc) =	sbr.rel @p0 .LBB2_10-.Ltmp4, $4  }
0x115: {  	v31 =	vmul.f32 v31, v16;
	v16 =	vmovc v29;
	v11 =	vmovc v14;
	(erf) = vpow2.f32 v33;
	v26 =	vsub.f32 v30, v26  }
0x116: {  	s17 =	sshra.s32 s16, $0x2;
	v29 =	vadd.f32 $2.000000030e-01, v25;
	(erf) = vpow2.f32 v27;
	v27 =	vmul.f32 v28, v22  }
0x117: {  	v14 =	vld [tilespmem:s17+$0x1110];
	(erf) = vrcp.f32 v20;
	v20 =	vmul.f32 v31, v31;
	v21 =	vsub.f32 v21, v26  }
0x118: {  	s16 =	sadd.s32 $0x80, s16;
	v25 =	vadd.f32 v31, v31;
	v26 =	vld [tilespmem:s17+$0x1100];
	v28 =	vadd.f32 $2.000000030e-01, v27;
	v27 =	vmul.f32 v29, v15  }
0x119: {  	_ =	sdelay $0x2  }
0x11a: {  	v14 =	vsub.f32 v3, v14  }
0x11b: {  	v29 =	vsub.f32 v2, v26  }
0x11c: {  	v30 =	vpop (erf);
	v26 =	vand.u32 $0x7FFFFFFF, v14  }
0x11d: {  	v31 =	vpop (erf);
	v26 =	vsub.f32 $0.0e+00, v26;
	v32 =	vand.u32 $0x7FFFFFFF, v29  }
0x11e: {  	v33 =	vadd.f32 $2.000000000e+00, v31;
	v32 =	vsub.f32 $0.0e+00, v32  }
0x11f: {  	v26 =	vmul.f32 $1.442695020e+00, v26  }
0x120: {  	(erf) = vrcp.f32 v33;
	v32 =	vmul.f32 $1.442695020e+00, v32  }
0x121: {  	(erf) = vpow2.f32 v26  }
0x122: {  	(erf) = vpow2.f32 v32;
	_ =	sdelay $0x4  }
0x123: {  	v59 =	vpop (erf)  }
0x124: {  	v60 =	vpop (erf)  }
0x125: {  	v34 =	vpop (erf)  }
0x126: {  	v35 =	vadd.f32 $2.000000000e+00, v59;
	v36 =	vpop (erf)  }
0x127: {  	v37 =	vadd.f32 $2.000000000e+00, v36;
	v26 =	vpop (erf)  }
0x128: {  	(erf) = vrcp.f32 v35;
	v61 =	vadd.f32 $2.000000000e+00, v26  }
0x129: {  	(erf) = vrcp.f32 v37  }
0x12a: {  	(erf) = vrcp.f32 v61;
	_ =	sdelay $0x6  }
0x12b: {  	v62 =	vpop (erf)  }
0x12c: {  	v37 =	vpop (erf)  }
0x12d: {  	v38 =	vpop (erf)  }
0x12e: {  	_ =	swait.ge [sflag:s11], $0x80  }
0x12f: {  	[sflag:s11] =	ssyncset.done $0x0  }
0x130: {  	[sflag:s11] =	ssyncadd.s32 $0xFFFFFF80  }
0x131: {  	_ =	swait.ge [sflag:s11], $0x80  }
0x132: {  	[sflag:s11] =	ssyncset.done $0x0  }
0x133: {  	[sflag:s11] =	ssyncadd.s32 $0xFFFFFF80  }
0x134: {  	_ =	swait.ge [sflag:s11], $0x80  }
0x135: {  	[sflag:s11] =	ssyncset.done $0x0  }
0x136: {  	[sflag:s11] =	ssyncadd.s32 $0xFFFFFF80  }
0x137: {  	_ =	swait.ge [sflag:s11], $0x80  }
0x138: {  	[sflag:s11] =	ssyncset.done $0x0  }
0x139: {  	[sflag:s11] =	ssyncadd.s32 $0xFFFFFF80  }
0x13a: {  	v28 =	vmul.f32 v28, v22;
	_ =	swait.ge [sflag:s11], $0x80  }
0x13b: {  	v23 =	vmul.f32 v30, v23;
	[sflag:s11] =	ssyncset.done $0x0  }
0x13c: {  	v28 =	vadd.f32 $3.333333430e-01, v28;
	[sflag:s11] =	ssyncadd.s32 $0xFFFFFF80  }
0x13d: {  	v30 =	vmul.f32 v23, v23;
	_ =	swait.ge [sflag:s11], $0x80  }
0x13e: {  	v18 =	vsub.f32 v9, v18;
	v9 =	vmul.f32 $1.111111120e-01, v20;
	v22 =	vmul.f32 v28, v22;
	[sflag:s11] =	ssyncset.done $0x0  }
0x13f: {  	v19 =	vadd.f32 v19, v19;
	v28 =	vmul.f32 $1.111111120e-01, v30;
	[sflag:s11] =	ssyncadd.s32 $0xFFFFFF80  }
0x140: {  	v12 =	vmul.f32 v24, v12;
	v9 =	vadd.f32 $1.428571490e-01, v9;
	v22 =	vadd.f32 $1.000000000e+00, v22;
	_ =	swait.ge [sflag:s11], $0x80  }
0x141: {  	v27 =	vadd.f32 $3.333333430e-01, v27;
	v24 =	vadd.f32 $1.428571490e-01, v28;
	[sflag:s11] =	ssyncset.done $0x0  }
0x142: {  	v10 =	vsub.f32 v10, v12;
	v12 =	vmul.f32 v22, v19;
	v22 =	vmul.f32 v9, v20;
	[sflag:s11] =	ssyncadd.s32 $0xFFFFFF80  }
0x143: {  	v6 =	vmin.f32 v6, $0.0e+00;
	v19 =	vmul.f32 v24, v30;
	_ =	swait.ge [sflag:s11], $0x80  }
0x144: {  	v15 =	vmul.f32 v27, v15;
	v9 =	vmin.f32 v17, $0.0e+00;
	v17 =	vadd.f32 $2.000000030e-01, v22;
	[sflag:s11] =	ssyncset.done $0x0  }
0x145: {  	s16 =	simm.s32 $0x0;
	v8 =	vmin.f32 v8, $0.0e+00;
	v6 =	vsub.f32 v6, v12;
	v12 =	vadd.f32 $2.000000030e-01, v19;
	[sflag:s11] =	ssyncadd.s32 $0xFFFFFF80  }
0x146: {  	v15 =	vadd.f32 $1.000000000e+00, v15;
	v16 =	vmul.f32 v60, v16;
	v17 =	vmul.f32 v17, v20;
	v19 =	vld [tilespmem:s16+$0x1510]  }
0x147: {  	v11 =	vmin.f32 v11, $0.0e+00;
	v12 =	vmul.f32 v12, v30;
	v24 =	vmul.f32 v34, v31  }
0x148: {  	v10 =	vsub.f32 v18, v10;
	v13 =	vmul.f32 v15, v13;
	v22 =	vmul.f32 v16, v16  }
0x149: {  	v15 =	vadd.f32 $3.333333430e-01, v17;
	v12 =	vadd.f32 $3.333333430e-01, v12;
	v17 =	vmul.f32 v24, v24  }
0x14a: {  	v23 =	vadd.f32 v23, v23;
	v7 =	vsub.f32 v7, v13;
	v27 =	vmul.f32 $1.111111120e-01, v22  }
0x14b: {  	v18 =	vmul.f32 v12, v30;
	v13 =	vmul.f32 $1.111111120e-01, v17;
	v12 =	vsub.f32 v3, v19  }
0x14c: {  	v14 =	vmin.f32 v14, $0.0e+00;
	v16 =	vadd.f32 v16, v16;
	v19 =	vadd.f32 $1.428571490e-01, v27  }
0x14d: {  	v18 =	vadd.f32 $1.000000000e+00, v18;
	v13 =	vadd.f32 $1.428571490e-01, v13;
	v27 =	vand.u32 $0x7FFFFFFF, v12  }
0x14e: {  	v15 =	vmul.f32 v15, v20;
	v19 =	vmul.f32 v19, v22;
	v27 =	vsub.f32 $0.0e+00, v27  }
0x14f: {  	v21 =	vsub.f32 v21, v6;
	v18 =	vmul.f32 v18, v23;
	v13 =	vmul.f32 v13, v17;
	v20 =	vld [tilespmem:s16+$0x1500]  }
0x150: {  	v15 =	vadd.f32 $1.000000000e+00, v15;
	v19 =	vadd.f32 $2.000000030e-01, v19;
	v23 =	vmul.f32 $1.442695020e+00, v27  }
0x151: {  	v8 =	vsub.f32 v8, v18;
	v13 =	vadd.f32 $2.000000030e-01, v13;
	v27 =	vmul.f32 v62, v59  }
0x152: {  	v7 =	vsub.f32 v10, v7;
	v18 =	vmul.f32 v19, v22;
	(erf) = vpow2.f32 v23  }
0x153: {  	s17 =	simm.s32 $0x20;
	v15 =	vmul.f32 v15, v25;
	v8 =	vsub.f32 v21, v8;
	v13 =	vmul.f32 v13, v17  }
0x154: {  	v19 =	vmul.f32 v27, v27;
	v23 =	vsub.f32 v2, v20;
	v20 =	vld [tilespmem:s17+$0x1510];
	v18 =	vadd.f32 $3.333333430e-01, v18  }
0x155: {  	v10 =	vadd.f32 $3.333333430e-01, v13;
	v25 =	vmul.f32 v37, v36;
	v21 =	vadd.f32 v27, v27  }
0x156: {  	v27 =	vmul.f32 $1.111111120e-01, v19;
	v13 =	vmul.f32 v18, v22;
	v18 =	vand.u32 $0x7FFFFFFF, v23  }
0x157: {  	v6 =	vmin.f32 v29, $0.0e+00;
	v4 =	vsub.f32 v4, v15;
	v18 =	vsub.f32 $0.0e+00, v18  }
0x158: {  	v10 =	vmul.f32 v10, v17;
	v17 =	vmul.f32 v25, v25;
	v22 =	vadd.f32 $1.428571490e-01, v27  }
0x159: {  	v15 =	vadd.f32 $1.000000000e+00, v13;
	v13 =	vsub.f32 v3, v20;
	v18 =	vmul.f32 $1.442695020e+00, v18  }
0x15a: {  	v10 =	vadd.f32 $1.000000000e+00, v10;
	v20 =	vmul.f32 v22, v19;
	v22 =	vadd.f32 v24, v24;
	v24 =	vld [tilespmem:s17+$0x1500]  }
0x15b: {  	v27 =	vmul.f32 $1.111111120e-01, v17;
	(erf) = vpow2.f32 v18;
	v18 =	vand.u32 $0x7FFFFFFF, v13;
	v28 =	vpop (erf)  }
0x15c: {  	v10 =	vmul.f32 v10, v22;
	v18 =	vsub.f32 $0.0e+00, v18;
	v22 =	vadd.f32 $2.000000000e+00, v28  }
0x15d: {  	v4 =	vsub.f32 v7, v4;
	v26 =	vmul.f32 v38, v26;
	v27 =	vadd.f32 $1.428571490e-01, v27  }
0x15e: {  	v10 =	vsub.f32 v11, v10;
	v11 =	vmul.f32 $1.442695020e+00, v18;
	(erf) = vrcp.f32 v22  }
0x15f: {  	v18 =	vmul.f32 v27, v17;
	v24 =	vsub.f32 v2, v24;
	v22 =	vmul.f32 v26, v26  }
0x160: {  	v20 =	vadd.f32 $2.000000030e-01, v20;
	v8 =	vsub.f32 v8, v10;
	(erf) = vpow2.f32 v11  }
0x161: {  	v10 =	vadd.f32 $2.000000030e-01, v18;
	v18 =	vand.u32 $0x7FFFFFFF, v24;
	v11 =	vmul.f32 $1.111111120e-01, v22  }
0x162: {  	s18 =	simm.s32 $0x40;
	v15 =	vmul.f32 v15, v16;
	v20 =	vmul.f32 v20, v19;
	v18 =	vsub.f32 $0.0e+00, v18  }
0x163: {  	v12 =	vmin.f32 v12, $0.0e+00;
	v16 =	vld [tilespmem:s18+$0x1510];
	v10 =	vmul.f32 v10, v17;
	v11 =	vadd.f32 $1.428571490e-01, v11  }
0x164: {  	v5 =	vsub.f32 v5, v15;
	v20 =	vadd.f32 $3.333333430e-01, v20;
	v18 =	vmul.f32 $1.442695020e+00, v18;
	v7 =	vpop (erf)  }
0x165: {  	v10 =	vadd.f32 $3.333333430e-01, v10;
	v11 =	vmul.f32 v11, v22;
	v27 =	vadd.f32 $2.000000000e+00, v7  }
0x166: {  	v4 =	vsub.f32 v4, v5;
	v15 =	vmul.f32 v20, v19;
	(erf) = vpow2.f32 v18  }
0x167: {  	v10 =	vmul.f32 v10, v17;
	v11 =	vadd.f32 $2.000000030e-01, v11;
	(erf) = vrcp.f32 v27;
	v17 =	vpop (erf)  }
0x168: {  	v20 =	vsub.f32 v3, v16;
	v15 =	vadd.f32 $1.000000000e+00, v15;
	v18 =	vld [tilespmem:s18+$0x1500];
	v16 =	vmul.f32 v17, v28  }
0x169: {  	v10 =	vadd.f32 $1.000000000e+00, v10;
	v17 =	vadd.f32 v25, v25;
	v11 =	vmul.f32 v11, v22;
	v19 =	vpop (erf)  }
0x16a: {  	v15 =	vmul.f32 v15, v21;
	v27 =	vadd.f32 $2.000000000e+00, v19;
	v28 =	vmul.f32 v16, v16  }
0x16b: {  	v25 =	vand.u32 $0x7FFFFFFF, v20;
	v10 =	vmul.f32 v10, v17;
	v11 =	vadd.f32 $3.333333430e-01, v11  }
0x16c: {  	v17 =	vsub.f32 $0.0e+00, v25;
	(erf) = vrcp.f32 v27;
	v25 =	vmul.f32 $1.111111120e-01, v28  }
0x16d: {  	v9 =	vsub.f32 v9, v15;
	v18 =	vsub.f32 v2, v18;
	v11 =	vmul.f32 v11, v22  }
0x16e: {  	v26 =	vadd.f32 v26, v26;
	v17 =	vmul.f32 $1.442695020e+00, v17;
	v5 =	vadd.f32 $1.428571490e-01, v25  }
0x16f: {  	v4 =	vsub.f32 v4, v9;
	v22 =	vand.u32 $0x7FFFFFFF, v18;
	v21 =	vpop (erf);
	v11 =	vadd.f32 $1.000000000e+00, v11  }
0x170: {  	s17 =	simm.s32 $0x60;
	(erf) = vpow2.f32 v17;
	v17 =	vsub.f32 $0.0e+00, v22;
	v15 =	vpop (erf);
	v5 =	vmul.f32 v5, v28  }
0x171: {  	v10 =	vsub.f32 v14, v10;
	v14 =	vld [tilespmem:s17+$0x1510];
	v11 =	vmul.f32 v11, v26;
	v7 =	vmul.f32 v15, v7  }
0x172: {  	v16 =	vadd.f32 v16, v16;
	v9 =	vmul.f32 $1.442695020e+00, v17;
	v15 =	vld [tilespmem:s17+$0x1500];
	v5 =	vadd.f32 $2.000000030e-01, v5  }
0x173: {  	v6 =	vsub.f32 v6, v11;
	v11 =	vadd.f32 $2.000000000e+00, v21;
	v17 =	vmul.f32 v7, v7  }
0x174: {  	v8 =	vsub.f32 v8, v10;
	(erf) = vpow2.f32 v9;
	v5 =	vmul.f32 v5, v28  }
0x175: {  	v9 =	vsub.f32 v4, v6;
	(erf) = vrcp.f32 v11;
	v4 =	vmul.f32 $1.111111120e-01, v17;
	v10 =	vpop (erf)  }
0x176: {  	v6 =	vsub.f32 v3, v14;
	v14 =	vmin.f32 v23, $0.0e+00;
	v11 =	vmul.f32 v10, v19  }
0x177: {  	v15 =	vsub.f32 v2, v15;
	v10 =	vmin.f32 v24, $0.0e+00;
	v5 =	vadd.f32 $3.333333430e-01, v5  }
0x178: {  	v4 =	vadd.f32 $1.428571490e-01, v4;
	v19 =	vand.u32 $0x7FFFFFFF, v6;
	v23 =	vmul.f32 v11, v11  }
0x179: {  	v22 =	vpop (erf);
	v19 =	vsub.f32 $0.0e+00, v19;
	v25 =	vand.u32 $0x7FFFFFFF, v15;
	v5 =	vmul.f32 v5, v28  }
0x17a: {  	v24 =	vadd.f32 $2.000000000e+00, v22;
	v4 =	vmul.f32 v4, v17;
	v26 =	vmul.f32 $1.111111120e-01, v23  }
0x17b: {  	v25 =	vsub.f32 $0.0e+00, v25;
	v19 =	vmul.f32 $1.442695020e+00, v19;
	v5 =	vadd.f32 $1.000000000e+00, v5  }
0x17c: {  	(erf) = vrcp.f32 v24;
	v4 =	vadd.f32 $2.000000030e-01, v4;
	v24 =	vadd.f32 $1.428571490e-01, v26  }
0x17d: {  	v26 =	vadd.f32 v7, v7;
	v27 =	vpop (erf);
	v7 =	vmul.f32 $1.442695020e+00, v25;
	(erf) = vpow2.f32 v19  }
0x17e: {  	s18 =	simm.s32 $0x80;
	v5 =	vmul.f32 v5, v16;
	v25 =	vadd.f32 $2.000000000e+00, v27;
	v4 =	vmul.f32 v4, v17  }
0x17f: {  	v16 =	vpop (erf);
	v19 =	vmul.f32 v24, v23;
	(erf) = vpow2.f32 v7;
	v7 =	vmin.f32 v18, $0.0e+00;
	v18 =	vld [tilespmem:s18+$0x1500]  }
0x180: {  	v16 =	vmul.f32 v16, v21;
	v21 =	vld [tilespmem:s18+$0x1510];
	v5 =	vsub.f32 v12, v5  }
0x181: {  	(erf) = vrcp.f32 v25;
	v25 =	vadd.f32 $3.333333430e-01, v4;
	v12 =	vadd.f32 $2.000000030e-01, v19  }
0x182: {  	v11 =	vadd.f32 v11, v11;
	v19 =	vmul.f32 v16, v16  }
0x183: {  	v5 =	vsub.f32 v8, v5;
	v17 =	vmul.f32 v25, v17;
	v24 =	vmul.f32 v12, v23  }
0x184: {  	v12 =	vadd.f32 v16, v16;
	v16 =	vmul.f32 $1.111111120e-01, v19;
	v18 =	vsub.f32 v2, v18  }
0x185: {  	v17 =	vadd.f32 $1.000000000e+00, v17;
	v8 =	vsub.f32 v3, v21  }
0x186: {  	v4 =	vmin.f32 v15, $0.0e+00;
	v15 =	vpop (erf);
	v21 =	vadd.f32 $3.333333430e-01, v24;
	v16 =	vadd.f32 $1.428571490e-01, v16  }
0x187: {  	v25 =	vmul.f32 v15, v22;
	v22 =	vpop (erf);
	v28 =	vand.u32 $0x7FFFFFFF, v18;
	v17 =	vmul.f32 v17, v26  }
0x188: {  	v15 =	vand.u32 $0x7FFFFFFF, v8;
	v21 =	vmul.f32 v21, v23;
	v23 =	vadd.f32 $2.000000000e+00, v22  }
0x189: {  	v28 =	vsub.f32 $0.0e+00, v28;
	v15 =	vsub.f32 $0.0e+00, v15;
	v24 =	vmul.f32 v25, v25  }
0x18a: {  	v16 =	vmul.f32 v16, v19;
	v21 =	vadd.f32 $1.000000000e+00, v21;
	(erf) = vrcp.f32 v23  }
0x18b: {  	v30 =	vpop (erf);
	v29 =	vmul.f32 $1.111111120e-01, v24;
	v15 =	vmul.f32 $1.442695020e+00, v15  }
0x18c: {  	v13 =	vmin.f32 v13, $0.0e+00;
	v23 =	vpop (erf);
	v11 =	vmul.f32 v21, v11;
	v21 =	vmul.f32 $1.442695020e+00, v28  }
0x18d: {  	s17 =	simm.s32 $0xA0;
	v28 =	vadd.f32 $1.428571490e-01, v29;
	(erf) = vpow2.f32 v15;
	v23 =	vmul.f32 v23, v27  }
0x18e: {  	v16 =	vadd.f32 $2.000000030e-01, v16;
	v29 =	vadd.f32 $2.000000000e+00, v30;
	(erf) = vpow2.f32 v21;
	v21 =	vld [tilespmem:s17+$0x1510]  }
0x18f: {  	v11 =	vsub.f32 v13, v11;
	v27 =	vmul.f32 v28, v24;
	v15 =	vmul.f32 v23, v23;
	v28 =	vld [tilespmem:s17+$0x1500]  }
0x190: {  	v16 =	vmul.f32 v16, v19;
	(erf) = vrcp.f32 v29  }
0x191: {  	v29 =	vsub.f32 v5, v11;
	v27 =	vadd.f32 $2.000000030e-01, v27;
	v11 =	vmul.f32 $1.111111120e-01, v15  }
0x192: {  	v13 =	vadd.f32 v23, v23;
	v16 =	vadd.f32 $3.333333430e-01, v16;
	v5 =	vmin.f32 v18, $0.0e+00  }
0x193: {  	v23 =	vmul.f32 v27, v24;
	v26 =	vadd.f32 $1.428571490e-01, v11;
	v11 =	vsub.f32 v3, v21  }
0x194: {  	v18 =	vsub.f32 v14, v17;
	v16 =	vmul.f32 v16, v19;
	v14 =	vpop (erf);
	v17 =	vsub.f32 v2, v28  }
0x195: {  	v19 =	vmul.f32 v14, v22;
	v21 =	vadd.f32 $3.333333430e-01, v23;
	v22 =	vand.u32 $0x7FFFFFFF, v11  }
0x196: {  	v25 =	vadd.f32 v25, v25;
	v14 =	vmul.f32 v26, v15;
	v26 =	vsub.f32 $0.0e+00, v22  }
0x197: {  	v22 =	vmul.f32 v19, v19;
	v28 =	vand.u32 $0x7FFFFFFF, v17;
	v23 =	vpop (erf);
	v21 =	vmul.f32 v21, v24  }
0x198: {  	v20 =	vmin.f32 v20, $0.0e+00;
	v28 =	vsub.f32 $0.0e+00, v28;
	v27 =	vadd.f32 $2.000000000e+00, v23  }
0x199: {  	v26 =	vmul.f32 $1.442695020e+00, v26;
	v31 =	vmul.f32 $1.111111120e-01, v22;
	v21 =	vadd.f32 $1.000000000e+00, v21  }
0x19a: {  	v24 =	vadd.f32 $1.000000000e+00, v16;
	v16 =	vpop (erf);
	(erf) = vrcp.f32 v27;
	v27 =	vmul.f32 $1.442695020e+00, v28  }
0x19b: {  	v28 =	vadd.f32 $1.428571490e-01, v31;
	v21 =	vmul.f32 v21, v25;
	v25 =	vpop (erf);
	(erf) = vpow2.f32 v26  }
0x19c: {  	v63 =	vadd.f32 $2.000000000e+00, v16;
	v25 =	vmul.f32 v25, v30;
	(erf) = vpow2.f32 v27  }
0x19d: {  	s18 =	simm.s32 $0xC0;
	v27 =	vmul.f32 v28, v22;
	v30 =	vadd.f32 $2.000000030e-01, v14;
	v21 =	vsub.f32 v20, v21  }
0x19e: {  	v14 =	vld [tilespmem:s18+$0x1510];
	(erf) = vrcp.f32 v63;
	v20 =	vmul.f32 v25, v25;
	v25 =	vadd.f32 v25, v25  }
0x19f: {  	s16 =	simm.s32 $0x380;
	v26 =	vld [tilespmem:s18+$0x1500];
	v28 =	vadd.f32 $2.000000030e-01, v27;
	v27 =	vmul.f32 v30, v15;
	v21 =	vsub.f32 v29, v21  }
.LBB2_12:
0x1a0: {  	p0 =	sne.s32 s16, $0xF80;
	v29 =	vmin.f32 v17, $0.0e+00;
	v17 =	vmul.f32 $1.111111120e-01, v20;
	v24 =	vmul.f32 v24, v12;
	v12 =	vmovc v13  }
0x1a1: {  	v9 =	vsub.f32 v9, v18;
	v28 =	vmul.f32 v28, v22;
	v27 =	vadd.f32 $3.333333430e-01, v27;
	v13 =	vmovc v25  }
0x1a2: {  	v25 =	vadd.f32 $1.428571490e-01, v17;
	v18 =	vsub.f32 v10, v24;
	v10 =	vmovc v7;
	v7 =	vmovc v4;
	v4 =	vmov v5  }
0x1a3: {  	v14 =	vsub.f32 v3, v14;
	v5 =	vpop (erf);
	v24 =	vadd.f32 $3.333333430e-01, v28;
	v15 =	vmul.f32 v27, v15  }
0x1a4: {  	v17 =	vsub.f32 v2, v26;
	v26 =	vmul.f32 v5, v23;
	v25 =	vmul.f32 v25, v20;
	v5 =	vmovc v29  }
0x1a5: {  	v27 =	vand.u32 $0x7FFFFFFF, v14;
	v23 =	vpop (erf);
	v28 =	vmul.f32 v24, v22;
	v24 =	vadd.f32 $1.000000000e+00, v15  }
0x1a6: {  	v35 =	vsub.f32 $0.0e+00, v27;
	v27 =	vadd.f32 $2.000000000e+00, v23;
	v29 =	vpop (erf);
	v22 =	vmul.f32 v26, v26  }
0x1a7: {  	v32 =	vadd.f32 v19, v19;
	v30 =	vand.u32 $0x7FFFFFFF, v17;
	v31 =	vpop (erf);
	v28 =	vadd.f32 $1.000000000e+00, v28  }
0x1a8: {  	v19 =	vmovc v26;
	v30 =	vsub.f32 $0.0e+00, v30;
	v15 =	vmovc v20;
	v33 =	vmul.f32 $1.442695020e+00, v35;
	v34 =	vmul.f32 $1.111111120e-01, v22  }
0x1a9: {  	v20 =	vadd.f32 $2.000000000e+00, v29;
	(erf) = vrcp.f32 v27;
	v26 =	vmul.f32 v28, v32  }
.Ltmp5:
0x1aa: {  	v27 =	vmul.f32 $1.442695020e+00, v30;
	v30 =	vmin.f32 v6, $0.0e+00;
	v6 =	vmovc v8;
	v8 =	vmovc v11;
	v28 =	vadd.f32 $1.428571490e-01, v34;
	(pc) =	sbr.rel @p0 .LBB2_12-.Ltmp5, $4  }
0x1ab: {  	v31 =	vmul.f32 v31, v16;
	v16 =	vmovc v29;
	v11 =	vmovc v14;
	(erf) = vpow2.f32 v33;
	v26 =	vsub.f32 v30, v26  }
0x1ac: {  	s17 =	sshra.s32 s16, $0x2;
	v29 =	vadd.f32 $2.000000030e-01, v25;
	(erf) = vpow2.f32 v27;
	v27 =	vmul.f32 v28, v22  }
0x1ad: {  	v14 =	vld [tilespmem:s17+$0x1510];
	(erf) = vrcp.f32 v20;
	v20 =	vmul.f32 v31, v31;
	v21 =	vsub.f32 v21, v26  }
0x1ae: {  	s16 =	sadd.s32 $0x80, s16;
	v25 =	vadd.f32 v31, v31;
	v26 =	vld [tilespmem:s17+$0x1500];
	v28 =	vadd.f32 $2.000000030e-01, v27;
	v27 =	vmul.f32 v29, v15  }
0x1af: {  	_ =	sdelay $0x2  }
0x1b0: {  	v14 =	vsub.f32 v3, v14  }
0x1b1: {  	v29 =	vsub.f32 v2, v26  }
0x1b2: {  	v30 =	vpop (erf);
	v26 =	vand.u32 $0x7FFFFFFF, v14  }
0x1b3: {  	v31 =	vpop (erf);
	v26 =	vsub.f32 $0.0e+00, v26;
	v32 =	vand.u32 $0x7FFFFFFF, v29  }
0x1b4: {  	v33 =	vadd.f32 $2.000000000e+00, v31;
	v32 =	vsub.f32 $0.0e+00, v32  }
0x1b5: {  	v26 =	vmul.f32 $1.442695020e+00, v26  }
0x1b6: {  	(erf) = vrcp.f32 v33;
	v32 =	vmul.f32 $1.442695020e+00, v32  }
0x1b7: {  	(erf) = vpow2.f32 v26  }
0x1b8: {  	(erf) = vpow2.f32 v32;
	_ =	sdelay $0x4  }
0x1b9: {  	v59 =	vpop (erf)  }
0x1ba: {  	v60 =	vpop (erf)  }
0x1bb: {  	v34 =	vpop (erf)  }
0x1bc: {  	v35 =	vadd.f32 $2.000000000e+00, v59;
	v36 =	vpop (erf)  }
0x1bd: {  	v37 =	vadd.f32 $2.000000000e+00, v36;
	v26 =	vpop (erf)  }
0x1be: {  	(erf) = vrcp.f32 v35;
	v61 =	vadd.f32 $2.000000000e+00, v26  }
0x1bf: {  	(erf) = vrcp.f32 v37  }
0x1c0: {  	(erf) = vrcp.f32 v61;
	_ =	sdelay $0x6  }
0x1c1: {  	v62 =	vpop (erf)  }
0x1c2: {  	v37 =	vpop (erf)  }
0x1c3: {  	v38 =	vpop (erf)  }
0x1c4: {  	_ =	swait.ge [sflag:s12], $0x80  }
0x1c5: {  	[sflag:s12] =	ssyncset.done $0x0  }
0x1c6: {  	[sflag:s12] =	ssyncadd.s32 $0xFFFFFF80  }
0x1c7: {  	_ =	swait.ge [sflag:s12], $0x80  }
0x1c8: {  	[sflag:s12] =	ssyncset.done $0x0  }
0x1c9: {  	[sflag:s12] =	ssyncadd.s32 $0xFFFFFF80  }
0x1ca: {  	_ =	swait.ge [sflag:s12], $0x80  }
0x1cb: {  	[sflag:s12] =	ssyncset.done $0x0  }
0x1cc: {  	[sflag:s12] =	ssyncadd.s32 $0xFFFFFF80  }
0x1cd: {  	_ =	swait.ge [sflag:s12], $0x80  }
0x1ce: {  	[sflag:s12] =	ssyncset.done $0x0  }
0x1cf: {  	[sflag:s12] =	ssyncadd.s32 $0xFFFFFF80  }
0x1d0: {  	v28 =	vmul.f32 v28, v22;
	_ =	swait.ge [sflag:s12], $0x80  }
0x1d1: {  	v23 =	vmul.f32 v30, v23;
	[sflag:s12] =	ssyncset.done $0x0  }
0x1d2: {  	v28 =	vadd.f32 $3.333333430e-01, v28;
	[sflag:s12] =	ssyncadd.s32 $0xFFFFFF80  }
0x1d3: {  	v30 =	vmul.f32 v23, v23;
	_ =	swait.ge [sflag:s12], $0x80  }
0x1d4: {  	v18 =	vsub.f32 v9, v18;
	v9 =	vmul.f32 $1.111111120e-01, v20;
	v22 =	vmul.f32 v28, v22;
	[sflag:s12] =	ssyncset.done $0x0  }
0x1d5: {  	v19 =	vadd.f32 v19, v19;
	v28 =	vmul.f32 $1.111111120e-01, v30;
	[sflag:s12] =	ssyncadd.s32 $0xFFFFFF80  }
0x1d6: {  	v12 =	vmul.f32 v24, v12;
	v9 =	vadd.f32 $1.428571490e-01, v9;
	v22 =	vadd.f32 $1.000000000e+00, v22;
	_ =	swait.ge [sflag:s12], $0x80  }
0x1d7: {  	v27 =	vadd.f32 $3.333333430e-01, v27;
	v24 =	vadd.f32 $1.428571490e-01, v28;
	[sflag:s12] =	ssyncset.done $0x0  }
0x1d8: {  	v10 =	vsub.f32 v10, v12;
	v12 =	vmul.f32 v22, v19;
	v22 =	vmul.f32 v9, v20;
	[sflag:s12] =	ssyncadd.s32 $0xFFFFFF80  }
0x1d9: {  	v6 =	vmin.f32 v6, $0.0e+00;
	v19 =	vmul.f32 v24, v30;
	_ =	swait.ge [sflag:s12], $0x80  }
0x1da: {  	v15 =	vmul.f32 v27, v15;
	v9 =	vmin.f32 v17, $0.0e+00;
	v17 =	vadd.f32 $2.000000030e-01, v22;
	[sflag:s12] =	ssyncset.done $0x0  }
0x1db: {  	s16 =	simm.s32 $0x0;
	v8 =	vmin.f32 v8, $0.0e+00;
	v6 =	vsub.f32 v6, v12;
	v12 =	vadd.f32 $2.000000030e-01, v19;
	[sflag:s12] =	ssyncadd.s32 $0xFFFFFF80  }
0x1dc: {  	v15 =	vadd.f32 $1.000000000e+00, v15;
	v16 =	vmul.f32 v60, v16;
	v17 =	vmul.f32 v17, v20;
	v19 =	vld [tilespmem:s16+$0x1910]  }
0x1dd: {  	v11 =	vmin.f32 v11, $0.0e+00;
	v12 =	vmul.f32 v12, v30;
	v24 =	vmul.f32 v34, v31  }
0x1de: {  	v10 =	vsub.f32 v18, v10;
	v13 =	vmul.f32 v15, v13;
	v22 =	vmul.f32 v16, v16  }
0x1df: {  	v15 =	vadd.f32 $3.333333430e-01, v17;
	v12 =	vadd.f32 $3.333333430e-01, v12;
	v17 =	vmul.f32 v24, v24  }
0x1e0: {  	v23 =	vadd.f32 v23, v23;
	v7 =	vsub.f32 v7, v13;
	v27 =	vmul.f32 $1.111111120e-01, v22  }
0x1e1: {  	v18 =	vmul.f32 v12, v30;
	v13 =	vmul.f32 $1.111111120e-01, v17;
	v12 =	vsub.f32 v3, v19  }
0x1e2: {  	v14 =	vmin.f32 v14, $0.0e+00;
	v16 =	vadd.f32 v16, v16;
	v19 =	vadd.f32 $1.428571490e-01, v27  }
0x1e3: {  	v18 =	vadd.f32 $1.000000000e+00, v18;
	v13 =	vadd.f32 $1.428571490e-01, v13;
	v27 =	vand.u32 $0x7FFFFFFF, v12  }
0x1e4: {  	v15 =	vmul.f32 v15, v20;
	v19 =	vmul.f32 v19, v22;
	v27 =	vsub.f32 $0.0e+00, v27  }
0x1e5: {  	v21 =	vsub.f32 v21, v6;
	v18 =	vmul.f32 v18, v23;
	v13 =	vmul.f32 v13, v17;
	v20 =	vld [tilespmem:s16+$0x1900]  }
0x1e6: {  	v15 =	vadd.f32 $1.000000000e+00, v15;
	v19 =	vadd.f32 $2.000000030e-01, v19;
	v23 =	vmul.f32 $1.442695020e+00, v27  }
0x1e7: {  	v8 =	vsub.f32 v8, v18;
	v13 =	vadd.f32 $2.000000030e-01, v13;
	v27 =	vmul.f32 v62, v59  }
0x1e8: {  	v7 =	vsub.f32 v10, v7;
	v18 =	vmul.f32 v19, v22;
	(erf) = vpow2.f32 v23  }
0x1e9: {  	s17 =	simm.s32 $0x20;
	v15 =	vmul.f32 v15, v25;
	v8 =	vsub.f32 v21, v8;
	v13 =	vmul.f32 v13, v17  }
0x1ea: {  	v19 =	vmul.f32 v27, v27;
	v23 =	vsub.f32 v2, v20;
	v20 =	vld [tilespmem:s17+$0x1910];
	v18 =	vadd.f32 $3.333333430e-01, v18  }
0x1eb: {  	v10 =	vadd.f32 $3.333333430e-01, v13;
	v25 =	vmul.f32 v37, v36;
	v21 =	vadd.f32 v27, v27  }
0x1ec: {  	v27 =	vmul.f32 $1.111111120e-01, v19;
	v13 =	vmul.f32 v18, v22;
	v18 =	vand.u32 $0x7FFFFFFF, v23  }
0x1ed: {  	v6 =	vmin.f32 v29, $0.0e+00;
	v4 =	vsub.f32 v4, v15;
	v18 =	vsub.f32 $0.0e+00, v18  }
0x1ee: {  	v10 =	vmul.f32 v10, v17;
	v17 =	vmul.f32 v25, v25;
	v22 =	vadd.f32 $1.428571490e-01, v27  }
0x1ef: {  	v15 =	vadd.f32 $1.000000000e+00, v13;
	v13 =	vsub.f32 v3, v20;
	v18 =	vmul.f32 $1.442695020e+00, v18  }
0x1f0: {  	v10 =	vadd.f32 $1.000000000e+00, v10;
	v20 =	vmul.f32 v22, v19;
	v22 =	vadd.f32 v24, v24;
	v24 =	vld [tilespmem:s17+$0x1900]  }
0x1f1: {  	v27 =	vmul.f32 $1.111111120e-01, v17;
	(erf) = vpow2.f32 v18;
	v18 =	vand.u32 $0x7FFFFFFF, v13;
	v28 =	vpop (erf)  }
0x1f2: {  	v10 =	vmul.f32 v10, v22;
	v18 =	vsub.f32 $0.0e+00, v18;
	v22 =	vadd.f32 $2.000000000e+00, v28  }
0x1f3: {  	v4 =	vsub.f32 v7, v4;
	v26 =	vmul.f32 v38, v26;
	v27 =	vadd.f32 $1.428571490e-01, v27  }
0x1f4: {  	v10 =	vsub.f32 v11, v10;
	v11 =	vmul.f32 $1.442695020e+00, v18;
	(erf) = vrcp.f32 v22  }
0x1f5: {  	v18 =	vmul.f32 v27, v17;
	v24 =	vsub.f32 v2, v24;
	v22 =	vmul.f32 v26, v26  }
0x1f6: {  	v20 =	vadd.f32 $2.000000030e-01, v20;
	v8 =	vsub.f32 v8, v10;
	(erf) = vpow2.f32 v11  }
0x1f7: {  	v10 =	vadd.f32 $2.000000030e-01, v18;
	v18 =	vand.u32 $0x7FFFFFFF, v24;
	v11 =	vmul.f32 $1.111111120e-01, v22  }
0x1f8: {  	s18 =	simm.s32 $0x40;
	v15 =	vmul.f32 v15, v16;
	v20 =	vmul.f32 v20, v19;
	v18 =	vsub.f32 $0.0e+00, v18  }
0x1f9: {  	v12 =	vmin.f32 v12, $0.0e+00;
	v16 =	vld [tilespmem:s18+$0x1910];
	v10 =	vmul.f32 v10, v17;
	v11 =	vadd.f32 $1.428571490e-01, v11  }
0x1fa: {  	v5 =	vsub.f32 v5, v15;
	v20 =	vadd.f32 $3.333333430e-01, v20;
	v18 =	vmul.f32 $1.442695020e+00, v18;
	v7 =	vpop (erf)  }
0x1fb: {  	v10 =	vadd.f32 $3.333333430e-01, v10;
	v11 =	vmul.f32 v11, v22;
	v27 =	vadd.f32 $2.000000000e+00, v7  }
0x1fc: {  	v4 =	vsub.f32 v4, v5;
	v15 =	vmul.f32 v20, v19;
	(erf) = vpow2.f32 v18  }
0x1fd: {  	v10 =	vmul.f32 v10, v17;
	v11 =	vadd.f32 $2.000000030e-01, v11;
	(erf) = vrcp.f32 v27;
	v17 =	vpop (erf)  }
0x1fe: {  	v20 =	vsub.f32 v3, v16;
	v15 =	vadd.f32 $1.000000000e+00, v15;
	v18 =	vld [tilespmem:s18+$0x1900];
	v16 =	vmul.f32 v17, v28  }
0x1ff: {  	v10 =	vadd.f32 $1.000000000e+00, v10;
	v17 =	vadd.f32 v25, v25;
	v11 =	vmul.f32 v11, v22;
	v19 =	vpop (erf)  }
0x200: {  	v15 =	vmul.f32 v15, v21;
	v27 =	vadd.f32 $2.000000000e+00, v19;
	v28 =	vmul.f32 v16, v16  }
0x201: {  	v25 =	vand.u32 $0x7FFFFFFF, v20;
	v10 =	vmul.f32 v10, v17;
	v11 =	vadd.f32 $3.333333430e-01, v11  }
0x202: {  	v17 =	vsub.f32 $0.0e+00, v25;
	(erf) = vrcp.f32 v27;
	v25 =	vmul.f32 $1.111111120e-01, v28  }
0x203: {  	v9 =	vsub.f32 v9, v15;
	v18 =	vsub.f32 v2, v18;
	v11 =	vmul.f32 v11, v22  }
0x204: {  	v26 =	vadd.f32 v26, v26;
	v17 =	vmul.f32 $1.442695020e+00, v17;
	v5 =	vadd.f32 $1.428571490e-01, v25  }
0x205: {  	v4 =	vsub.f32 v4, v9;
	v22 =	vand.u32 $0x7FFFFFFF, v18;
	v21 =	vpop (erf);
	v11 =	vadd.f32 $1.000000000e+00, v11  }
0x206: {  	s17 =	simm.s32 $0x60;
	(erf) = vpow2.f32 v17;
	v17 =	vsub.f32 $0.0e+00, v22;
	v15 =	vpop (erf);
	v5 =	vmul.f32 v5, v28  }
0x207: {  	v10 =	vsub.f32 v14, v10;
	v14 =	vld [tilespmem:s17+$0x1910];
	v11 =	vmul.f32 v11, v26;
	v7 =	vmul.f32 v15, v7  }
0x208: {  	v16 =	vadd.f32 v16, v16;
	v9 =	vmul.f32 $1.442695020e+00, v17;
	v15 =	vld [tilespmem:s17+$0x1900];
	v5 =	vadd.f32 $2.000000030e-01, v5  }
0x209: {  	v6 =	vsub.f32 v6, v11;
	v11 =	vadd.f32 $2.000000000e+00, v21;
	v17 =	vmul.f32 v7, v7  }
0x20a: {  	v8 =	vsub.f32 v8, v10;
	(erf) = vpow2.f32 v9;
	v5 =	vmul.f32 v5, v28  }
0x20b: {  	v9 =	vsub.f32 v4, v6;
	(erf) = vrcp.f32 v11;
	v4 =	vmul.f32 $1.111111120e-01, v17;
	v10 =	vpop (erf)  }
0x20c: {  	v6 =	vsub.f32 v3, v14;
	v14 =	vmin.f32 v23, $0.0e+00;
	v11 =	vmul.f32 v10, v19  }
0x20d: {  	v15 =	vsub.f32 v2, v15;
	v10 =	vmin.f32 v24, $0.0e+00;
	v5 =	vadd.f32 $3.333333430e-01, v5  }
0x20e: {  	v4 =	vadd.f32 $1.428571490e-01, v4;
	v19 =	vand.u32 $0x7FFFFFFF, v6;
	v23 =	vmul.f32 v11, v11  }
0x20f: {  	v22 =	vpop (erf);
	v19 =	vsub.f32 $0.0e+00, v19;
	v25 =	vand.u32 $0x7FFFFFFF, v15;
	v5 =	vmul.f32 v5, v28  }
0x210: {  	v24 =	vadd.f32 $2.000000000e+00, v22;
	v4 =	vmul.f32 v4, v17;
	v26 =	vmul.f32 $1.111111120e-01, v23  }
0x211: {  	v25 =	vsub.f32 $0.0e+00, v25;
	v19 =	vmul.f32 $1.442695020e+00, v19;
	v5 =	vadd.f32 $1.000000000e+00, v5  }
0x212: {  	(erf) = vrcp.f32 v24;
	v4 =	vadd.f32 $2.000000030e-01, v4;
	v24 =	vadd.f32 $1.428571490e-01, v26  }
0x213: {  	v26 =	vadd.f32 v7, v7;
	v27 =	vpop (erf);
	v7 =	vmul.f32 $1.442695020e+00, v25;
	(erf) = vpow2.f32 v19  }
0x214: {  	s18 =	simm.s32 $0x80;
	v5 =	vmul.f32 v5, v16;
	v25 =	vadd.f32 $2.000000000e+00, v27;
	v4 =	vmul.f32 v4, v17  }
0x215: {  	v16 =	vpop (erf);
	v19 =	vmul.f32 v24, v23;
	(erf) = vpow2.f32 v7;
	v7 =	vmin.f32 v18, $0.0e+00;
	v18 =	vld [tilespmem:s18+$0x1900]  }
0x216: {  	v16 =	vmul.f32 v16, v21;
	v21 =	vld [tilespmem:s18+$0x1910];
	v5 =	vsub.f32 v12, v5  }
0x217: {  	(erf) = vrcp.f32 v25;
	v25 =	vadd.f32 $3.333333430e-01, v4;
	v12 =	vadd.f32 $2.000000030e-01, v19  }
0x218: {  	v11 =	vadd.f32 v11, v11;
	v19 =	vmul.f32 v16, v16  }
0x219: {  	v5 =	vsub.f32 v8, v5;
	v17 =	vmul.f32 v25, v17;
	v24 =	vmul.f32 v12, v23  }
0x21a: {  	v12 =	vadd.f32 v16, v16;
	v16 =	vmul.f32 $1.111111120e-01, v19;
	v18 =	vsub.f32 v2, v18  }
0x21b: {  	v17 =	vadd.f32 $1.000000000e+00, v17;
	v8 =	vsub.f32 v3, v21  }
0x21c: {  	v4 =	vmin.f32 v15, $0.0e+00;
	v15 =	vpop (erf);
	v21 =	vadd.f32 $3.333333430e-01, v24;
	v16 =	vadd.f32 $1.428571490e-01, v16  }
0x21d: {  	v25 =	vmul.f32 v15, v22;
	v22 =	vpop (erf);
	v28 =	vand.u32 $0x7FFFFFFF, v18;
	v17 =	vmul.f32 v17, v26  }
0x21e: {  	v15 =	vand.u32 $0x7FFFFFFF, v8;
	v21 =	vmul.f32 v21, v23;
	v23 =	vadd.f32 $2.000000000e+00, v22  }
0x21f: {  	v28 =	vsub.f32 $0.0e+00, v28;
	v15 =	vsub.f32 $0.0e+00, v15;
	v24 =	vmul.f32 v25, v25  }
0x220: {  	v16 =	vmul.f32 v16, v19;
	v21 =	vadd.f32 $1.000000000e+00, v21;
	(erf) = vrcp.f32 v23  }
0x221: {  	v30 =	vpop (erf);
	v29 =	vmul.f32 $1.111111120e-01, v24;
	v15 =	vmul.f32 $1.442695020e+00, v15  }
0x222: {  	v13 =	vmin.f32 v13, $0.0e+00;
	v23 =	vpop (erf);
	v11 =	vmul.f32 v21, v11;
	v21 =	vmul.f32 $1.442695020e+00, v28  }
0x223: {  	s17 =	simm.s32 $0xA0;
	v28 =	vadd.f32 $1.428571490e-01, v29;
	(erf) = vpow2.f32 v15;
	v23 =	vmul.f32 v23, v27  }
0x224: {  	v16 =	vadd.f32 $2.000000030e-01, v16;
	v29 =	vadd.f32 $2.000000000e+00, v30;
	(erf) = vpow2.f32 v21;
	v21 =	vld [tilespmem:s17+$0x1910]  }
0x225: {  	v11 =	vsub.f32 v13, v11;
	v27 =	vmul.f32 v28, v24;
	v15 =	vmul.f32 v23, v23;
	v28 =	vld [tilespmem:s17+$0x1900]  }
0x226: {  	v16 =	vmul.f32 v16, v19;
	(erf) = vrcp.f32 v29  }
0x227: {  	v29 =	vsub.f32 v5, v11;
	v27 =	vadd.f32 $2.000000030e-01, v27;
	v11 =	vmul.f32 $1.111111120e-01, v15  }
0x228: {  	v13 =	vadd.f32 v23, v23;
	v16 =	vadd.f32 $3.333333430e-01, v16;
	v5 =	vmin.f32 v18, $0.0e+00  }
0x229: {  	v23 =	vmul.f32 v27, v24;
	v26 =	vadd.f32 $1.428571490e-01, v11;
	v11 =	vsub.f32 v3, v21  }
0x22a: {  	v18 =	vsub.f32 v14, v17;
	v16 =	vmul.f32 v16, v19;
	v14 =	vpop (erf);
	v17 =	vsub.f32 v2, v28  }
0x22b: {  	v19 =	vmul.f32 v14, v22;
	v21 =	vadd.f32 $3.333333430e-01, v23;
	v22 =	vand.u32 $0x7FFFFFFF, v11  }
0x22c: {  	v25 =	vadd.f32 v25, v25;
	v14 =	vmul.f32 v26, v15;
	v26 =	vsub.f32 $0.0e+00, v22  }
0x22d: {  	v22 =	vmul.f32 v19, v19;
	v28 =	vand.u32 $0x7FFFFFFF, v17;
	v23 =	vpop (erf);
	v21 =	vmul.f32 v21, v24  }
0x22e: {  	v20 =	vmin.f32 v20, $0.0e+00;
	v28 =	vsub.f32 $0.0e+00, v28;
	v27 =	vadd.f32 $2.000000000e+00, v23  }
0x22f: {  	v26 =	vmul.f32 $1.442695020e+00, v26;
	v31 =	vmul.f32 $1.111111120e-01, v22;
	v21 =	vadd.f32 $1.000000000e+00, v21  }
0x230: {  	v24 =	vadd.f32 $1.000000000e+00, v16;
	v16 =	vpop (erf);
	(erf) = vrcp.f32 v27;
	v27 =	vmul.f32 $1.442695020e+00, v28  }
0x231: {  	v28 =	vadd.f32 $1.428571490e-01, v31;
	v21 =	vmul.f32 v21, v25;
	v25 =	vpop (erf);
	(erf) = vpow2.f32 v26  }
0x232: {  	v63 =	vadd.f32 $2.000000000e+00, v16;
	v25 =	vmul.f32 v25, v30;
	(erf) = vpow2.f32 v27  }
0x233: {  	s18 =	simm.s32 $0xC0;
	v27 =	vmul.f32 v28, v22;
	v30 =	vadd.f32 $2.000000030e-01, v14;
	v21 =	vsub.f32 v20, v21  }
0x234: {  	v14 =	vld [tilespmem:s18+$0x1910];
	(erf) = vrcp.f32 v63;
	v20 =	vmul.f32 v25, v25;
	v25 =	vadd.f32 v25, v25  }
0x235: {  	s16 =	simm.s32 $0x380;
	v26 =	vld [tilespmem:s18+$0x1900];
	v28 =	vadd.f32 $2.000000030e-01, v27;
	v27 =	vmul.f32 v30, v15;
	v21 =	vsub.f32 v29, v21  }
.LBB2_14:
0x236: {  	p0 =	sne.s32 s16, $0xF80;
	v29 =	vmin.f32 v17, $0.0e+00;
	v17 =	vmul.f32 $1.111111120e-01, v20;
	v24 =	vmul.f32 v24, v12;
	v12 =	vmovc v13  }
0x237: {  	v9 =	vsub.f32 v9, v18;
	v28 =	vmul.f32 v28, v22;
	v27 =	vadd.f32 $3.333333430e-01, v27;
	v13 =	vmovc v25  }
0x238: {  	v25 =	vadd.f32 $1.428571490e-01, v17;
	v18 =	vsub.f32 v10, v24;
	v10 =	vmovc v7;
	v7 =	vmovc v4;
	v4 =	vmov v5  }
0x239: {  	v14 =	vsub.f32 v3, v14;
	v5 =	vpop (erf);
	v24 =	vadd.f32 $3.333333430e-01, v28;
	v15 =	vmul.f32 v27, v15  }
0x23a: {  	v17 =	vsub.f32 v2, v26;
	v26 =	vmul.f32 v5, v23;
	v25 =	vmul.f32 v25, v20;
	v5 =	vmovc v29  }
0x23b: {  	v27 =	vand.u32 $0x7FFFFFFF, v14;
	v23 =	vpop (erf);
	v28 =	vmul.f32 v24, v22;
	v24 =	vadd.f32 $1.000000000e+00, v15  }
0x23c: {  	v35 =	vsub.f32 $0.0e+00, v27;
	v27 =	vadd.f32 $2.000000000e+00, v23;
	v29 =	vpop (erf);
	v22 =	vmul.f32 v26, v26  }
0x23d: {  	v32 =	vadd.f32 v19, v19;
	v30 =	vand.u32 $0x7FFFFFFF, v17;
	v31 =	vpop (erf);
	v28 =	vadd.f32 $1.000000000e+00, v28  }
0x23e: {  	v19 =	vmovc v26;
	v30 =	vsub.f32 $0.0e+00, v30;
	v15 =	vmovc v20;
	v33 =	vmul.f32 $1.442695020e+00, v35;
	v34 =	vmul.f32 $1.111111120e-01, v22  }
0x23f: {  	v20 =	vadd.f32 $2.000000000e+00, v29;
	(erf) = vrcp.f32 v27;
	v26 =	vmul.f32 v28, v32  }
.Ltmp6:
0x240: {  	v27 =	vmul.f32 $1.442695020e+00, v30;
	v30 =	vmin.f32 v6, $0.0e+00;
	v6 =	vmovc v8;
	v8 =	vmovc v11;
	v28 =	vadd.f32 $1.428571490e-01, v34;
	(pc) =	sbr.rel @p0 .LBB2_14-.Ltmp6, $4  }
0x241: {  	v31 =	vmul.f32 v31, v16;
	v16 =	vmovc v29;
	v11 =	vmovc v14;
	(erf) = vpow2.f32 v33;
	v26 =	vsub.f32 v30, v26  }
0x242: {  	s17 =	sshra.s32 s16, $0x2;
	v29 =	vadd.f32 $2.000000030e-01, v25;
	(erf) = vpow2.f32 v27;
	v27 =	vmul.f32 v28, v22  }
0x243: {  	v14 =	vld [tilespmem:s17+$0x1910];
	(erf) = vrcp.f32 v20;
	v20 =	vmul.f32 v31, v31;
	v21 =	vsub.f32 v21, v26  }
0x244: {  	s16 =	sadd.s32 $0x80, s16;
	v25 =	vadd.f32 v31, v31;
	v26 =	vld [tilespmem:s17+$0x1900];
	v28 =	vadd.f32 $2.000000030e-01, v27;
	v27 =	vmul.f32 v29, v15  }
0x245: {  	_ =	sdelay $0x2  }
0x246: {  	v14 =	vsub.f32 v3, v14  }
0x247: {  	v29 =	vsub.f32 v2, v26  }
0x248: {  	v30 =	vpop (erf);
	v26 =	vand.u32 $0x7FFFFFFF, v14  }
0x249: {  	v31 =	vpop (erf);
	v26 =	vsub.f32 $0.0e+00, v26;
	v32 =	vand.u32 $0x7FFFFFFF, v29  }
0x24a: {  	v33 =	vadd.f32 $2.000000000e+00, v31;
	v32 =	vsub.f32 $0.0e+00, v32  }
0x24b: {  	v26 =	vmul.f32 $1.442695020e+00, v26  }
0x24c: {  	(erf) = vrcp.f32 v33;
	v32 =	vmul.f32 $1.442695020e+00, v32  }
0x24d: {  	(erf) = vpow2.f32 v26  }
0x24e: {  	(erf) = vpow2.f32 v32;
	_ =	sdelay $0x4  }
0x24f: {  	v59 =	vpop (erf)  }
0x250: {  	v60 =	vpop (erf)  }
0x251: {  	v34 =	vpop (erf)  }
0x252: {  	v35 =	vadd.f32 $2.000000000e+00, v59;
	v36 =	vpop (erf)  }
0x253: {  	v37 =	vadd.f32 $2.000000000e+00, v36;
	v26 =	vpop (erf)  }
0x254: {  	(erf) = vrcp.f32 v35;
	v61 =	vadd.f32 $2.000000000e+00, v26  }
0x255: {  	(erf) = vrcp.f32 v37  }
0x256: {  	(erf) = vrcp.f32 v61;
	_ =	sdelay $0x6  }
0x257: {  	v62 =	vpop (erf)  }
0x258: {  	v37 =	vpop (erf)  }
0x259: {  	v38 =	vpop (erf)  }
0x25a: {  	_ =	swait.ge [sflag:s13], $0x80  }
0x25b: {  	[sflag:s13] =	ssyncset.done $0x0  }
0x25c: {  	[sflag:s13] =	ssyncadd.s32 $0xFFFFFF80  }
0x25d: {  	_ =	swait.ge [sflag:s13], $0x80  }
0x25e: {  	[sflag:s13] =	ssyncset.done $0x0  }
0x25f: {  	[sflag:s13] =	ssyncadd.s32 $0xFFFFFF80  }
0x260: {  	_ =	swait.ge [sflag:s13], $0x80  }
0x261: {  	[sflag:s13] =	ssyncset.done $0x0  }
0x262: {  	[sflag:s13] =	ssyncadd.s32 $0xFFFFFF80  }
0x263: {  	_ =	swait.ge [sflag:s13], $0x80  }
0x264: {  	[sflag:s13] =	ssyncset.done $0x0  }
0x265: {  	[sflag:s13] =	ssyncadd.s32 $0xFFFFFF80  }
0x266: {  	v28 =	vmul.f32 v28, v22;
	_ =	swait.ge [sflag:s13], $0x80  }
0x267: {  	v23 =	vmul.f32 v30, v23;
	[sflag:s13] =	ssyncset.done $0x0  }
0x268: {  	v28 =	vadd.f32 $3.333333430e-01, v28;
	[sflag:s13] =	ssyncadd.s32 $0xFFFFFF80  }
0x269: {  	v30 =	vmul.f32 v23, v23;
	_ =	swait.ge [sflag:s13], $0x80  }
0x26a: {  	v18 =	vsub.f32 v9, v18;
	v9 =	vmul.f32 $1.111111120e-01, v20;
	v22 =	vmul.f32 v28, v22;
	[sflag:s13] =	ssyncset.done $0x0  }
0x26b: {  	v19 =	vadd.f32 v19, v19;
	v28 =	vmul.f32 $1.111111120e-01, v30;
	[sflag:s13] =	ssyncadd.s32 $0xFFFFFF80  }
0x26c: {  	v12 =	vmul.f32 v24, v12;
	v9 =	vadd.f32 $1.428571490e-01, v9;
	v22 =	vadd.f32 $1.000000000e+00, v22;
	_ =	swait.ge [sflag:s13], $0x80  }
0x26d: {  	v27 =	vadd.f32 $3.333333430e-01, v27;
	v24 =	vadd.f32 $1.428571490e-01, v28;
	[sflag:s13] =	ssyncset.done $0x0  }
0x26e: {  	v10 =	vsub.f32 v10, v12;
	v12 =	vmul.f32 v22, v19;
	v22 =	vmul.f32 v9, v20;
	[sflag:s13] =	ssyncadd.s32 $0xFFFFFF80  }
0x26f: {  	v6 =	vmin.f32 v6, $0.0e+00;
	v19 =	vmul.f32 v24, v30;
	_ =	swait.ge [sflag:s13], $0x80  }
0x270: {  	v15 =	vmul.f32 v27, v15;
	v9 =	vmin.f32 v17, $0.0e+00;
	v17 =	vadd.f32 $2.000000030e-01, v22;
	[sflag:s13] =	ssyncset.done $0x0  }
0x271: {  	s16 =	simm.s32 $0x0;
	v16 =	vmul.f32 v60, v16;
	v6 =	vsub.f32 v6, v12;
	v12 =	vadd.f32 $2.000000030e-01, v19;
	[sflag:s13] =	ssyncadd.s32 $0xFFFFFF80  }
0x272: {  	v15 =	vadd.f32 $1.000000000e+00, v15;
	v17 =	vmul.f32 v17, v20;
	v24 =	vmul.f32 v34, v31;
	v19 =	vld [tilespmem:s16+$0x1D10]  }
0x273: {  	v22 =	vmul.f32 v16, v16;
	v12 =	vmul.f32 v12, v30  }
0x274: {  	v13 =	vmul.f32 v15, v13;
	v15 =	vadd.f32 $3.333333430e-01, v17;
	v17 =	vmul.f32 v24, v24  }
0x275: {  	v27 =	vmul.f32 $1.111111120e-01, v22;
	v12 =	vadd.f32 $3.333333430e-01, v12  }
0x276: {  	v10 =	vsub.f32 v18, v10;
	v7 =	vsub.f32 v7, v13;
	v13 =	vmul.f32 $1.111111120e-01, v17  }
0x277: {  	v18 =	vmul.f32 v12, v30;
	v12 =	vsub.f32 v3, v19;
	v19 =	vadd.f32 $1.428571490e-01, v27  }
0x278: {  	v23 =	vadd.f32 v23, v23;
	v15 =	vmul.f32 v15, v20;
	v13 =	vadd.f32 $1.428571490e-01, v13  }
0x279: {  	v18 =	vadd.f32 $1.000000000e+00, v18;
	v27 =	vand.u32 $0x7FFFFFFF, v12;
	v19 =	vmul.f32 v19, v22  }
0x27a: {  	v8 =	vmin.f32 v8, $0.0e+00;
	v13 =	vmul.f32 v13, v17;
	v20 =	vld [tilespmem:s16+$0x1D00];
	v27 =	vsub.f32 $0.0e+00, v27  }
0x27b: {  	v15 =	vadd.f32 $1.000000000e+00, v15;
	v18 =	vmul.f32 v18, v23;
	v19 =	vadd.f32 $2.000000030e-01, v19  }
0x27c: {  	v7 =	vsub.f32 v10, v7;
	v13 =	vadd.f32 $2.000000030e-01, v13;
	v23 =	vmul.f32 $1.442695020e+00, v27  }
0x27d: {  	v15 =	vmul.f32 v15, v25;
	v8 =	vsub.f32 v8, v18;
	v18 =	vmul.f32 v19, v22  }
0x27e: {  	s17 =	simm.s32 $0x20;
	v21 =	vsub.f32 v21, v6;
	v13 =	vmul.f32 v13, v17;
	(erf) = vpow2.f32 v23  }
0x27f: {  	v20 =	vsub.f32 v2, v20;
	v27 =	vmul.f32 v62, v59;
	v23 =	vld [tilespmem:s17+$0x1D10];
	v18 =	vadd.f32 $3.333333430e-01, v18  }
0x280: {  	v4 =	vsub.f32 v4, v15;
	v10 =	vadd.f32 $3.333333430e-01, v13;
	v25 =	vmul.f32 v37, v36  }
0x281: {  	v19 =	vmul.f32 v27, v27;
	v13 =	vmul.f32 v18, v22;
	v18 =	vand.u32 $0x7FFFFFFF, v20  }
0x282: {  	v8 =	vsub.f32 v21, v8;
	v15 =	vmul.f32 v10, v17;
	v18 =	vsub.f32 $0.0e+00, v18  }
0x283: {  	v17 =	vmul.f32 v25, v25;
	v21 =	vadd.f32 v27, v27;
	v27 =	vmul.f32 $1.111111120e-01, v19  }
0x284: {  	v15 =	vadd.f32 $1.000000000e+00, v15;
	v10 =	vsub.f32 v3, v23;
	v18 =	vmul.f32 $1.442695020e+00, v18  }
0x285: {  	v22 =	vadd.f32 $1.428571490e-01, v27;
	v23 =	vadd.f32 v24, v24;
	v24 =	vld [tilespmem:s17+$0x1D00]  }
0x286: {  	v27 =	vmul.f32 $1.111111120e-01, v17;
	(erf) = vpow2.f32 v18;
	v18 =	vand.u32 $0x7FFFFFFF, v10  }
0x287: {  	v16 =	vadd.f32 v16, v16;
	v15 =	vmul.f32 v15, v23;
	v28 =	vpop (erf);
	v18 =	vsub.f32 $0.0e+00, v18  }
0x288: {  	v11 =	vmin.f32 v11, $0.0e+00;
	v27 =	vadd.f32 $1.428571490e-01, v27;
	v23 =	vadd.f32 $2.000000000e+00, v28  }
0x289: {  	v26 =	vmul.f32 v38, v26;
	v11 =	vsub.f32 v11, v15;
	v15 =	vmul.f32 $1.442695020e+00, v18  }
0x28a: {  	v24 =	vsub.f32 v2, v24;
	v18 =	vmul.f32 v27, v17;
	(erf) = vrcp.f32 v23  }
0x28b: {  	v13 =	vadd.f32 $1.000000000e+00, v13;
	v22 =	vmul.f32 v22, v19;
	v23 =	vmul.f32 v26, v26  }
0x28c: {  	v8 =	vsub.f32 v8, v11;
	v11 =	vadd.f32 $2.000000030e-01, v18;
	v18 =	vand.u32 $0x7FFFFFFF, v24  }
0x28d: {  	(erf) = vpow2.f32 v15;
	v15 =	vmul.f32 $1.111111120e-01, v23;
	v18 =	vsub.f32 $0.0e+00, v18  }
0x28e: {  	s18 =	simm.s32 $0x40;
	v14 =	vmin.f32 v14, $0.0e+00;
	v13 =	vmul.f32 v13, v16;
	v22 =	vadd.f32 $2.000000030e-01, v22  }
0x28f: {  	v16 =	vld [tilespmem:s18+$0x1D10];
	v11 =	vmul.f32 v11, v17;
	v15 =	vadd.f32 $1.428571490e-01, v15;
	v18 =	vmul.f32 $1.442695020e+00, v18  }
0x290: {  	v4 =	vsub.f32 v7, v4;
	v5 =	vsub.f32 v5, v13;
	v22 =	vmul.f32 v22, v19;
	v7 =	vpop (erf)  }
0x291: {  	v11 =	vadd.f32 $3.333333430e-01, v11;
	v15 =	vmul.f32 v15, v23;
	v27 =	vadd.f32 $2.000000000e+00, v7  }
0x292: {  	v4 =	vsub.f32 v4, v5;
	v22 =	vadd.f32 $3.333333430e-01, v22;
	(erf) = vpow2.f32 v18  }
0x293: {  	v11 =	vmul.f32 v11, v17;
	v17 =	vadd.f32 $2.000000030e-01, v15;
	(erf) = vrcp.f32 v27;
	v18 =	vpop (erf)  }
0x294: {  	v13 =	vmul.f32 v22, v19;
	v15 =	vsub.f32 v3, v16;
	v16 =	vmul.f32 v18, v28  }
0x295: {  	v19 =	vld [tilespmem:s18+$0x1D00];
	v11 =	vadd.f32 $1.000000000e+00, v11;
	v18 =	vadd.f32 v25, v25;
	v17 =	vmul.f32 v17, v23  }
0x296: {  	v13 =	vadd.f32 $1.000000000e+00, v13;
	v25 =	vand.u32 $0x7FFFFFFF, v15;
	v28 =	vmul.f32 v16, v16  }
0x297: {  	v22 =	vpop (erf);
	v11 =	vmul.f32 v11, v18;
	v17 =	vadd.f32 $3.333333430e-01, v17;
	v18 =	vsub.f32 $0.0e+00, v25  }
0x298: {  	v13 =	vmul.f32 v13, v21;
	v27 =	vadd.f32 $2.000000000e+00, v22;
	v25 =	vmul.f32 $1.111111120e-01, v28  }
0x299: {  	v26 =	vadd.f32 v26, v26;
	v17 =	vmul.f32 v17, v23;
	v18 =	vmul.f32 $1.442695020e+00, v18  }
0x29a: {  	v19 =	vsub.f32 v2, v19;
	(erf) = vrcp.f32 v27;
	v5 =	vadd.f32 $1.428571490e-01, v25  }
0x29b: {  	v9 =	vsub.f32 v9, v13;
	v21 =	vpop (erf);
	v17 =	vadd.f32 $1.000000000e+00, v17;
	(erf) = vpow2.f32 v18  }
0x29c: {  	s17 =	simm.s32 $0x60;
	v23 =	vand.u32 $0x7FFFFFFF, v19;
	v11 =	vsub.f32 v14, v11;
	v13 =	vpop (erf);
	v5 =	vmul.f32 v5, v28  }
0x29d: {  	v18 =	vsub.f32 $0.0e+00, v23;
	v14 =	vmul.f32 v17, v26;
	v7 =	vmul.f32 v13, v7;
	v13 =	vld [tilespmem:s17+$0x1D10]  }
0x29e: {  	v6 =	vmin.f32 v29, $0.0e+00;
	v4 =	vsub.f32 v4, v9;
	v17 =	vld [tilespmem:s17+$0x1D00]  }
0x29f: {  	v9 =	vmul.f32 $1.442695020e+00, v18;
	v5 =	vadd.f32 $2.000000030e-01, v5;
	v6 =	vsub.f32 v6, v14  }
0x2a0: {  	v14 =	vadd.f32 $2.000000000e+00, v21;
	v18 =	vmul.f32 v7, v7  }
0x2a1: {  	v8 =	vsub.f32 v8, v11;
	(erf) = vpow2.f32 v9;
	v11 =	vmul.f32 v5, v28  }
0x2a2: {  	v9 =	vsub.f32 v4, v6;
	(erf) = vrcp.f32 v14;
	v4 =	vmul.f32 $1.111111120e-01, v18  }
0x2a3: {  	v12 =	vmin.f32 v12, $0.0e+00;
	v5 =	vsub.f32 v3, v13;
	v17 =	vsub.f32 v2, v17;
	v6 =	vpop (erf)  }
0x2a4: {  	v11 =	vadd.f32 $3.333333430e-01, v11;
	v4 =	vadd.f32 $1.428571490e-01, v4;
	v14 =	vmul.f32 v6, v22;
	v22 =	vpop (erf)  }
0x2a5: {  	v13 =	vand.u32 $0x7FFFFFFF, v5;
	v6 =	vmin.f32 v24, $0.0e+00;
	v24 =	vadd.f32 $2.000000000e+00, v22  }
0x2a6: {  	v11 =	vmul.f32 v11, v28;
	v13 =	vsub.f32 $0.0e+00, v13;
	v23 =	vmul.f32 v14, v14  }
0x2a7: {  	v16 =	vadd.f32 v16, v16;
	v4 =	vmul.f32 v4, v18;
	(erf) = vrcp.f32 v24  }
0x2a8: {  	v25 =	vand.u32 $0x7FFFFFFF, v17;
	v13 =	vmul.f32 $1.442695020e+00, v13;
	v26 =	vmul.f32 $1.111111120e-01, v23  }
0x2a9: {  	v10 =	vmin.f32 v10, $0.0e+00;
	v25 =	vsub.f32 $0.0e+00, v25;
	v11 =	vadd.f32 $1.000000000e+00, v11  }
0x2aa: {  	v4 =	vadd.f32 $2.000000030e-01, v4;
	v27 =	vpop (erf);
	(erf) = vpow2.f32 v13;
	v24 =	vadd.f32 $1.428571490e-01, v26  }
0x2ab: {  	s18 =	simm.s32 $0x80;
	v26 =	vadd.f32 v7, v7;
	v7 =	vmul.f32 v11, v16;
	v11 =	vmul.f32 $1.442695020e+00, v25;
	v16 =	vpop (erf)  }
0x2ac: {  	v14 =	vadd.f32 v14, v14;
	v16 =	vmul.f32 v16, v21;
	v21 =	vld [tilespmem:s18+$0x1D10];
	v13 =	vmul.f32 v24, v23  }
0x2ad: {  	v4 =	vmul.f32 v4, v18;
	v25 =	vadd.f32 $2.000000000e+00, v27;
	v12 =	vsub.f32 v12, v7  }
0x2ae: {  	(erf) = vpow2.f32 v11;
	v7 =	vmin.f32 v19, $0.0e+00;
	v24 =	vld [tilespmem:s18+$0x1D00];
	v11 =	vadd.f32 $2.000000030e-01, v13  }
0x2af: {  	v19 =	vmul.f32 v16, v16;
	(erf) = vrcp.f32 v25;
	v25 =	vadd.f32 $3.333333430e-01, v4  }
0x2b0: {  	v4 =	vmin.f32 v17, $0.0e+00;
	v12 =	vsub.f32 v8, v12;
	v11 =	vmul.f32 v11, v23  }
0x2b1: {  	v13 =	vadd.f32 v16, v16;
	v16 =	vmul.f32 $1.111111120e-01, v19;
	v8 =	vsub.f32 v3, v21;
	v17 =	vpop (erf)  }
0x2b2: {  	v18 =	vmul.f32 v25, v18;
	v25 =	vmul.f32 v17, v22;
	v11 =	vadd.f32 $3.333333430e-01, v11  }
0x2b3: {  	v16 =	vadd.f32 $1.428571490e-01, v16;
	v17 =	vsub.f32 v2, v24;
	v21 =	vand.u32 $0x7FFFFFFF, v8  }
0x2b4: {  	v22 =	vpop (erf);
	v21 =	vsub.f32 $0.0e+00, v21;
	v11 =	vmul.f32 v11, v23;
	v23 =	vmul.f32 v25, v25  }
0x2b5: {  	v30 =	vadd.f32 $1.000000000e+00, v18;
	v16 =	vmul.f32 v16, v19;
	v24 =	vadd.f32 $2.000000000e+00, v22  }
0x2b6: {  	v28 =	vand.u32 $0x7FFFFFFF, v17;
	v11 =	vadd.f32 $1.000000000e+00, v11;
	v29 =	vmul.f32 $1.111111120e-01, v23  }
0x2b7: {  	v26 =	vmul.f32 v30, v26;
	v28 =	vsub.f32 $0.0e+00, v28;
	v31 =	vpop (erf);
	(erf) = vrcp.f32 v24  }
0x2b8: {  	v18 =	vmul.f32 $1.442695020e+00, v21;
	v21 =	vpop (erf);
	v11 =	vmul.f32 v11, v14;
	v24 =	vadd.f32 $1.428571490e-01, v29  }
0x2b9: {  	s17 =	simm.s32 $0xA0;
	v16 =	vadd.f32 $2.000000030e-01, v16;
	v14 =	vmul.f32 $1.442695020e+00, v28;
	v21 =	vmul.f32 v21, v27  }
0x2ba: {  	(erf) = vpow2.f32 v18;
	v28 =	vadd.f32 $2.000000000e+00, v31;
	v27 =	vld [tilespmem:s17+$0x1D00];
	v24 =	vmul.f32 v24, v23  }
0x2bb: {  	v10 =	vsub.f32 v10, v11;
	(erf) = vpow2.f32 v14;
	v11 =	vld [tilespmem:s17+$0x1D10];
	v18 =	vmul.f32 v21, v21  }
0x2bc: {  	v20 =	vmin.f32 v20, $0.0e+00;
	v16 =	vmul.f32 v16, v19;
	(erf) = vrcp.f32 v28  }
0x2bd: {  	v24 =	vadd.f32 $2.000000030e-01, v24;
	v28 =	vsub.f32 v12, v10;
	v12 =	vmul.f32 $1.111111120e-01, v18  }
0x2be: {  	v16 =	vadd.f32 $3.333333430e-01, v16;
	v14 =	vadd.f32 v21, v21;
	v10 =	vmin.f32 v17, $0.0e+00  }
0x2bf: {  	v17 =	vsub.f32 v20, v26;
	v21 =	vmul.f32 v24, v23;
	v24 =	vadd.f32 $1.428571490e-01, v12  }
0x2c0: {  	v15 =	vmin.f32 v15, $0.0e+00;
	v20 =	vpop (erf);
	v12 =	vsub.f32 v2, v27;
	v11 =	vsub.f32 v3, v11  }
0x2c1: {  	v16 =	vmul.f32 v16, v19;
	v19 =	vmul.f32 v20, v22;
	v26 =	vadd.f32 $3.333333430e-01, v21  }
0x2c2: {  	v25 =	vadd.f32 v25, v25;
	v29 =	vand.u32 $0x7FFFFFFF, v12;
	v22 =	vand.u32 $0x7FFFFFFF, v11  }
0x2c3: {  	v21 =	vpop (erf);
	v23 =	vmul.f32 v26, v23;
	v26 =	vsub.f32 $0.0e+00, v22;
	v22 =	vmul.f32 v19, v19  }
0x2c4: {  	v20 =	vmul.f32 v24, v18;
	v29 =	vsub.f32 $0.0e+00, v29;
	v27 =	vadd.f32 $2.000000000e+00, v21  }
0x2c5: {  	v23 =	vadd.f32 $1.000000000e+00, v23;
	v26 =	vmul.f32 $1.442695020e+00, v26;
	v30 =	vmul.f32 $1.111111120e-01, v22  }
0x2c6: {  	v24 =	vadd.f32 $1.000000000e+00, v16;
	v16 =	vpop (erf);
	(erf) = vrcp.f32 v27;
	v27 =	vmul.f32 $1.442695020e+00, v29  }
0x2c7: {  	v23 =	vmul.f32 v23, v25;
	v25 =	vpop (erf);
	v29 =	vadd.f32 $1.428571490e-01, v30;
	(erf) = vpow2.f32 v26  }
0x2c8: {  	v63 =	vadd.f32 $2.000000000e+00, v16;
	v30 =	vmul.f32 v25, v31;
	(erf) = vpow2.f32 v27  }
0x2c9: {  	s18 =	simm.s32 $0xC0;
	v15 =	vsub.f32 v15, v23;
	v27 =	vmul.f32 v29, v22;
	v29 =	vadd.f32 $2.000000030e-01, v20  }
0x2ca: {  	v25 =	vld [tilespmem:s18+$0x1D10];
	(erf) = vrcp.f32 v63;
	v20 =	vmul.f32 v30, v30;
	v23 =	vadd.f32 v30, v30  }
0x2cb: {  	s16 =	simm.s32 $0x380;
	v26 =	vld [tilespmem:s18+$0x1D00];
	v15 =	vsub.f32 v28, v15;
	v28 =	vadd.f32 $2.000000030e-01, v27;
	v27 =	vmul.f32 v29, v18  }
.LBB2_16:
0x2cc: {  	p0 =	sne.s32 s16, $0xF80;
	v29 =	vmin.f32 v12, $0.0e+00;
	v12 =	vmul.f32 $1.111111120e-01, v20;
	v24 =	vmul.f32 v24, v13;
	v13 =	vmovc v14  }
0x2cd: {  	v9 =	vsub.f32 v9, v17;
	v28 =	vmul.f32 v28, v22;
	v27 =	vadd.f32 $3.333333430e-01, v27;
	v14 =	vmovc v23  }
0x2ce: {  	v23 =	vadd.f32 $1.428571490e-01, v12;
	v17 =	vsub.f32 v6, v24;
	v6 =	vmovc v7;
	v7 =	vmovc v4;
	v4 =	vmov v10  }
0x2cf: {  	v25 =	vsub.f32 v3, v25;
	v10 =	vpop (erf);
	v24 =	vadd.f32 $3.333333430e-01, v28;
	v18 =	vmul.f32 v27, v18  }
0x2d0: {  	v12 =	vsub.f32 v2, v26;
	v26 =	vmul.f32 v10, v21;
	v23 =	vmul.f32 v23, v20;
	v10 =	vmovc v29  }
0x2d1: {  	v27 =	vand.u32 $0x7FFFFFFF, v25;
	v21 =	vpop (erf);
	v28 =	vmul.f32 v24, v22;
	v24 =	vadd.f32 $1.000000000e+00, v18  }
0x2d2: {  	v35 =	vsub.f32 $0.0e+00, v27;
	v27 =	vadd.f32 $2.000000000e+00, v21;
	v29 =	vpop (erf);
	v22 =	vmul.f32 v26, v26  }
0x2d3: {  	v32 =	vadd.f32 v19, v19;
	v30 =	vand.u32 $0x7FFFFFFF, v12;
	v31 =	vpop (erf);
	v28 =	vadd.f32 $1.000000000e+00, v28  }
0x2d4: {  	v19 =	vmovc v26;
	v30 =	vsub.f32 $0.0e+00, v30;
	v18 =	vmovc v20;
	v33 =	vmul.f32 $1.442695020e+00, v35;
	v34 =	vmul.f32 $1.111111120e-01, v22  }
0x2d5: {  	v20 =	vadd.f32 $2.000000000e+00, v29;
	(erf) = vrcp.f32 v27;
	v26 =	vmul.f32 v28, v32  }
.Ltmp7:
0x2d6: {  	v27 =	vmul.f32 $1.442695020e+00, v30;
	v30 =	vmin.f32 v5, $0.0e+00;
	v5 =	vmovc v8;
	v8 =	vmovc v11;
	v28 =	vadd.f32 $1.428571490e-01, v34;
	(pc) =	sbr.rel @p0 .LBB2_16-.Ltmp7, $4  }
0x2d7: {  	v31 =	vmul.f32 v31, v16;
	v16 =	vmovc v29;
	v11 =	vmovc v25;
	(erf) = vpow2.f32 v33;
	v26 =	vsub.f32 v30, v26  }
0x2d8: {  	s17 =	sshra.s32 s16, $0x2;
	v29 =	vadd.f32 $2.000000030e-01, v23;
	(erf) = vpow2.f32 v27;
	v27 =	vmul.f32 v28, v22  }
0x2d9: {  	v25 =	vld [tilespmem:s17+$0x1D10];
	(erf) = vrcp.f32 v20;
	v20 =	vmul.f32 v31, v31;
	v15 =	vsub.f32 v15, v26  }
0x2da: {  	s16 =	sadd.s32 $0x80, s16;
	v23 =	vadd.f32 v31, v31;
	v26 =	vld [tilespmem:s17+$0x1D00];
	v28 =	vadd.f32 $2.000000030e-01, v27;
	v27 =	vmul.f32 v29, v18  }
0x2db: {  	_ =	sdelay $0x2  }
0x2dc: {  	v3 =	vsub.f32 v3, v25  }
0x2dd: {  	v2 =	vsub.f32 v2, v26  }
0x2de: {  	v47 =	vpop (erf);
	v48 =	vand.u32 $0x7FFFFFFF, v3  }
0x2df: {  	v29 =	vpop (erf);
	v26 =	vsub.f32 $0.0e+00, v48;
	v30 =	vand.u32 $0x7FFFFFFF, v2  }
0x2e0: {  	v31 =	vadd.f32 $2.000000000e+00, v29;
	v30 =	vsub.f32 $0.0e+00, v30  }
0x2e1: {  	v26 =	vmul.f32 $1.442695020e+00, v26  }
0x2e2: {  	(erf) = vrcp.f32 v31;
	v30 =	vmul.f32 $1.442695020e+00, v30  }
0x2e3: {  	(erf) = vpow2.f32 v26  }
0x2e4: {  	v21 =	vmul.f32 v47, v21;
	(erf) = vpow2.f32 v30;
	_ =	sdelay $0x1  }
0x2e5: {  	v49 =	vmul.f32 v28, v22;
	v51 =	vmul.f32 v21, v21  }
0x2e6: {  	v55 =	vmul.f32 $1.111111120e-01, v20;
	v9 =	vsub.f32 v9, v17;
	v13 =	vmul.f32 v24, v13;
	v53 =	vpop (erf)  }
0x2e7: {  	v19 =	vadd.f32 v19, v19;
	v50 =	vadd.f32 $3.333333430e-01, v49;
	v56 =	vpop (erf);
	v54 =	vmul.f32 $1.111111120e-01, v51  }
0x2e8: {  	v5 =	vmin.f32 v5, $0.0e+00;
	v27 =	vadd.f32 $3.333333430e-01, v27;
	v16 =	vmul.f32 v56, v16  }
0x2e9: {  	v6 =	vsub.f32 v6, v13;
	v52 =	vmul.f32 v50, v22;
	v57 =	vadd.f32 $1.428571490e-01, v54  }
0x2ea: {  	v18 =	vmul.f32 v27, v18;
	v59 =	vadd.f32 $2.000000000e+00, v53;
	v35 =	vmul.f32 v16, v16;
	v58 =	vpop (erf)  }
0x2eb: {  	v22 =	vadd.f32 $1.000000000e+00, v52;
	v30 =	vadd.f32 $1.428571490e-01, v55;
	v61 =	vmul.f32 v57, v51;
	v60 =	vpop (erf)  }
0x2ec: {  	(erf) = vrcp.f32 v59;
	v37 =	vmul.f32 $1.111111120e-01, v35;
	v62 =	vadd.f32 $2.000000000e+00, v60;
	v32 =	vpop (erf)  }
0x2ed: {  	v19 =	vmul.f32 v22, v19;
	v22 =	vadd.f32 $2.000000030e-01, v61;
	v63 =	vadd.f32 $2.000000000e+00, v32  }
0x2ee: {  	v30 =	vmul.f32 v30, v20;
	v39 =	vadd.f32 $1.428571490e-01, v37;
	(erf) = vrcp.f32 v62  }
0x2ef: {  	v18 =	vadd.f32 $1.000000000e+00, v18;
	v34 =	vmul.f32 v22, v51;
	(erf) = vrcp.f32 v63  }
0x2f0: {  	v6 =	vsub.f32 v9, v6;
	v33 =	vadd.f32 $2.000000030e-01, v30;
	v9 =	vmul.f32 v39, v35  }
0x2f1: {  	v8 =	vmin.f32 v8, $0.0e+00;
	v14 =	vmul.f32 v18, v14;
	v13 =	vadd.f32 $3.333333430e-01, v34  }
0x2f2: {  	v21 =	vadd.f32 v21, v21;
	v17 =	vmul.f32 v33, v20;
	v9 =	vadd.f32 $2.000000030e-01, v9  }
0x2f3: {  	v7 =	vsub.f32 v7, v14;
	v36 =	vmul.f32 v58, v29;
	v13 =	vmul.f32 v13, v51  }
0x2f4: {  	v16 =	vadd.f32 v16, v16;
	v17 =	vadd.f32 $3.333333430e-01, v17;
	v9 =	vmul.f32 v9, v35  }
0x2f5: {  	v5 =	vsub.f32 v5, v19;
	v38 =	vmul.f32 v36, v36;
	v40 =	vpop (erf);
	v13 =	vadd.f32 $1.000000000e+00, v13  }
0x2f6: {  	v17 =	vmul.f32 v17, v20;
	v42 =	vmul.f32 v40, v53;
	v9 =	vadd.f32 $3.333333430e-01, v9  }
0x2f7: {  	v6 =	vsub.f32 v6, v7;
	v41 =	vmul.f32 $1.111111120e-01, v38;
	v13 =	vmul.f32 v13, v21;
	v43 =	vpop (erf)  }
0x2f8: {  	v17 =	vadd.f32 $1.000000000e+00, v17;
	v46 =	vmul.f32 v42, v42;
	v9 =	vmul.f32 v9, v35;
	v45 =	vpop (erf)  }
0x2f9: {  	v5 =	vsub.f32 v15, v5;
	v20 =	vmul.f32 v43, v60;
	v22 =	vmul.f32 v45, v32  }
0x2fa: {  	v44 =	vadd.f32 $1.428571490e-01, v41;
	v17 =	vmul.f32 v17, v23;
	v48 =	vmul.f32 $1.111111120e-01, v46  }
0x2fb: {  	v15 =	vadd.f32 v36, v36;
	v47 =	vmul.f32 v20, v20;
	v49 =	vmul.f32 v22, v22  }
0x2fc: {  	v21 =	vmul.f32 v44, v38;
	v8 =	vsub.f32 v8, v13;
	v51 =	vadd.f32 $1.428571490e-01, v48  }
0x2fd: {  	v9 =	vadd.f32 $1.000000000e+00, v9;
	v50 =	vmul.f32 $1.111111120e-01, v47;
	v52 =	vmul.f32 $1.111111120e-01, v49  }
0x2fe: {  	v4 =	vsub.f32 v4, v17;
	v5 =	vsub.f32 v5, v8;
	v8 =	vmul.f32 v51, v46  }
0x2ff: {  	v27 =	vadd.f32 $1.428571490e-01, v50;
	v13 =	vadd.f32 $1.428571490e-01, v52  }
0x300: {  	v21 =	vadd.f32 $2.000000030e-01, v21;
	v9 =	vmul.f32 v9, v16;
	v8 =	vadd.f32 $2.000000030e-01, v8  }
0x301: {  	v4 =	vsub.f32 v6, v4;
	v53 =	vmul.f32 v27, v47;
	v13 =	vmul.f32 v13, v49  }
0x302: {  	v21 =	vmul.f32 v21, v38;
	v9 =	vsub.f32 v10, v9;
	v8 =	vmul.f32 v8, v46  }
0x303: {  	v55 =	vadd.f32 $2.000000030e-01, v53;
	v13 =	vadd.f32 $2.000000030e-01, v13  }
0x304: {  	v21 =	vadd.f32 $3.333333430e-01, v21;
	v8 =	vadd.f32 $3.333333430e-01, v8  }
0x305: {  	v14 =	vadd.f32 v42, v42;
	v56 =	vmul.f32 v55, v47;
	v13 =	vmul.f32 v13, v49  }
0x306: {  	v4 =	vsub.f32 v4, v9;
	v54 =	vmul.f32 v21, v38;
	v8 =	vmul.f32 v8, v46  }
0x307: {  	v17 =	vadd.f32 $3.333333430e-01, v56;
	v13 =	vadd.f32 $3.333333430e-01, v13  }
0x308: {  	v12 =	vmin.f32 v12, $0.0e+00;
	v7 =	vadd.f32 $1.000000000e+00, v54;
	v59 =	vadd.f32 $1.000000000e+00, v8  }
0x309: {  	v62 =	vadd.f32 v20, v20;
	v58 =	vmul.f32 v17, v47;
	v60 =	vmul.f32 v13, v49  }
0x30a: {  	v57 =	vadd.f32 v22, v22;
	v7 =	vmul.f32 v7, v15;
	v6 =	vmul.f32 v59, v14  }
0x30b: {  	v11 =	vmin.f32 v11, $0.0e+00;
	v61 =	vadd.f32 $1.000000000e+00, v58;
	v8 =	vadd.f32 $1.000000000e+00, v60  }
0x30c: {  	v7 =	vsub.f32 v11, v7;
	v6 =	vsub.f32 v12, v6  }
0x30d: {  	v3 =	vmin.f32 v3, $0.0e+00;
	v63 =	vmul.f32 v61, v62;
	v8 =	vmul.f32 v8, v57  }
0x30e: {  	v2 =	vmin.f32 v2, $0.0e+00;
	v5 =	vsub.f32 v5, v7;
	v4 =	vsub.f32 v4, v6  }
0x30f: {  	v3 =	vsub.f32 v3, v63;
	v2 =	vsub.f32 v2, v8;
	_ =	sdelay $0x1  }
0x310: {  	v3 =	vsub.f32 v5, v3;
	v2 =	vsub.f32 v4, v2;
	_ =	sdelay $0x1  }
0x311: {  	v2 =	vadd.f32 v3, v2;
	_ =	sdelay $0x1  }
0x312: {  	s15 =	sadd.s32 $0x1, s15;
	v2 =	vmul.f32 $7.629394530e-06, v2  }
0x313: {  	p0 =	sne.s32 s15, s7  }
.Ltmp8:
0x314: {  	[tilespmem:$0x2100] =	vst v2;
	(pc) =	sbr.rel @p0 .LBB2_1-.Ltmp8, $4  }
0x315: {  	[hbm4b:s6+s3] =	stream.linear.scatter [tilespmem:s14], [sflag:$0x6], $0x80, $0x38;
	[tilespmem:$0x2180] =	vst v63  }
0x316: {  	_ =	swait.ge [sflag:s10], $0x80  }
0x317: {  	[sflag:s10] =	ssyncset.done $0x0  }
0x318: {  	[sflag:s10] =	ssyncadd.s32 $0xFFFFFF80  }
0x319: {  	_ =	sfence.sel $0x180000  }
0x31a: {  	[bflag:$0x0] =	sbarrier.arrive $0xFFFF  }
0x31b: {  	_ =	strace $0x90000047  }
0x31c: {  	s0 =	stileid.u32;
	[bflag:$0x2] =	sbarrier.arrive $0xFFFF  }
0x31d: {  	p0 =	sne.s32 s0, $0x0;
	s0 =	rddreg [dreg:$0x4]  }
0x31e: {  	s0 =	sadd.s32 @!p0 $0x100000, s0  }
0x31f: {  	[sflag:s0] =	ssyncadd.tile.s32 @!p0 $0x1;
	_ =	shalt  }
.Lfunc_end2:
_tile_overlayer_lowered:
.L_overlay_start_2:
0x320: {  	(tag) =	ssettag $0x2  }
0x321: {  	s0 =	rddreg [dreg:$0x0];
	s2 =	stileid.u32  }
0x322: {  	s1 =	rddreg [dreg:$0x1];
	p0 =	sne.s32 s2, $0x0  }
0x323: {  	s3 =	rddreg [dreg:$0x2];
	[bflag:$0x3] =	sbarrier.arrive $0xFFFF;
	s2 =	simm.s32 @!p0 $0x1C06  }
0x324: {  	[timem:s3], [sflag:s2] =	dma.local @!p0 [hbm:s0], s1  }
0x325: {  	s0 =	simm.s32 @!p0 $0x6  }
0x326: {  	_ =	swait.ge @!p0 [sflag:s0], s1  }
0x327: {  	s1 =	ssub.s32 @!p0 $0x0, s1;
	[sflag:s0] =	ssyncset.done @!p0 $0x0  }
0x328: {  	[sflag:s0] =	ssyncadd.s32 @!p0 s1  }
0x329: {  	[bflag:$0x3] =	sbarrier.arrive $0xFFFF  }
0x32a: {  	_ =	shalt  }

</sc_bundles>
